<compile_context>
chip_gen: v7x
topology: tpu7x:2x2x1
jax: 0.10.2.dev20260603
libtpu: 0.0.44.dev20260713+nightly
codegen_flags: <defaults>
</compile_context>

<pallas_src>
import functools

import jax
import jax.numpy as jnp
from jax import lax
from jax.experimental import pallas as pl
from jax.experimental.pallas import tpu as pltpu
from jax.experimental.pallas import tpu_sc as plsc

B = 4096
F = 26
D = 32
NW = 32
TOTAL = B * F
ROWS_PER_W = TOTAL // NW
B_PER_W = B // NW
CHUNK = 128
NCHUNK = ROWS_PER_W // CHUNK
HALF = NCHUNK // 2
PAIR_COLS = 2 * F * D
EMB_OUT_ROWS = TOTAL * D // PAIR_COLS
ROWS_OUT_PER_PASS = HALF * CHUNK * D // PAIR_COLS


def _gather_body(x_hbm, emb_hbm, lin_hbm, emb_out, wide_out,
                 idx_v, rows_v, lin_v, wide_v, sem_e, sem_l):
    wid = lax.axis_index("s") * 2 + lax.axis_index("c")
    pltpu.sync_copy(x_hbm.at[wid], idx_v)
    cps_l = []
    for j in range(NCHUNK):
        cps_l.append(pltpu.async_copy(
            lin_hbm.at[idx_v.at[j]], lin_v.at[pl.ds(j * CHUNK, CHUNK)], sem_l))
    for p in range(2):
        cps_e = []
        for j in range(HALF):
            cps_e.append(pltpu.async_copy(
                emb_hbm.at[idx_v.at[p * HALF + j]], rows_v.at[j], sem_e))
        for cp in cps_e:
            cp.wait()
        pltpu.sync_copy(rows_v, emb_out.at[pl.ds(wid * NCHUNK + p * HALF, HALF)])
    for cp in cps_l:
        cp.wait()
    lane = lax.broadcasted_iota(jnp.int32, (16,), 0)
    for g in range(B_PER_W // 16):
        row0 = (g * 16 + lane) * F
        acc = jnp.zeros((16,), jnp.float32)
        for j in range(F):
            acc = acc + plsc.load_gather(lin_v, [row0 + j])
        wide_v[pl.ds(g * 16, 16)] = acc
    pltpu.sync_copy(wide_v, wide_out.at[pl.ds(wid * B_PER_W, B_PER_W)])


@jax.jit
def _sc_gather(x3d, emb_table, lin_table):
    mesh = plsc.VectorSubcoreMesh(core_axis_name="c", subcore_axis_name="s")
    call = functools.partial(
        pl.kernel,
        out_type=(
            jax.ShapeDtypeStruct((NW * NCHUNK, CHUNK, D), jnp.float32),
            jax.ShapeDtypeStruct((B,), jnp.float32),
        ),
        mesh=mesh,
        scratch_types=[
            pltpu.VMEM((NCHUNK, CHUNK), jnp.int32),
            pltpu.VMEM((HALF, CHUNK, D), jnp.float32),
            pltpu.VMEM((ROWS_PER_W,), jnp.float32),
            pltpu.VMEM((B_PER_W,), jnp.float32),
            pltpu.SemaphoreType.DMA,
            pltpu.SemaphoreType.DMA,
        ],
        compiler_params=pltpu.CompilerParams(
            use_tc_tiling_on_sc=False, needs_layout_passes=False),
    )(_gather_body)
    return call(x3d, emb_table, lin_table)


BR = 256


def _mlp_body(g_ref, wide_ref, bias_ref, w1, b1, w2, b2, w3, b3, w4, b4, w5, b5,
              out_ref):
    h = g_ref[...]
    h = jnp.maximum(jnp.dot(h, w1[...], preferred_element_type=jnp.float32)
                    + b1[...][None, :], 0.0)
    h = jnp.maximum(jnp.dot(h, w2[...], preferred_element_type=jnp.float32)
                    + b2[...][None, :], 0.0)
    h = jnp.maximum(jnp.dot(h, w3[...], preferred_element_type=jnp.float32)
                    + b3[...][None, :], 0.0)
    h = jnp.maximum(jnp.dot(h, w4[...], preferred_element_type=jnp.float32)
                    + b4[...][None, :], 0.0)
    deep = jnp.dot(h, w5[...], preferred_element_type=jnp.float32) + b5[...][None, :]
    out_ref[...] = jax.nn.sigmoid(bias_ref[...][None, :] + wide_ref[...] + deep)


def _paired(W):
    z = jnp.zeros_like(W)
    return jnp.concatenate(
        [jnp.concatenate([W, z], axis=1), jnp.concatenate([z, W], axis=1)], axis=0)


@jax.jit
def _tc_mlp(g2, wide2, bias, W1, b1, W2, b2, W3, b3, W4, b4, W5, b5):
    W1x, W2x, W3x, W4x, W5x = map(_paired, (W1, W2, W3, W4, W5))
    b1x, b2x, b3x, b4x, b5x = (jnp.concatenate([b, b]) for b in (b1, b2, b3, b4, b5))
    full = lambda shape: pl.BlockSpec(shape, lambda i: (0,) * len(shape))
    out2 = pl.pallas_call(
        _mlp_body,
        grid=(EMB_OUT_ROWS // BR,),
        in_specs=[
            pl.BlockSpec((BR, PAIR_COLS), lambda i: (i, 0)),
            pl.BlockSpec((BR, 2), lambda i: (i, 0)),
            full((1,)),
            full(W1x.shape), full(b1x.shape),
            full(W2x.shape), full(b2x.shape),
            full(W3x.shape), full(b3x.shape),
            full(W4x.shape), full(b4x.shape),
            full(W5x.shape), full(b5x.shape),
        ],
        out_specs=pl.BlockSpec((BR, 2), lambda i: (i, 0)),
        out_shape=jax.ShapeDtypeStruct((EMB_OUT_ROWS, 2), jnp.float32),
        compiler_params=pltpu.CompilerParams(
            dimension_semantics=("arbitrary",),
        ),
    )(g2, wide2, bias, W1x, b1x, W2x, b2x, W3x, b3x, W4x, b4x, W5x, b5x)
    return out2.reshape(B, 1)


def kernel(x, emb_table, lin_table, bias, W1, b1, W2, b2, W3, b3, W4, b4, W5, b5):
    x3d = x.reshape(NW, NCHUNK, CHUNK).astype(jnp.int32)
    g3, wide = _sc_gather(x3d, emb_table, lin_table.reshape(lin_table.shape[0]))
    g2 = g3.reshape(EMB_OUT_ROWS, PAIR_COLS)
    wide2 = wide.reshape(B // 2, 2)
    return _tc_mlp(g2, wide2, bias, W1, b1, W2, b2, W3, b3, W4, b4, W5, b5)

# --- scband reference (transcript-rebuilt; emitter-appended) ---
"""Pipeline reference for scband-wide-and-deep-41455024341614 (READ-ONLY COPY).

The authoritative reference and input builder live on the scoring server;
editing this copy changes nothing except your own understanding.
"""

import jax, jax.numpy as jnp
import numpy as np

FEATURE_NUMS = 1000000
FIELD_NUMS = 26
LATENT_DIMS = 32
OUTPUT_DIM = 1
BATCH = 4096


def setup_inputs(seed: int = 0) -> dict:
    key = jax.random.key(seed)
    ks = jax.random.split(key, 16)
    x = jax.random.randint(ks[0], (BATCH, FIELD_NUMS), 0, FEATURE_NUMS, dtype=jnp.int64 if jax.config.jax_enable_x64 else jnp.int32)
    # embedding tables
    emb_table = jax.random.normal(ks[1], (FEATURE_NUMS, LATENT_DIMS), dtype=jnp.float32) * 0.01
    lin_table = jax.random.normal(ks[2], (FEATURE_NUMS, OUTPUT_DIM), dtype=jnp.float32) * 0.01
    bias = jnp.zeros((OUTPUT_DIM,), dtype=jnp.float32)
    # MLP: 832 -> 512 -> 256 -> 128 -> 64 -> 1
    dims = [FIELD_NUMS * LATENT_DIMS, 512, 256, 128, 64, 1]
    params = {}
    for i in range(5):
        fan_in, fan_out = dims[i], dims[i + 1]
        bound = float(np.sqrt(1.0 / fan_in))
        params[f"W{i+1}"] = jax.random.uniform(ks[3 + i], (fan_in, fan_out), minval=-bound, maxval=bound, dtype=jnp.float32)
        params[f"b{i+1}"] = jax.random.uniform(ks[8 + i], (fan_out,), minval=-bound, maxval=bound, dtype=jnp.float32)
    out = {"x": x, "emb_table": emb_table, "lin_table": lin_table, "bias": bias}
    out.update(params)
    return out


def reference(x, emb_table, lin_table, bias, W1, b1, W2, b2, W3, b3, W4, b4, W5, b5):
    # wide part: sum of per-feature linear embeddings
    lin = jnp.take(lin_table, x, axis=0)  # [B, F, 1]
    wide = jnp.sum(lin, axis=1)  # [B, 1]
    # deep part
    emb = jnp.take(emb_table, x, axis=0)  # [B, F, D]
    h = emb.reshape(-1, FIELD_NUMS * LATENT_DIMS)
    h = jax.nn.relu(h @ W1 + b1)  # dropout in eval mode = identity
    h = jax.nn.relu(h @ W2 + b2)
    h = jax.nn.relu(h @ W3 + b3)
    h = jax.nn.relu(h @ W4 + b4)
    deep = h @ W5 + b5  # [B, 1]
    out = bias + wide + deep
    return jax.nn.sigmoid(out)

if __name__ == "__main__":
    import jax
    _d = setup_inputs()
    print(jax.jit(kernel)(*tuple(_d.values())))

</pallas_src>

<mosaic_0001>
#map = affine_map<(d0, d1) -> (0, 0, 0)>
#map1 = affine_map<(d0, d1) -> (0, 0)>
#map2 = affine_map<(d0, d1) -> (0)>
module attributes {stable_mosaic.version = 14 : i64} {
  func.func @_gather_body(%arg0: i32, %arg1: i32, %arg2: memref<32x26x128xi32, #tpu.memory_space<hbm>>, %arg3: memref<1000000x32xf32, #tpu.memory_space<hbm>>, %arg4: memref<1000000xf32, #tpu.memory_space<hbm>>, %arg5: memref<832x128x32xf32, #tpu.memory_space<hbm>>, %arg6: memref<4096xf32, #tpu.memory_space<hbm>>, %arg7: memref<26x128xi32, #tpu.memory_space<vmem>>, %arg8: memref<13x128x32xf32, #tpu.memory_space<vmem>>, %arg9: memref<3328xf32, #tpu.memory_space<vmem>>, %arg10: memref<128xf32, #tpu.memory_space<vmem>>, %arg11: memref<!tpu.dma_semaphore, #tpu.memory_space<semaphore_mem>>, %arg12: memref<!tpu.dma_semaphore, #tpu.memory_space<semaphore_mem>>) attributes {dimension_semantics = [#tpu.dimension_semantics<core_parallel>, #tpu.dimension_semantics<subcore_parallel>], iteration_bounds = array<i64: 2, 16>, scalar_prefetch = 0 : i64, scratch_operands = 6 : i64, tpu.core_type = #tpu.core_type<sc_vector_subcore>, window_params = [{transform_indices = #map}, {transform_indices = #map1}, {transform_indices = #map2}, {transform_indices = #map}, {transform_indices = #map2}]} {
    %mul3A = arith.constant 2 : i32
    %mul3A_0 = arith.muli %arg1, %mul3A : i32
    %add3A = arith.addi %mul3A_0, %arg0 : i32
    "tpu.region"() ({
      %run_scoped3A = tpu.sem_alloc : memref<!tpu.dma_semaphore, #tpu.memory_space<semaphore_mem>>
      %dma_start3A_2166 = arith.constant 0 : i32
      %dma_start3A_2167 = arith.constant 0 : i32
      %dma_start3A_2168 = tpu.memref_slice %arg2[%add3A, %dma_start3A_2166, %dma_start3A_2167] : memref<32x26x128xi32, #tpu.memory_space<hbm>> -> memref<1x26x128xi32, #tpu.memory_space<hbm>>
      %dma_start3A_2169 = tpu.memref_squeeze %dma_start3A_2168 : memref<1x26x128xi32, #tpu.memory_space<hbm>> -> memref<26x128xi32, #tpu.memory_space<hbm>>
      %dma_start3A_2170 = arith.constant 0 : i32
      %dma_start3A_2171 = arith.constant 0 : i32
      %dma_start3A_2172 = tpu.memref_slice %arg2[%add3A, %dma_start3A_2170, %dma_start3A_2171] : memref<32x26x128xi32, #tpu.memory_space<hbm>> -> memref<1x26x128xi32, #tpu.memory_space<hbm>>
      %dma_start3A_2173 = tpu.memref_squeeze %dma_start3A_2172 : memref<1x26x128xi32, #tpu.memory_space<hbm>> -> memref<26x128xi32, #tpu.memory_space<hbm>>
      tpu.enqueue_dma source(%dma_start3A_2173 : memref<26x128xi32, #tpu.memory_space<hbm>>) target(%arg7 : memref<26x128xi32, #tpu.memory_space<vmem>>) target_semaphore(%run_scoped3A : memref<!tpu.dma_semaphore, #tpu.memory_space<semaphore_mem>>)
      %dma_wait3A_2174 = arith.constant 0 : i32
      %dma_wait3A_2175 = arith.constant 0 : i32
      %dma_wait3A_2176 = tpu.memref_slice %arg2[%add3A, %dma_wait3A_2174, %dma_wait3A_2175] : memref<32x26x128xi32, #tpu.memory_space<hbm>> -> memref<1x26x128xi32, #tpu.memory_space<hbm>>
      %dma_wait3A_2177 = tpu.memref_squeeze %dma_wait3A_2176 : memref<1x26x128xi32, #tpu.memory_space<hbm>> -> memref<26x128xi32, #tpu.memory_space<hbm>>
      %dma_wait3A_2178 = arith.constant 0 : i32
      %dma_wait3A_2179 = arith.constant 0 : i32
      %dma_wait3A_2180 = tpu.memref_slice %arg2[%add3A, %dma_wait3A_2178, %dma_wait3A_2179] : memref<32x26x128xi32, #tpu.memory_space<hbm>> -> memref<1x26x128xi32, #tpu.memory_space<hbm>>
      %dma_wait3A_2181 = tpu.memref_squeeze %dma_wait3A_2180 : memref<1x26x128xi32, #tpu.memory_space<hbm>> -> memref<26x128xi32, #tpu.memory_space<hbm>>
      tpu.wait_dma2 semaphore(%run_scoped3A : memref<!tpu.dma_semaphore, #tpu.memory_space<semaphore_mem>>) src(%dma_wait3A_2181 : memref<26x128xi32, #tpu.memory_space<hbm>>) dst(%arg7 : memref<26x128xi32, #tpu.memory_space<vmem>>)
      tpu.yield
    }) : () -> ()
    %dma_start3A = arith.constant 0 : i32
    %dma_start3A_1 = arith.constant 0 : i32
    %dma_start3A_2 = tpu.memref_slice %arg9[%dma_start3A_1] : memref<3328xf32, #tpu.memory_space<vmem>> -> memref<128xf32, #tpu.memory_space<vmem>>
    %dma_start3A_3 = arith.constant 0 : i32
    %dma_start3A_4 = tpu.memref_slice %arg7[%dma_start3A, %dma_start3A_3] : memref<26x128xi32, #tpu.memory_space<vmem>> -> memref<1x128xi32, #tpu.memory_space<vmem>>
    %dma_start3A_5 = tpu.memref_squeeze %dma_start3A_4 : memref<1x128xi32, #tpu.memory_space<vmem>> -> memref<128xi32, #tpu.memory_space<vmem>>
    %dma_start3A_6 = arith.constant 0 : i32
    %dma_start3A_7 = tpu.memref_slice %arg4[%dma_start3A_6] : memref<1000000xf32, #tpu.memory_space<hbm>> -> memref<1000000xf32, #tpu.memory_space<hbm>>
    tpu.enqueue_indirect_dma source(%dma_start3A_7 : memref<1000000xf32, #tpu.memory_space<hbm>>) target(%dma_start3A_2 : memref<128xf32, #tpu.memory_space<vmem>>) offsets(%dma_start3A_5 : memref<128xi32, #tpu.memory_space<vmem>>) semaphore(%arg12 : memref<!tpu.dma_semaphore, #tpu.memory_space<semaphore_mem>>)
    %dma_start3A_8 = arith.constant 1 : i32
    %dma_start3A_9 = arith.constant 128 : i32
    %dma_start3A_10 = tpu.memref_slice %arg9[%dma_start3A_9] : memref<3328xf32, #tpu.memory_space<vmem>> -> memref<128xf32, #tpu.memory_space<vmem>>
    %dma_start3A_11 = arith.constant 0 : i32
    %dma_start3A_12 = tpu.memref_slice %arg7[%dma_start3A_8, %dma_start3A_11] : memref<26x128xi32, #tpu.memory_space<vmem>> -> memref<1x128xi32, #tpu.memory_space<vmem>>
    %dma_start3A_13 = tpu.memref_squeeze %dma_start3A_12 : memref<1x128xi32, #tpu.memory_space<vmem>> -> memref<128xi32, #tpu.memory_space<vmem>>
    %dma_start3A_14 = arith.constant 0 : i32
    %dma_start3A_15 = tpu.memref_slice %arg4[%dma_start3A_14] : memref<1000000xf32, #tpu.memory_space<hbm>> -> memref<1000000xf32, #tpu.memory_space<hbm>>
    tpu.enqueue_indirect_dma source(%dma_start3A_15 : memref<1000000xf32, #tpu.memory_space<hbm>>) target(%dma_start3A_10 : memref<128xf32, #tpu.memory_space<vmem>>) offsets(%dma_start3A_13 : memref<128xi32, #tpu.memory_space<vmem>>) semaphore(%arg12 : memref<!tpu.dma_semaphore, #tpu.memory_space<semaphore_mem>>)
    %dma_start3A_16 = arith.constant 2 : i32
    %dma_start3A_17 = arith.constant 256 : i32
    %dma_start3A_18 = tpu.memref_slice %arg9[%dma_start3A_17] : memref<3328xf32, #tpu.memory_space<vmem>> -> memref<128xf32, #tpu.memory_space<vmem>>
    %dma_start3A_19 = arith.constant 0 : i32
    %dma_start3A_20 = tpu.memref_slice %arg7[%dma_start3A_16, %dma_start3A_19] : memref<26x128xi32, #tpu.memory_space<vmem>> -> memref<1x128xi32, #tpu.memory_space<vmem>>
    %dma_start3A_21 = tpu.memref_squeeze %dma_start3A_20 : memref<1x128xi32, #tpu.memory_space<vmem>> -> memref<128xi32, #tpu.memory_space<vmem>>
    %dma_start3A_22 = arith.constant 0 : i32
    %dma_start3A_23 = tpu.memref_slice %arg4[%dma_start3A_22] : memref<1000000xf32, #tpu.memory_space<hbm>> -> memref<1000000xf32, #tpu.memory_space<hbm>>
    tpu.enqueue_indirect_dma source(%dma_start3A_23 : memref<1000000xf32, #tpu.memory_space<hbm>>) target(%dma_start3A_18 : memref<128xf32, #tpu.memory_space<vmem>>) offsets(%dma_start3A_21 : memref<128xi32, #tpu.memory_space<vmem>>) semaphore(%arg12 : memref<!tpu.dma_semaphore, #tpu.memory_space<semaphore_mem>>)
    %dma_start3A_24 = arith.constant 3 : i32
    %dma_start3A_25 = arith.constant 384 : i32
    %dma_start3A_26 = tpu.memref_slice %arg9[%dma_start3A_25] : memref<3328xf32, #tpu.memory_space<vmem>> -> memref<128xf32, #tpu.memory_space<vmem>>
    %dma_start3A_27 = arith.constant 0 : i32
    %dma_start3A_28 = tpu.memref_slice %arg7[%dma_start3A_24, %dma_start3A_27] : memref<26x128xi32, #tpu.memory_space<vmem>> -> memref<1x128xi32, #tpu.memory_space<vmem>>
    %dma_start3A_29 = tpu.memref_squeeze %dma_start3A_28 : memref<1x128xi32, #tpu.memory_space<vmem>> -> memref<128xi32, #tpu.memory_space<vmem>>
    %dma_start3A_30 = arith.constant 0 : i32
    %dma_start3A_31 = tpu.memref_slice %arg4[%dma_start3A_30] : memref<1000000xf32, #tpu.memory_space<hbm>> -> memref<1000000xf32, #tpu.memory_space<hbm>>
    tpu.enqueue_indirect_dma source(%dma_start3A_31 : memref<1000000xf32, #tpu.memory_space<hbm>>) target(%dma_start3A_26 : memref<128xf32, #tpu.memory_space<vmem>>) offsets(%dma_start3A_29 : memref<128xi32, #tpu.memory_space<vmem>>) semaphore(%arg12 : memref<!tpu.dma_semaphore, #tpu.memory_space<semaphore_mem>>)
    %dma_start3A_32 = arith.constant 4 : i32
    %dma_start3A_33 = arith.constant 512 : i32
    %dma_start3A_34 = tpu.memref_slice %arg9[%dma_start3A_33] : memref<3328xf32, #tpu.memory_space<vmem>> -> memref<128xf32, #tpu.memory_space<vmem>>
    %dma_start3A_35 = arith.constant 0 : i32
    %dma_start3A_36 = tpu.memref_slice %arg7[%dma_start3A_32, %dma_start3A_35] : memref<26x128xi32, #tpu.memory_space<vmem>> -> memref<1x128xi32, #tpu.memory_space<vmem>>
    %dma_start3A_37 = tpu.memref_squeeze %dma_start3A_36 : memref<1x128xi32, #tpu.memory_space<vmem>> -> memref<128xi32, #tpu.memory_space<vmem>>
    %dma_start3A_38 = arith.constant 0 : i32
    %dma_start3A_39 = tpu.memref_slice %arg4[%dma_start3A_38] : memref<1000000xf32, #tpu.memory_space<hbm>> -> memref<1000000xf32, #tpu.memory_space<hbm>>
    tpu.enqueue_indirect_dma source(%dma_start3A_39 : memref<1000000xf32, #tpu.memory_space<hbm>>) target(%dma_start3A_34 : memref<128xf32, #tpu.memory_space<vmem>>) offsets(%dma_start3A_37 : memref<128xi32, #tpu.memory_space<vmem>>) semaphore(%arg12 : memref<!tpu.dma_semaphore, #tpu.memory_space<semaphore_mem>>)
    %dma_start3A_40 = arith.constant 5 : i32
    %dma_start3A_41 = arith.constant 640 : i32
    %dma_start3A_42 = tpu.memref_slice %arg9[%dma_start3A_41] : memref<3328xf32, #tpu.memory_space<vmem>> -> memref<128xf32, #tpu.memory_space<vmem>>
    %dma_start3A_43 = arith.constant 0 : i32
    %dma_start3A_44 = tpu.memref_slice %arg7[%dma_start3A_40, %dma_start3A_43] : memref<26x128xi32, #tpu.memory_space<vmem>> -> memref<1x128xi32, #tpu.memory_space<vmem>>
    %dma_start3A_45 = tpu.memref_squeeze %dma_start3A_44 : memref<1x128xi32, #tpu.memory_space<vmem>> -> memref<128xi32, #tpu.memory_space<vmem>>
    %dma_start3A_46 = arith.constant 0 : i32
    %dma_start3A_47 = tpu.memref_slice %arg4[%dma_start3A_46] : memref<1000000xf32, #tpu.memory_space<hbm>> -> memref<1000000xf32, #tpu.memory_space<hbm>>
    tpu.enqueue_indirect_dma source(%dma_start3A_47 : memref<1000000xf32, #tpu.memory_space<hbm>>) target(%dma_start3A_42 : memref<128xf32, #tpu.memory_space<vmem>>) offsets(%dma_start3A_45 : memref<128xi32, #tpu.memory_space<vmem>>) semaphore(%arg12 : memref<!tpu.dma_semaphore, #tpu.memory_space<semaphore_mem>>)
    %dma_start3A_48 = arith.constant 6 : i32
    %dma_start3A_49 = arith.constant 768 : i32
    %dma_start3A_50 = tpu.memref_slice %arg9[%dma_start3A_49] : memref<3328xf32, #tpu.memory_space<vmem>> -> memref<128xf32, #tpu.memory_space<vmem>>
    %dma_start3A_51 = arith.constant 0 : i32
    %dma_start3A_52 = tpu.memref_slice %arg7[%dma_start3A_48, %dma_start3A_51] : memref<26x128xi32, #tpu.memory_space<vmem>> -> memref<1x128xi32, #tpu.memory_space<vmem>>
    %dma_start3A_53 = tpu.memref_squeeze %dma_start3A_52 : memref<1x128xi32, #tpu.memory_space<vmem>> -> memref<128xi32, #tpu.memory_space<vmem>>
    %dma_start3A_54 = arith.constant 0 : i32
    %dma_start3A_55 = tpu.memref_slice %arg4[%dma_start3A_54] : memref<1000000xf32, #tpu.memory_space<hbm>> -> memref<1000000xf32, #tpu.memory_space<hbm>>
    tpu.enqueue_indirect_dma source(%dma_start3A_55 : memref<1000000xf32, #tpu.memory_space<hbm>>) target(%dma_start3A_50 : memref<128xf32, #tpu.memory_space<vmem>>) offsets(%dma_start3A_53 : memref<128xi32, #tpu.memory_space<vmem>>) semaphore(%arg12 : memref<!tpu.dma_semaphore, #tpu.memory_space<semaphore_mem>>)
    %dma_start3A_56 = arith.constant 7 : i32
    %dma_start3A_57 = arith.constant 896 : i32
    %dma_start3A_58 = tpu.memref_slice %arg9[%dma_start3A_57] : memref<3328xf32, #tpu.memory_space<vmem>> -> memref<128xf32, #tpu.memory_space<vmem>>
    %dma_start3A_59 = arith.constant 0 : i32
    %dma_start3A_60 = tpu.memref_slice %arg7[%dma_start3A_56, %dma_start3A_59] : memref<26x128xi32, #tpu.memory_space<vmem>> -> memref<1x128xi32, #tpu.memory_space<vmem>>
    %dma_start3A_61 = tpu.memref_squeeze %dma_start3A_60 : memref<1x128xi32, #tpu.memory_space<vmem>> -> memref<128xi32, #tpu.memory_space<vmem>>
    %dma_start3A_62 = arith.constant 0 : i32
    %dma_start3A_63 = tpu.memref_slice %arg4[%dma_start3A_62] : memref<1000000xf32, #tpu.memory_space<hbm>> -> memref<1000000xf32, #tpu.memory_space<hbm>>
    tpu.enqueue_indirect_dma source(%dma_start3A_63 : memref<1000000xf32, #tpu.memory_space<hbm>>) target(%dma_start3A_58 : memref<128xf32, #tpu.memory_space<vmem>>) offsets(%dma_start3A_61 : memref<128xi32, #tpu.memory_space<vmem>>) semaphore(%arg12 : memref<!tpu.dma_semaphore, #tpu.memory_space<semaphore_mem>>)
    %dma_start3A_64 = arith.constant 8 : i32
    %dma_start3A_65 = arith.constant 1024 : i32
    %dma_start3A_66 = tpu.memref_slice %arg9[%dma_start3A_65] : memref<3328xf32, #tpu.memory_space<vmem>> -> memref<128xf32, #tpu.memory_space<vmem>>
    %dma_start3A_67 = arith.constant 0 : i32
    %dma_start3A_68 = tpu.memref_slice %arg7[%dma_start3A_64, %dma_start3A_67] : memref<26x128xi32, #tpu.memory_space<vmem>> -> memref<1x128xi32, #tpu.memory_space<vmem>>
    %dma_start3A_69 = tpu.memref_squeeze %dma_start3A_68 : memref<1x128xi32, #tpu.memory_space<vmem>> -> memref<128xi32, #tpu.memory_space<vmem>>
    %dma_start3A_70 = arith.constant 0 : i32
    %dma_start3A_71 = tpu.memref_slice %arg4[%dma_start3A_70] : memref<1000000xf32, #tpu.memory_space<hbm>> -> memref<1000000xf32, #tpu.memory_space<hbm>>
    tpu.enqueue_indirect_dma source(%dma_start3A_71 : memref<1000000xf32, #tpu.memory_space<hbm>>) target(%dma_start3A_66 : memref<128xf32, #tpu.memory_space<vmem>>) offsets(%dma_start3A_69 : memref<128xi32, #tpu.memory_space<vmem>>) semaphore(%arg12 : memref<!tpu.dma_semaphore, #tpu.memory_space<semaphore_mem>>)
    %dma_start3A_72 = arith.constant 9 : i32
    %dma_start3A_73 = arith.constant 1152 : i32
    %dma_start3A_74 = tpu.memref_slice %arg9[%dma_start3A_73] : memref<3328xf32, #tpu.memory_space<vmem>> -> memref<128xf32, #tpu.memory_space<vmem>>
    %dma_start3A_75 = arith.constant 0 : i32
    %dma_start3A_76 = tpu.memref_slice %arg7[%dma_start3A_72, %dma_start3A_75] : memref<26x128xi32, #tpu.memory_space<vmem>> -> memref<1x128xi32, #tpu.memory_space<vmem>>
    %dma_start3A_77 = tpu.memref_squeeze %dma_start3A_76 : memref<1x128xi32, #tpu.memory_space<vmem>> -> memref<128xi32, #tpu.memory_space<vmem>>
    %dma_start3A_78 = arith.constant 0 : i32
    %dma_start3A_79 = tpu.memref_slice %arg4[%dma_start3A_78] : memref<1000000xf32, #tpu.memory_space<hbm>> -> memref<1000000xf32, #tpu.memory_space<hbm>>
    tpu.enqueue_indirect_dma source(%dma_start3A_79 : memref<1000000xf32, #tpu.memory_space<hbm>>) target(%dma_start3A_74 : memref<128xf32, #tpu.memory_space<vmem>>) offsets(%dma_start3A_77 : memref<128xi32, #tpu.memory_space<vmem>>) semaphore(%arg12 : memref<!tpu.dma_semaphore, #tpu.memory_space<semaphore_mem>>)
    %dma_start3A_80 = arith.constant 10 : i32
    %dma_start3A_81 = arith.constant 1280 : i32
    %dma_start3A_82 = tpu.memref_slice %arg9[%dma_start3A_81] : memref<3328xf32, #tpu.memory_space<vmem>> -> memref<128xf32, #tpu.memory_space<vmem>>
    %dma_start3A_83 = arith.constant 0 : i32
    %dma_start3A_84 = tpu.memref_slice %arg7[%dma_start3A_80, %dma_start3A_83] : memref<26x128xi32, #tpu.memory_space<vmem>> -> memref<1x128xi32, #tpu.memory_space<vmem>>
    %dma_start3A_85 = tpu.memref_squeeze %dma_start3A_84 : memref<1x128xi32, #tpu.memory_space<vmem>> -> memref<128xi32, #tpu.memory_space<vmem>>
    %dma_start3A_86 = arith.constant 0 : i32
    %dma_start3A_87 = tpu.memref_slice %arg4[%dma_start3A_86] : memref<1000000xf32, #tpu.memory_space<hbm>> -> memref<1000000xf32, #tpu.memory_space<hbm>>
    tpu.enqueue_indirect_dma source(%dma_start3A_87 : memref<1000000xf32, #tpu.memory_space<hbm>>) target(%dma_start3A_82 : memref<128xf32, #tpu.memory_space<vmem>>) offsets(%dma_start3A_85 : memref<128xi32, #tpu.memory_space<vmem>>) semaphore(%arg12 : memref<!tpu.dma_semaphore, #tpu.memory_space<semaphore_mem>>)
    %dma_start3A_88 = arith.constant 11 : i32
    %dma_start3A_89 = arith.constant 1408 : i32
    %dma_start3A_90 = tpu.memref_slice %arg9[%dma_start3A_89] : memref<3328xf32, #tpu.memory_space<vmem>> -> memref<128xf32, #tpu.memory_space<vmem>>
    %dma_start3A_91 = arith.constant 0 : i32
    %dma_start3A_92 = tpu.memref_slice %arg7[%dma_start3A_88, %dma_start3A_91] : memref<26x128xi32, #tpu.memory_space<vmem>> -> memref<1x128xi32, #tpu.memory_space<vmem>>
    %dma_start3A_93 = tpu.memref_squeeze %dma_start3A_92 : memref<1x128xi32, #tpu.memory_space<vmem>> -> memref<128xi32, #tpu.memory_space<vmem>>
    %dma_start3A_94 = arith.constant 0 : i32
    %dma_start3A_95 = tpu.memref_slice %arg4[%dma_start3A_94] : memref<1000000xf32, #tpu.memory_space<hbm>> -> memref<1000000xf32, #tpu.memory_space<hbm>>
    tpu.enqueue_indirect_dma source(%dma_start3A_95 : memref<1000000xf32, #tpu.memory_space<hbm>>) target(%dma_start3A_90 : memref<128xf32, #tpu.memory_space<vmem>>) offsets(%dma_start3A_93 : memref<128xi32, #tpu.memory_space<vmem>>) semaphore(%arg12 : memref<!tpu.dma_semaphore, #tpu.memory_space<semaphore_mem>>)
    %dma_start3A_96 = arith.constant 12 : i32
    %dma_start3A_97 = arith.constant 1536 : i32
    %dma_start3A_98 = tpu.memref_slice %arg9[%dma_start3A_97] : memref<3328xf32, #tpu.memory_space<vmem>> -> memref<128xf32, #tpu.memory_space<vmem>>
    %dma_start3A_99 = arith.constant 0 : i32
    %dma_start3A_100 = tpu.memref_slice %arg7[%dma_start3A_96, %dma_start3A_99] : memref<26x128xi32, #tpu.memory_space<vmem>> -> memref<1x128xi32, #tpu.memory_space<vmem>>
    %dma_start3A_101 = tpu.memref_squeeze %dma_start3A_100 : memref<1x128xi32, #tpu.memory_space<vmem>> -> memref<128xi32, #tpu.memory_space<vmem>>
    %dma_start3A_102 = arith.constant 0 : i32
    %dma_start3A_103 = tpu.memref_slice %arg4[%dma_start3A_102] : memref<1000000xf32, #tpu.memory_space<hbm>> -> memref<1000000xf32, #tpu.memory_space<hbm>>
    tpu.enqueue_indirect_dma source(%dma_start3A_103 : memref<1000000xf32, #tpu.memory_space<hbm>>) target(%dma_start3A_98 : memref<128xf32, #tpu.memory_space<vmem>>) offsets(%dma_start3A_101 : memref<128xi32, #tpu.memory_space<vmem>>) semaphore(%arg12 : memref<!tpu.dma_semaphore, #tpu.memory_space<semaphore_mem>>)
    %dma_start3A_104 = arith.constant 13 : i32
    %dma_start3A_105 = arith.constant 1664 : i32
    %dma_start3A_106 = tpu.memref_slice %arg9[%dma_start3A_105] : memref<3328xf32, #tpu.memory_space<vmem>> -> memref<128xf32, #tpu.memory_space<vmem>>
    %dma_start3A_107 = arith.constant 0 : i32
    %dma_start3A_108 = tpu.memref_slice %arg7[%dma_start3A_104, %dma_start3A_107] : memref<26x128xi32, #tpu.memory_space<vmem>> -> memref<1x128xi32, #tpu.memory_space<vmem>>
    %dma_start3A_109 = tpu.memref_squeeze %dma_start3A_108 : memref<1x128xi32, #tpu.memory_space<vmem>> -> memref<128xi32, #tpu.memory_space<vmem>>
    %dma_start3A_110 = arith.constant 0 : i32
    %dma_start3A_111 = tpu.memref_slice %arg4[%dma_start3A_110] : memref<1000000xf32, #tpu.memory_space<hbm>> -> memref<1000000xf32, #tpu.memory_space<hbm>>
    tpu.enqueue_indirect_dma source(%dma_start3A_111 : memref<1000000xf32, #tpu.memory_space<hbm>>) target(%dma_start3A_106 : memref<128xf32, #tpu.memory_space<vmem>>) offsets(%dma_start3A_109 : memref<128xi32, #tpu.memory_space<vmem>>) semaphore(%arg12 : memref<!tpu.dma_semaphore, #tpu.memory_space<semaphore_mem>>)
    %dma_start3A_112 = arith.constant 14 : i32
    %dma_start3A_113 = arith.constant 1792 : i32
    %dma_start3A_114 = tpu.memref_slice %arg9[%dma_start3A_113] : memref<3328xf32, #tpu.memory_space<vmem>> -> memref<128xf32, #tpu.memory_space<vmem>>
    %dma_start3A_115 = arith.constant 0 : i32
    %dma_start3A_116 = tpu.memref_slice %arg7[%dma_start3A_112, %dma_start3A_115] : memref<26x128xi32, #tpu.memory_space<vmem>> -> memref<1x128xi32, #tpu.memory_space<vmem>>
    %dma_start3A_117 = tpu.memref_squeeze %dma_start3A_116 : memref<1x128xi32, #tpu.memory_space<vmem>> -> memref<128xi32, #tpu.memory_space<vmem>>
    %dma_start3A_118 = arith.constant 0 : i32
    %dma_start3A_119 = tpu.memref_slice %arg4[%dma_start3A_118] : memref<1000000xf32, #tpu.memory_space<hbm>> -> memref<1000000xf32, #tpu.memory_space<hbm>>
    tpu.enqueue_indirect_dma source(%dma_start3A_119 : memref<1000000xf32, #tpu.memory_space<hbm>>) target(%dma_start3A_114 : memref<128xf32, #tpu.memory_space<vmem>>) offsets(%dma_start3A_117 : memref<128xi32, #tpu.memory_space<vmem>>) semaphore(%arg12 : memref<!tpu.dma_semaphore, #tpu.memory_space<semaphore_mem>>)
    %dma_start3A_120 = arith.constant 15 : i32
    %dma_start3A_121 = arith.constant 1920 : i32
    %dma_start3A_122 = tpu.memref_slice %arg9[%dma_start3A_121] : memref<3328xf32, #tpu.memory_space<vmem>> -> memref<128xf32, #tpu.memory_space<vmem>>
    %dma_start3A_123 = arith.constant 0 : i32
    %dma_start3A_124 = tpu.memref_slice %arg7[%dma_start3A_120, %dma_start3A_123] : memref<26x128xi32, #tpu.memory_space<vmem>> -> memref<1x128xi32, #tpu.memory_space<vmem>>
    %dma_start3A_125 = tpu.memref_squeeze %dma_start3A_124 : memref<1x128xi32, #tpu.memory_space<vmem>> -> memref<128xi32, #tpu.memory_space<vmem>>
    %dma_start3A_126 = arith.constant 0 : i32
    %dma_start3A_127 = tpu.memref_slice %arg4[%dma_start3A_126] : memref<1000000xf32, #tpu.memory_space<hbm>> -> memref<1000000xf32, #tpu.memory_space<hbm>>
    tpu.enqueue_indirect_dma source(%dma_start3A_127 : memref<1000000xf32, #tpu.memory_space<hbm>>) target(%dma_start3A_122 : memref<128xf32, #tpu.memory_space<vmem>>) offsets(%dma_start3A_125 : memref<128xi32, #tpu.memory_space<vmem>>) semaphore(%arg12 : memref<!tpu.dma_semaphore, #tpu.memory_space<semaphore_mem>>)
    %dma_start3A_128 = arith.constant 16 : i32
    %dma_start3A_129 = arith.constant 2048 : i32
    %dma_start3A_130 = tpu.memref_slice %arg9[%dma_start3A_129] : memref<3328xf32, #tpu.memory_space<vmem>> -> memref<128xf32, #tpu.memory_space<vmem>>
    %dma_start3A_131 = arith.constant 0 : i32
    %dma_start3A_132 = tpu.memref_slice %arg7[%dma_start3A_128, %dma_start3A_131] : memref<26x128xi32, #tpu.memory_space<vmem>> -> memref<1x128xi32, #tpu.memory_space<vmem>>
    %dma_start3A_133 = tpu.memref_squeeze %dma_start3A_132 : memref<1x128xi32, #tpu.memory_space<vmem>> -> memref<128xi32, #tpu.memory_space<vmem>>
    %dma_start3A_134 = arith.constant 0 : i32
    %dma_start3A_135 = tpu.memref_slice %arg4[%dma_start3A_134] : memref<1000000xf32, #tpu.memory_space<hbm>> -> memref<1000000xf32, #tpu.memory_space<hbm>>
    tpu.enqueue_indirect_dma source(%dma_start3A_135 : memref<1000000xf32, #tpu.memory_space<hbm>>) target(%dma_start3A_130 : memref<128xf32, #tpu.memory_space<vmem>>) offsets(%dma_start3A_133 : memref<128xi32, #tpu.memory_space<vmem>>) semaphore(%arg12 : memref<!tpu.dma_semaphore, #tpu.memory_space<semaphore_mem>>)
    %dma_start3A_136 = arith.constant 17 : i32
    %dma_start3A_137 = arith.constant 2176 : i32
    %dma_start3A_138 = tpu.memref_slice %arg9[%dma_start3A_137] : memref<3328xf32, #tpu.memory_space<vmem>> -> memref<128xf32, #tpu.memory_space<vmem>>
    %dma_start3A_139 = arith.constant 0 : i32
    %dma_start3A_140 = tpu.memref_slice %arg7[%dma_start3A_136, %dma_start3A_139] : memref<26x128xi32, #tpu.memory_space<vmem>> -> memref<1x128xi32, #tpu.memory_space<vmem>>
    %dma_start3A_141 = tpu.memref_squeeze %dma_start3A_140 : memref<1x128xi32, #tpu.memory_space<vmem>> -> memref<128xi32, #tpu.memory_space<vmem>>
    %dma_start3A_142 = arith.constant 0 : i32
    %dma_start3A_143 = tpu.memref_slice %arg4[%dma_start3A_142] : memref<1000000xf32, #tpu.memory_space<hbm>> -> memref<1000000xf32, #tpu.memory_space<hbm>>
    tpu.enqueue_indirect_dma source(%dma_start3A_143 : memref<1000000xf32, #tpu.memory_space<hbm>>) target(%dma_start3A_138 : memref<128xf32, #tpu.memory_space<vmem>>) offsets(%dma_start3A_141 : memref<128xi32, #tpu.memory_space<vmem>>) semaphore(%arg12 : memref<!tpu.dma_semaphore, #tpu.memory_space<semaphore_mem>>)
    %dma_start3A_144 = arith.constant 18 : i32
    %dma_start3A_145 = arith.constant 2304 : i32
    %dma_start3A_146 = tpu.memref_slice %arg9[%dma_start3A_145] : memref<3328xf32, #tpu.memory_space<vmem>> -> memref<128xf32, #tpu.memory_space<vmem>>
    %dma_start3A_147 = arith.constant 0 : i32
    %dma_start3A_148 = tpu.memref_slice %arg7[%dma_start3A_144, %dma_start3A_147] : memref<26x128xi32, #tpu.memory_space<vmem>> -> memref<1x128xi32, #tpu.memory_space<vmem>>
    %dma_start3A_149 = tpu.memref_squeeze %dma_start3A_148 : memref<1x128xi32, #tpu.memory_space<vmem>> -> memref<128xi32, #tpu.memory_space<vmem>>
    %dma_start3A_150 = arith.constant 0 : i32
    %dma_start3A_151 = tpu.memref_slice %arg4[%dma_start3A_150] : memref<1000000xf32, #tpu.memory_space<hbm>> -> memref<1000000xf32, #tpu.memory_space<hbm>>
    tpu.enqueue_indirect_dma source(%dma_start3A_151 : memref<1000000xf32, #tpu.memory_space<hbm>>) target(%dma_start3A_146 : memref<128xf32, #tpu.memory_space<vmem>>) offsets(%dma_start3A_149 : memref<128xi32, #tpu.memory_space<vmem>>) semaphore(%arg12 : memref<!tpu.dma_semaphore, #tpu.memory_space<semaphore_mem>>)
    %dma_start3A_152 = arith.constant 19 : i32
    %dma_start3A_153 = arith.constant 2432 : i32
    %dma_start3A_154 = tpu.memref_slice %arg9[%dma_start3A_153] : memref<3328xf32, #tpu.memory_space<vmem>> -> memref<128xf32, #tpu.memory_space<vmem>>
    %dma_start3A_155 = arith.constant 0 : i32
    %dma_start3A_156 = tpu.memref_slice %arg7[%dma_start3A_152, %dma_start3A_155] : memref<26x128xi32, #tpu.memory_space<vmem>> -> memref<1x128xi32, #tpu.memory_space<vmem>>
    %dma_start3A_157 = tpu.memref_squeeze %dma_start3A_156 : memref<1x128xi32, #tpu.memory_space<vmem>> -> memref<128xi32, #tpu.memory_space<vmem>>
    %dma_start3A_158 = arith.constant 0 : i32
    %dma_start3A_159 = tpu.memref_slice %arg4[%dma_start3A_158] : memref<1000000xf32, #tpu.memory_space<hbm>> -> memref<1000000xf32, #tpu.memory_space<hbm>>
    tpu.enqueue_indirect_dma source(%dma_start3A_159 : memref<1000000xf32, #tpu.memory_space<hbm>>) target(%dma_start3A_154 : memref<128xf32, #tpu.memory_space<vmem>>) offsets(%dma_start3A_157 : memref<128xi32, #tpu.memory_space<vmem>>) semaphore(%arg12 : memref<!tpu.dma_semaphore, #tpu.memory_space<semaphore_mem>>)
    %dma_start3A_160 = arith.constant 20 : i32
    %dma_start3A_161 = arith.constant 2560 : i32
    %dma_start3A_162 = tpu.memref_slice %arg9[%dma_start3A_161] : memref<3328xf32, #tpu.memory_space<vmem>> -> memref<128xf32, #tpu.memory_space<vmem>>
    %dma_start3A_163 = arith.constant 0 : i32
    %dma_start3A_164 = tpu.memref_slice %arg7[%dma_start3A_160, %dma_start3A_163] : memref<26x128xi32, #tpu.memory_space<vmem>> -> memref<1x128xi32, #tpu.memory_space<vmem>>
    %dma_start3A_165 = tpu.memref_squeeze %dma_start3A_164 : memref<1x128xi32, #tpu.memory_space<vmem>> -> memref<128xi32, #tpu.memory_space<vmem>>
    %dma_start3A_166 = arith.constant 0 : i32
    %dma_start3A_167 = tpu.memref_slice %arg4[%dma_start3A_166] : memref<1000000xf32, #tpu.memory_space<hbm>> -> memref<1000000xf32, #tpu.memory_space<hbm>>
    tpu.enqueue_indirect_dma source(%dma_start3A_167 : memref<1000000xf32, #tpu.memory_space<hbm>>) target(%dma_start3A_162 : memref<128xf32, #tpu.memory_space<vmem>>) offsets(%dma_start3A_165 : memref<128xi32, #tpu.memory_space<vmem>>) semaphore(%arg12 : memref<!tpu.dma_semaphore, #tpu.memory_space<semaphore_mem>>)
    %dma_start3A_168 = arith.constant 21 : i32
    %dma_start3A_169 = arith.constant 2688 : i32
    %dma_start3A_170 = tpu.memref_slice %arg9[%dma_start3A_169] : memref<3328xf32, #tpu.memory_space<vmem>> -> memref<128xf32, #tpu.memory_space<vmem>>
    %dma_start3A_171 = arith.constant 0 : i32
    %dma_start3A_172 = tpu.memref_slice %arg7[%dma_start3A_168, %dma_start3A_171] : memref<26x128xi32, #tpu.memory_space<vmem>> -> memref<1x128xi32, #tpu.memory_space<vmem>>
    %dma_start3A_173 = tpu.memref_squeeze %dma_start3A_172 : memref<1x128xi32, #tpu.memory_space<vmem>> -> memref<128xi32, #tpu.memory_space<vmem>>
    %dma_start3A_174 = arith.constant 0 : i32
    %dma_start3A_175 = tpu.memref_slice %arg4[%dma_start3A_174] : memref<1000000xf32, #tpu.memory_space<hbm>> -> memref<1000000xf32, #tpu.memory_space<hbm>>
    tpu.enqueue_indirect_dma source(%dma_start3A_175 : memref<1000000xf32, #tpu.memory_space<hbm>>) target(%dma_start3A_170 : memref<128xf32, #tpu.memory_space<vmem>>) offsets(%dma_start3A_173 : memref<128xi32, #tpu.memory_space<vmem>>) semaphore(%arg12 : memref<!tpu.dma_semaphore, #tpu.memory_space<semaphore_mem>>)
    %dma_start3A_176 = arith.constant 22 : i32
    %dma_start3A_177 = arith.constant 2816 : i32
    %dma_start3A_178 = tpu.memref_slice %arg9[%dma_start3A_177] : memref<3328xf32, #tpu.memory_space<vmem>> -> memref<128xf32, #tpu.memory_space<vmem>>
    %dma_start3A_179 = arith.constant 0 : i32
    %dma_start3A_180 = tpu.memref_slice %arg7[%dma_start3A_176, %dma_start3A_179] : memref<26x128xi32, #tpu.memory_space<vmem>> -> memref<1x128xi32, #tpu.memory_space<vmem>>
    %dma_start3A_181 = tpu.memref_squeeze %dma_start3A_180 : memref<1x128xi32, #tpu.memory_space<vmem>> -> memref<128xi32, #tpu.memory_space<vmem>>
    %dma_start3A_182 = arith.constant 0 : i32
    %dma_start3A_183 = tpu.memref_slice %arg4[%dma_start3A_182] : memref<1000000xf32, #tpu.memory_space<hbm>> -> memref<1000000xf32, #tpu.memory_space<hbm>>
    tpu.enqueue_indirect_dma source(%dma_start3A_183 : memref<1000000xf32, #tpu.memory_space<hbm>>) target(%dma_start3A_178 : memref<128xf32, #tpu.memory_space<vmem>>) offsets(%dma_start3A_181 : memref<128xi32, #tpu.memory_space<vmem>>) semaphore(%arg12 : memref<!tpu.dma_semaphore, #tpu.memory_space<semaphore_mem>>)
    %dma_start3A_184 = arith.constant 23 : i32
    %dma_start3A_185 = arith.constant 2944 : i32
    %dma_start3A_186 = tpu.memref_slice %arg9[%dma_start3A_185] : memref<3328xf32, #tpu.memory_space<vmem>> -> memref<128xf32, #tpu.memory_space<vmem>>
    %dma_start3A_187 = arith.constant 0 : i32
    %dma_start3A_188 = tpu.memref_slice %arg7[%dma_start3A_184, %dma_start3A_187] : memref<26x128xi32, #tpu.memory_space<vmem>> -> memref<1x128xi32, #tpu.memory_space<vmem>>
    %dma_start3A_189 = tpu.memref_squeeze %dma_start3A_188 : memref<1x128xi32, #tpu.memory_space<vmem>> -> memref<128xi32, #tpu.memory_space<vmem>>
    %dma_start3A_190 = arith.constant 0 : i32
    %dma_start3A_191 = tpu.memref_slice %arg4[%dma_start3A_190] : memref<1000000xf32, #tpu.memory_space<hbm>> -> memref<1000000xf32, #tpu.memory_space<hbm>>
    tpu.enqueue_indirect_dma source(%dma_start3A_191 : memref<1000000xf32, #tpu.memory_space<hbm>>) target(%dma_start3A_186 : memref<128xf32, #tpu.memory_space<vmem>>) offsets(%dma_start3A_189 : memref<128xi32, #tpu.memory_space<vmem>>) semaphore(%arg12 : memref<!tpu.dma_semaphore, #tpu.memory_space<semaphore_mem>>)
    %dma_start3A_192 = arith.constant 24 : i32
    %dma_start3A_193 = arith.constant 3072 : i32
    %dma_start3A_194 = tpu.memref_slice %arg9[%dma_start3A_193] : memref<3328xf32, #tpu.memory_space<vmem>> -> memref<128xf32, #tpu.memory_space<vmem>>
    %dma_start3A_195 = arith.constant 0 : i32
    %dma_start3A_196 = tpu.memref_slice %arg7[%dma_start3A_192, %dma_start3A_195] : memref<26x128xi32, #tpu.memory_space<vmem>> -> memref<1x128xi32, #tpu.memory_space<vmem>>
    %dma_start3A_197 = tpu.memref_squeeze %dma_start3A_196 : memref<1x128xi32, #tpu.memory_space<vmem>> -> memref<128xi32, #tpu.memory_space<vmem>>
    %dma_start3A_198 = arith.constant 0 : i32
    %dma_start3A_199 = tpu.memref_slice %arg4[%dma_start3A_198] : memref<1000000xf32, #tpu.memory_space<hbm>> -> memref<1000000xf32, #tpu.memory_space<hbm>>
    tpu.enqueue_indirect_dma source(%dma_start3A_199 : memref<1000000xf32, #tpu.memory_space<hbm>>) target(%dma_start3A_194 : memref<128xf32, #tpu.memory_space<vmem>>) offsets(%dma_start3A_197 : memref<128xi32, #tpu.memory_space<vmem>>) semaphore(%arg12 : memref<!tpu.dma_semaphore, #tpu.memory_space<semaphore_mem>>)
    %dma_start3A_200 = arith.constant 25 : i32
    %dma_start3A_201 = arith.constant 3200 : i32
    %dma_start3A_202 = tpu.memref_slice %arg9[%dma_start3A_201] : memref<3328xf32, #tpu.memory_space<vmem>> -> memref<128xf32, #tpu.memory_space<vmem>>
    %dma_start3A_203 = arith.constant 0 : i32
    %dma_start3A_204 = tpu.memref_slice %arg7[%dma_start3A_200, %dma_start3A_203] : memref<26x128xi32, #tpu.memory_space<vmem>> -> memref<1x128xi32, #tpu.memory_space<vmem>>
    %dma_start3A_205 = tpu.memref_squeeze %dma_start3A_204 : memref<1x128xi32, #tpu.memory_space<vmem>> -> memref<128xi32, #tpu.memory_space<vmem>>
    %dma_start3A_206 = arith.constant 0 : i32
    %dma_start3A_207 = tpu.memref_slice %arg4[%dma_start3A_206] : memref<1000000xf32, #tpu.memory_space<hbm>> -> memref<1000000xf32, #tpu.memory_space<hbm>>
    tpu.enqueue_indirect_dma source(%dma_start3A_207 : memref<1000000xf32, #tpu.memory_space<hbm>>) target(%dma_start3A_202 : memref<128xf32, #tpu.memory_space<vmem>>) offsets(%dma_start3A_205 : memref<128xi32, #tpu.memory_space<vmem>>) semaphore(%arg12 : memref<!tpu.dma_semaphore, #tpu.memory_space<semaphore_mem>>)
    %dma_start3A_208 = arith.constant 0 : i32
    %dma_start3A_209 = arith.constant 0 : i32
    %dma_start3A_210 = arith.constant 0 : i32
    %dma_start3A_211 = arith.constant 0 : i32
    %dma_start3A_212 = tpu.memref_slice %arg8[%dma_start3A_209, %dma_start3A_210, %dma_start3A_211] : memref<13x128x32xf32, #tpu.memory_space<vmem>> -> memref<1x128x32xf32, #tpu.memory_space<vmem>>
    %dma_start3A_213 = tpu.memref_squeeze %dma_start3A_212 : memref<1x128x32xf32, #tpu.memory_space<vmem>> -> memref<128x32xf32, #tpu.memory_space<vmem>>
    %dma_start3A_214 = arith.constant 0 : i32
    %dma_start3A_215 = tpu.memref_slice %arg7[%dma_start3A_208, %dma_start3A_214] : memref<26x128xi32, #tpu.memory_space<vmem>> -> memref<1x128xi32, #tpu.memory_space<vmem>>
    %dma_start3A_216 = tpu.memref_squeeze %dma_start3A_215 : memref<1x128xi32, #tpu.memory_space<vmem>> -> memref<128xi32, #tpu.memory_space<vmem>>
    %dma_start3A_217 = arith.constant 0 : i32
    %dma_start3A_218 = arith.constant 0 : i32
    %dma_start3A_219 = tpu.memref_slice %arg3[%dma_start3A_217, %dma_start3A_218] : memref<1000000x32xf32, #tpu.memory_space<hbm>> -> memref<1000000x32xf32, #tpu.memory_space<hbm>>
    tpu.enqueue_indirect_dma source(%dma_start3A_219 : memref<1000000x32xf32, #tpu.memory_space<hbm>>) target(%dma_start3A_213 : memref<128x32xf32, #tpu.memory_space<vmem>>) offsets(%dma_start3A_216 : memref<128xi32, #tpu.memory_space<vmem>>) semaphore(%arg11 : memref<!tpu.dma_semaphore, #tpu.memory_space<semaphore_mem>>)
    %dma_start3A_220 = arith.constant 1 : i32
    %dma_start3A_221 = arith.constant 1 : i32
    %dma_start3A_222 = arith.constant 0 : i32
    %dma_start3A_223 = arith.constant 0 : i32
    %dma_start3A_224 = tpu.memref_slice %arg8[%dma_start3A_221, %dma_start3A_222, %dma_start3A_223] : memref<13x128x32xf32, #tpu.memory_space<vmem>> -> memref<1x128x32xf32, #tpu.memory_space<vmem>>
    %dma_start3A_225 = tpu.memref_squeeze %dma_start3A_224 : memref<1x128x32xf32, #tpu.memory_space<vmem>> -> memref<128x32xf32, #tpu.memory_space<vmem>>
    %dma_start3A_226 = arith.constant 0 : i32
    %dma_start3A_227 = tpu.memref_slice %arg7[%dma_start3A_220, %dma_start3A_226] : memref<26x128xi32, #tpu.memory_space<vmem>> -> memref<1x128xi32, #tpu.memory_space<vmem>>
    %dma_start3A_228 = tpu.memref_squeeze %dma_start3A_227 : memref<1x128xi32, #tpu.memory_space<vmem>> -> memref<128xi32, #tpu.memory_space<vmem>>
    %dma_start3A_229 = arith.constant 0 : i32
    %dma_start3A_230 = arith.constant 0 : i32
    %dma_start3A_231 = tpu.memref_slice %arg3[%dma_start3A_229, %dma_start3A_230] : memref<1000000x32xf32, #tpu.memory_space<hbm>> -> memref<1000000x32xf32, #tpu.memory_space<hbm>>
    tpu.enqueue_indirect_dma source(%dma_start3A_231 : memref<1000000x32xf32, #tpu.memory_space<hbm>>) target(%dma_start3A_225 : memref<128x32xf32, #tpu.memory_space<vmem>>) offsets(%dma_start3A_228 : memref<128xi32, #tpu.memory_space<vmem>>) semaphore(%arg11 : memref<!tpu.dma_semaphore, #tpu.memory_space<semaphore_mem>>)
    %dma_start3A_232 = arith.constant 2 : i32
    %dma_start3A_233 = arith.constant 2 : i32
    %dma_start3A_234 = arith.constant 0 : i32
    %dma_start3A_235 = arith.constant 0 : i32
    %dma_start3A_236 = tpu.memref_slice %arg8[%dma_start3A_233, %dma_start3A_234, %dma_start3A_235] : memref<13x128x32xf32, #tpu.memory_space<vmem>> -> memref<1x128x32xf32, #tpu.memory_space<vmem>>
    %dma_start3A_237 = tpu.memref_squeeze %dma_start3A_236 : memref<1x128x32xf32, #tpu.memory_space<vmem>> -> memref<128x32xf32, #tpu.memory_space<vmem>>
    %dma_start3A_238 = arith.constant 0 : i32
    %dma_start3A_239 = tpu.memref_slice %arg7[%dma_start3A_232, %dma_start3A_238] : memref<26x128xi32, #tpu.memory_space<vmem>> -> memref<1x128xi32, #tpu.memory_space<vmem>>
    %dma_start3A_240 = tpu.memref_squeeze %dma_start3A_239 : memref<1x128xi32, #tpu.memory_space<vmem>> -> memref<128xi32, #tpu.memory_space<vmem>>
    %dma_start3A_241 = arith.constant 0 : i32
    %dma_start3A_242 = arith.constant 0 : i32
    %dma_start3A_243 = tpu.memref_slice %arg3[%dma_start3A_241, %dma_start3A_242] : memref<1000000x32xf32, #tpu.memory_space<hbm>> -> memref<1000000x32xf32, #tpu.memory_space<hbm>>
    tpu.enqueue_indirect_dma source(%dma_start3A_243 : memref<1000000x32xf32, #tpu.memory_space<hbm>>) target(%dma_start3A_237 : memref<128x32xf32, #tpu.memory_space<vmem>>) offsets(%dma_start3A_240 : memref<128xi32, #tpu.memory_space<vmem>>) semaphore(%arg11 : memref<!tpu.dma_semaphore, #tpu.memory_space<semaphore_mem>>)
    %dma_start3A_244 = arith.constant 3 : i32
    %dma_start3A_245 = arith.constant 3 : i32
    %dma_start3A_246 = arith.constant 0 : i32
    %dma_start3A_247 = arith.constant 0 : i32
    %dma_start3A_248 = tpu.memref_slice %arg8[%dma_start3A_245, %dma_start3A_246, %dma_start3A_247] : memref<13x128x32xf32, #tpu.memory_space<vmem>> -> memref<1x128x32xf32, #tpu.memory_space<vmem>>
    %dma_start3A_249 = tpu.memref_squeeze %dma_start3A_248 : memref<1x128x32xf32, #tpu.memory_space<vmem>> -> memref<128x32xf32, #tpu.memory_space<vmem>>
    %dma_start3A_250 = arith.constant 0 : i32
    %dma_start3A_251 = tpu.memref_slice %arg7[%dma_start3A_244, %dma_start3A_250] : memref<26x128xi32, #tpu.memory_space<vmem>> -> memref<1x128xi32, #tpu.memory_space<vmem>>
    %dma_start3A_252 = tpu.memref_squeeze %dma_start3A_251 : memref<1x128xi32, #tpu.memory_space<vmem>> -> memref<128xi32, #tpu.memory_space<vmem>>
    %dma_start3A_253 = arith.constant 0 : i32
    %dma_start3A_254 = arith.constant 0 : i32
    %dma_start3A_255 = tpu.memref_slice %arg3[%dma_start3A_253, %dma_start3A_254] : memref<1000000x32xf32, #tpu.memory_space<hbm>> -> memref<1000000x32xf32, #tpu.memory_space<hbm>>
    tpu.enqueue_indirect_dma source(%dma_start3A_255 : memref<1000000x32xf32, #tpu.memory_space<hbm>>) target(%dma_start3A_249 : memref<128x32xf32, #tpu.memory_space<vmem>>) offsets(%dma_start3A_252 : memref<128xi32, #tpu.memory_space<vmem>>) semaphore(%arg11 : memref<!tpu.dma_semaphore, #tpu.memory_space<semaphore_mem>>)
    %dma_start3A_256 = arith.constant 4 : i32
    %dma_start3A_257 = arith.constant 4 : i32
    %dma_start3A_258 = arith.constant 0 : i32
    %dma_start3A_259 = arith.constant 0 : i32
    %dma_start3A_260 = tpu.memref_slice %arg8[%dma_start3A_257, %dma_start3A_258, %dma_start3A_259] : memref<13x128x32xf32, #tpu.memory_space<vmem>> -> memref<1x128x32xf32, #tpu.memory_space<vmem>>
    %dma_start3A_261 = tpu.memref_squeeze %dma_start3A_260 : memref<1x128x32xf32, #tpu.memory_space<vmem>> -> memref<128x32xf32, #tpu.memory_space<vmem>>
    %dma_start3A_262 = arith.constant 0 : i32
    %dma_start3A_263 = tpu.memref_slice %arg7[%dma_start3A_256, %dma_start3A_262] : memref<26x128xi32, #tpu.memory_space<vmem>> -> memref<1x128xi32, #tpu.memory_space<vmem>>
    %dma_start3A_264 = tpu.memref_squeeze %dma_start3A_263 : memref<1x128xi32, #tpu.memory_space<vmem>> -> memref<128xi32, #tpu.memory_space<vmem>>
    %dma_start3A_265 = arith.constant 0 : i32
    %dma_start3A_266 = arith.constant 0 : i32
    %dma_start3A_267 = tpu.memref_slice %arg3[%dma_start3A_265, %dma_start3A_266] : memref<1000000x32xf32, #tpu.memory_space<hbm>> -> memref<1000000x32xf32, #tpu.memory_space<hbm>>
    tpu.enqueue_indirect_dma source(%dma_start3A_267 : memref<1000000x32xf32, #tpu.memory_space<hbm>>) target(%dma_start3A_261 : memref<128x32xf32, #tpu.memory_space<vmem>>) offsets(%dma_start3A_264 : memref<128xi32, #tpu.memory_space<vmem>>) semaphore(%arg11 : memref<!tpu.dma_semaphore, #tpu.memory_space<semaphore_mem>>)
    %dma_start3A_268 = arith.constant 5 : i32
    %dma_start3A_269 = arith.constant 5 : i32
    %dma_start3A_270 = arith.constant 0 : i32
    %dma_start3A_271 = arith.constant 0 : i32
    %dma_start3A_272 = tpu.memref_slice %arg8[%dma_start3A_269, %dma_start3A_270, %dma_start3A_271] : memref<13x128x32xf32, #tpu.memory_space<vmem>> -> memref<1x128x32xf32, #tpu.memory_space<vmem>>
    %dma_start3A_273 = tpu.memref_squeeze %dma_start3A_272 : memref<1x128x32xf32, #tpu.memory_space<vmem>> -> memref<128x32xf32, #tpu.memory_space<vmem>>
    %dma_start3A_274 = arith.constant 0 : i32
    %dma_start3A_275 = tpu.memref_slice %arg7[%dma_start3A_268, %dma_start3A_274] : memref<26x128xi32, #tpu.memory_space<vmem>> -> memref<1x128xi32, #tpu.memory_space<vmem>>
    %dma_start3A_276 = tpu.memref_squeeze %dma_start3A_275 : memref<1x128xi32, #tpu.memory_space<vmem>> -> memref<128xi32, #tpu.memory_space<vmem>>
    %dma_start3A_277 = arith.constant 0 : i32
    %dma_start3A_278 = arith.constant 0 : i32
    %dma_start3A_279 = tpu.memref_slice %arg3[%dma_start3A_277, %dma_start3A_278] : memref<1000000x32xf32, #tpu.memory_space<hbm>> -> memref<1000000x32xf32, #tpu.memory_space<hbm>>
    tpu.enqueue_indirect_dma source(%dma_start3A_279 : memref<1000000x32xf32, #tpu.memory_space<hbm>>) target(%dma_start3A_273 : memref<128x32xf32, #tpu.memory_space<vmem>>) offsets(%dma_start3A_276 : memref<128xi32, #tpu.memory_space<vmem>>) semaphore(%arg11 : memref<!tpu.dma_semaphore, #tpu.memory_space<semaphore_mem>>)
    %dma_start3A_280 = arith.constant 6 : i32
    %dma_start3A_281 = arith.constant 6 : i32
    %dma_start3A_282 = arith.constant 0 : i32
    %dma_start3A_283 = arith.constant 0 : i32
    %dma_start3A_284 = tpu.memref_slice %arg8[%dma_start3A_281, %dma_start3A_282, %dma_start3A_283] : memref<13x128x32xf32, #tpu.memory_space<vmem>> -> memref<1x128x32xf32, #tpu.memory_space<vmem>>
    %dma_start3A_285 = tpu.memref_squeeze %dma_start3A_284 : memref<1x128x32xf32, #tpu.memory_space<vmem>> -> memref<128x32xf32, #tpu.memory_space<vmem>>
    %dma_start3A_286 = arith.constant 0 : i32
    %dma_start3A_287 = tpu.memref_slice %arg7[%dma_start3A_280, %dma_start3A_286] : memref<26x128xi32, #tpu.memory_space<vmem>> -> memref<1x128xi32, #tpu.memory_space<vmem>>
    %dma_start3A_288 = tpu.memref_squeeze %dma_start3A_287 : memref<1x128xi32, #tpu.memory_space<vmem>> -> memref<128xi32, #tpu.memory_space<vmem>>
    %dma_start3A_289 = arith.constant 0 : i32
    %dma_start3A_290 = arith.constant 0 : i32
    %dma_start3A_291 = tpu.memref_slice %arg3[%dma_start3A_289, %dma_start3A_290] : memref<1000000x32xf32, #tpu.memory_space<hbm>> -> memref<1000000x32xf32, #tpu.memory_space<hbm>>
    tpu.enqueue_indirect_dma source(%dma_start3A_291 : memref<1000000x32xf32, #tpu.memory_space<hbm>>) target(%dma_start3A_285 : memref<128x32xf32, #tpu.memory_space<vmem>>) offsets(%dma_start3A_288 : memref<128xi32, #tpu.memory_space<vmem>>) semaphore(%arg11 : memref<!tpu.dma_semaphore, #tpu.memory_space<semaphore_mem>>)
    %dma_start3A_292 = arith.constant 7 : i32
    %dma_start3A_293 = arith.constant 7 : i32
    %dma_start3A_294 = arith.constant 0 : i32
    %dma_start3A_295 = arith.constant 0 : i32
    %dma_start3A_296 = tpu.memref_slice %arg8[%dma_start3A_293, %dma_start3A_294, %dma_start3A_295] : memref<13x128x32xf32, #tpu.memory_space<vmem>> -> memref<1x128x32xf32, #tpu.memory_space<vmem>>
    %dma_start3A_297 = tpu.memref_squeeze %dma_start3A_296 : memref<1x128x32xf32, #tpu.memory_space<vmem>> -> memref<128x32xf32, #tpu.memory_space<vmem>>
    %dma_start3A_298 = arith.constant 0 : i32
    %dma_start3A_299 = tpu.memref_slice %arg7[%dma_start3A_292, %dma_start3A_298] : memref<26x128xi32, #tpu.memory_space<vmem>> -> memref<1x128xi32, #tpu.memory_space<vmem>>
    %dma_start3A_300 = tpu.memref_squeeze %dma_start3A_299 : memref<1x128xi32, #tpu.memory_space<vmem>> -> memref<128xi32, #tpu.memory_space<vmem>>
    %dma_start3A_301 = arith.constant 0 : i32
    %dma_start3A_302 = arith.constant 0 : i32
    %dma_start3A_303 = tpu.memref_slice %arg3[%dma_start3A_301, %dma_start3A_302] : memref<1000000x32xf32, #tpu.memory_space<hbm>> -> memref<1000000x32xf32, #tpu.memory_space<hbm>>
    tpu.enqueue_indirect_dma source(%dma_start3A_303 : memref<1000000x32xf32, #tpu.memory_space<hbm>>) target(%dma_start3A_297 : memref<128x32xf32, #tpu.memory_space<vmem>>) offsets(%dma_start3A_300 : memref<128xi32, #tpu.memory_space<vmem>>) semaphore(%arg11 : memref<!tpu.dma_semaphore, #tpu.memory_space<semaphore_mem>>)
    %dma_start3A_304 = arith.constant 8 : i32
    %dma_start3A_305 = arith.constant 8 : i32
    %dma_start3A_306 = arith.constant 0 : i32
    %dma_start3A_307 = arith.constant 0 : i32
    %dma_start3A_308 = tpu.memref_slice %arg8[%dma_start3A_305, %dma_start3A_306, %dma_start3A_307] : memref<13x128x32xf32, #tpu.memory_space<vmem>> -> memref<1x128x32xf32, #tpu.memory_space<vmem>>
    %dma_start3A_309 = tpu.memref_squeeze %dma_start3A_308 : memref<1x128x32xf32, #tpu.memory_space<vmem>> -> memref<128x32xf32, #tpu.memory_space<vmem>>
    %dma_start3A_310 = arith.constant 0 : i32
    %dma_start3A_311 = tpu.memref_slice %arg7[%dma_start3A_304, %dma_start3A_310] : memref<26x128xi32, #tpu.memory_space<vmem>> -> memref<1x128xi32, #tpu.memory_space<vmem>>
    %dma_start3A_312 = tpu.memref_squeeze %dma_start3A_311 : memref<1x128xi32, #tpu.memory_space<vmem>> -> memref<128xi32, #tpu.memory_space<vmem>>
    %dma_start3A_313 = arith.constant 0 : i32
    %dma_start3A_314 = arith.constant 0 : i32
    %dma_start3A_315 = tpu.memref_slice %arg3[%dma_start3A_313, %dma_start3A_314] : memref<1000000x32xf32, #tpu.memory_space<hbm>> -> memref<1000000x32xf32, #tpu.memory_space<hbm>>
    tpu.enqueue_indirect_dma source(%dma_start3A_315 : memref<1000000x32xf32, #tpu.memory_space<hbm>>) target(%dma_start3A_309 : memref<128x32xf32, #tpu.memory_space<vmem>>) offsets(%dma_start3A_312 : memref<128xi32, #tpu.memory_space<vmem>>) semaphore(%arg11 : memref<!tpu.dma_semaphore, #tpu.memory_space<semaphore_mem>>)
    %dma_start3A_316 = arith.constant 9 : i32
    %dma_start3A_317 = arith.constant 9 : i32
    %dma_start3A_318 = arith.constant 0 : i32
    %dma_start3A_319 = arith.constant 0 : i32
    %dma_start3A_320 = tpu.memref_slice %arg8[%dma_start3A_317, %dma_start3A_318, %dma_start3A_319] : memref<13x128x32xf32, #tpu.memory_space<vmem>> -> memref<1x128x32xf32, #tpu.memory_space<vmem>>
    %dma_start3A_321 = tpu.memref_squeeze %dma_start3A_320 : memref<1x128x32xf32, #tpu.memory_space<vmem>> -> memref<128x32xf32, #tpu.memory_space<vmem>>
    %dma_start3A_322 = arith.constant 0 : i32
    %dma_start3A_323 = tpu.memref_slice %arg7[%dma_start3A_316, %dma_start3A_322] : memref<26x128xi32, #tpu.memory_space<vmem>> -> memref<1x128xi32, #tpu.memory_space<vmem>>
    %dma_start3A_324 = tpu.memref_squeeze %dma_start3A_323 : memref<1x128xi32, #tpu.memory_space<vmem>> -> memref<128xi32, #tpu.memory_space<vmem>>
    %dma_start3A_325 = arith.constant 0 : i32
    %dma_start3A_326 = arith.constant 0 : i32
    %dma_start3A_327 = tpu.memref_slice %arg3[%dma_start3A_325, %dma_start3A_326] : memref<1000000x32xf32, #tpu.memory_space<hbm>> -> memref<1000000x32xf32, #tpu.memory_space<hbm>>
    tpu.enqueue_indirect_dma source(%dma_start3A_327 : memref<1000000x32xf32, #tpu.memory_space<hbm>>) target(%dma_start3A_321 : memref<128x32xf32, #tpu.memory_space<vmem>>) offsets(%dma_start3A_324 : memref<128xi32, #tpu.memory_space<vmem>>) semaphore(%arg11 : memref<!tpu.dma_semaphore, #tpu.memory_space<semaphore_mem>>)
    %dma_start3A_328 = arith.constant 10 : i32
    %dma_start3A_329 = arith.constant 10 : i32
    %dma_start3A_330 = arith.constant 0 : i32
    %dma_start3A_331 = arith.constant 0 : i32
    %dma_start3A_332 = tpu.memref_slice %arg8[%dma_start3A_329, %dma_start3A_330, %dma_start3A_331] : memref<13x128x32xf32, #tpu.memory_space<vmem>> -> memref<1x128x32xf32, #tpu.memory_space<vmem>>
    %dma_start3A_333 = tpu.memref_squeeze %dma_start3A_332 : memref<1x128x32xf32, #tpu.memory_space<vmem>> -> memref<128x32xf32, #tpu.memory_space<vmem>>
    %dma_start3A_334 = arith.constant 0 : i32
    %dma_start3A_335 = tpu.memref_slice %arg7[%dma_start3A_328, %dma_start3A_334] : memref<26x128xi32, #tpu.memory_space<vmem>> -> memref<1x128xi32, #tpu.memory_space<vmem>>
    %dma_start3A_336 = tpu.memref_squeeze %dma_start3A_335 : memref<1x128xi32, #tpu.memory_space<vmem>> -> memref<128xi32, #tpu.memory_space<vmem>>
    %dma_start3A_337 = arith.constant 0 : i32
    %dma_start3A_338 = arith.constant 0 : i32
    %dma_start3A_339 = tpu.memref_slice %arg3[%dma_start3A_337, %dma_start3A_338] : memref<1000000x32xf32, #tpu.memory_space<hbm>> -> memref<1000000x32xf32, #tpu.memory_space<hbm>>
    tpu.enqueue_indirect_dma source(%dma_start3A_339 : memref<1000000x32xf32, #tpu.memory_space<hbm>>) target(%dma_start3A_333 : memref<128x32xf32, #tpu.memory_space<vmem>>) offsets(%dma_start3A_336 : memref<128xi32, #tpu.memory_space<vmem>>) semaphore(%arg11 : memref<!tpu.dma_semaphore, #tpu.memory_space<semaphore_mem>>)
    %dma_start3A_340 = arith.constant 11 : i32
    %dma_start3A_341 = arith.constant 11 : i32
    %dma_start3A_342 = arith.constant 0 : i32
    %dma_start3A_343 = arith.constant 0 : i32
    %dma_start3A_344 = tpu.memref_slice %arg8[%dma_start3A_341, %dma_start3A_342, %dma_start3A_343] : memref<13x128x32xf32, #tpu.memory_space<vmem>> -> memref<1x128x32xf32, #tpu.memory_space<vmem>>
    %dma_start3A_345 = tpu.memref_squeeze %dma_start3A_344 : memref<1x128x32xf32, #tpu.memory_space<vmem>> -> memref<128x32xf32, #tpu.memory_space<vmem>>
    %dma_start3A_346 = arith.constant 0 : i32
    %dma_start3A_347 = tpu.memref_slice %arg7[%dma_start3A_340, %dma_start3A_346] : memref<26x128xi32, #tpu.memory_space<vmem>> -> memref<1x128xi32, #tpu.memory_space<vmem>>
    %dma_start3A_348 = tpu.memref_squeeze %dma_start3A_347 : memref<1x128xi32, #tpu.memory_space<vmem>> -> memref<128xi32, #tpu.memory_space<vmem>>
    %dma_start3A_349 = arith.constant 0 : i32
    %dma_start3A_350 = arith.constant 0 : i32
    %dma_start3A_351 = tpu.memref_slice %arg3[%dma_start3A_349, %dma_start3A_350] : memref<1000000x32xf32, #tpu.memory_space<hbm>> -> memref<1000000x32xf32, #tpu.memory_space<hbm>>
    tpu.enqueue_indirect_dma source(%dma_start3A_351 : memref<1000000x32xf32, #tpu.memory_space<hbm>>) target(%dma_start3A_345 : memref<128x32xf32, #tpu.memory_space<vmem>>) offsets(%dma_start3A_348 : memref<128xi32, #tpu.memory_space<vmem>>) semaphore(%arg11 : memref<!tpu.dma_semaphore, #tpu.memory_space<semaphore_mem>>)
    %dma_start3A_352 = arith.constant 12 : i32
    %dma_start3A_353 = arith.constant 12 : i32
    %dma_start3A_354 = arith.constant 0 : i32
    %dma_start3A_355 = arith.constant 0 : i32
    %dma_start3A_356 = tpu.memref_slice %arg8[%dma_start3A_353, %dma_start3A_354, %dma_start3A_355] : memref<13x128x32xf32, #tpu.memory_space<vmem>> -> memref<1x128x32xf32, #tpu.memory_space<vmem>>
    %dma_start3A_357 = tpu.memref_squeeze %dma_start3A_356 : memref<1x128x32xf32, #tpu.memory_space<vmem>> -> memref<128x32xf32, #tpu.memory_space<vmem>>
    %dma_start3A_358 = arith.constant 0 : i32
    %dma_start3A_359 = tpu.memref_slice %arg7[%dma_start3A_352, %dma_start3A_358] : memref<26x128xi32, #tpu.memory_space<vmem>> -> memref<1x128xi32, #tpu.memory_space<vmem>>
    %dma_start3A_360 = tpu.memref_squeeze %dma_start3A_359 : memref<1x128xi32, #tpu.memory_space<vmem>> -> memref<128xi32, #tpu.memory_space<vmem>>
    %dma_start3A_361 = arith.constant 0 : i32
    %dma_start3A_362 = arith.constant 0 : i32
    %dma_start3A_363 = tpu.memref_slice %arg3[%dma_start3A_361, %dma_start3A_362] : memref<1000000x32xf32, #tpu.memory_space<hbm>> -> memref<1000000x32xf32, #tpu.memory_space<hbm>>
    tpu.enqueue_indirect_dma source(%dma_start3A_363 : memref<1000000x32xf32, #tpu.memory_space<hbm>>) target(%dma_start3A_357 : memref<128x32xf32, #tpu.memory_space<vmem>>) offsets(%dma_start3A_360 : memref<128xi32, #tpu.memory_space<vmem>>) semaphore(%arg11 : memref<!tpu.dma_semaphore, #tpu.memory_space<semaphore_mem>>)
    %dma_wait3A = arith.constant 0 : i32
    %dma_wait3A_364 = arith.constant 0 : i32
    %dma_wait3A_365 = arith.constant 0 : i32
    %dma_wait3A_366 = arith.constant 0 : i32
    %dma_wait3A_367 = tpu.memref_slice %arg8[%dma_wait3A_364, %dma_wait3A_365, %dma_wait3A_366] : memref<13x128x32xf32, #tpu.memory_space<vmem>> -> memref<1x128x32xf32, #tpu.memory_space<vmem>>
    %dma_wait3A_368 = tpu.memref_squeeze %dma_wait3A_367 : memref<1x128x32xf32, #tpu.memory_space<vmem>> -> memref<128x32xf32, #tpu.memory_space<vmem>>
    %dma_wait3A_369 = arith.constant 0 : i32
    %dma_wait3A_370 = tpu.memref_slice %arg7[%dma_wait3A, %dma_wait3A_369] : memref<26x128xi32, #tpu.memory_space<vmem>> -> memref<1x128xi32, #tpu.memory_space<vmem>>
    %dma_wait3A_371 = tpu.memref_squeeze %dma_wait3A_370 : memref<1x128xi32, #tpu.memory_space<vmem>> -> memref<128xi32, #tpu.memory_space<vmem>>
    %dma_wait3A_372 = arith.constant 0 : i32
    %dma_wait3A_373 = arith.constant 0 : i32
    %dma_wait3A_374 = tpu.memref_slice %arg3[%dma_wait3A_372, %dma_wait3A_373] : memref<1000000x32xf32, #tpu.memory_space<hbm>> -> memref<1000000x32xf32, #tpu.memory_space<hbm>>
    tpu.wait_indirect_dma semaphore(%arg11 : memref<!tpu.dma_semaphore, #tpu.memory_space<semaphore_mem>>) src(%dma_wait3A_374 : memref<1000000x32xf32, #tpu.memory_space<hbm>>) dst(%dma_wait3A_368 : memref<128x32xf32, #tpu.memory_space<vmem>>)
    %dma_wait3A_375 = arith.constant 1 : i32
    %dma_wait3A_376 = arith.constant 1 : i32
    %dma_wait3A_377 = arith.constant 0 : i32
    %dma_wait3A_378 = arith.constant 0 : i32
    %dma_wait3A_379 = tpu.memref_slice %arg8[%dma_wait3A_376, %dma_wait3A_377, %dma_wait3A_378] : memref<13x128x32xf32, #tpu.memory_space<vmem>> -> memref<1x128x32xf32, #tpu.memory_space<vmem>>
    %dma_wait3A_380 = tpu.memref_squeeze %dma_wait3A_379 : memref<1x128x32xf32, #tpu.memory_space<vmem>> -> memref<128x32xf32, #tpu.memory_space<vmem>>
    %dma_wait3A_381 = arith.constant 0 : i32
    %dma_wait3A_382 = tpu.memref_slice %arg7[%dma_wait3A_375, %dma_wait3A_381] : memref<26x128xi32, #tpu.memory_space<vmem>> -> memref<1x128xi32, #tpu.memory_space<vmem>>
    %dma_wait3A_383 = tpu.memref_squeeze %dma_wait3A_382 : memref<1x128xi32, #tpu.memory_space<vmem>> -> memref<128xi32, #tpu.memory_space<vmem>>
    %dma_wait3A_384 = arith.constant 0 : i32
    %dma_wait3A_385 = arith.constant 0 : i32
    %dma_wait3A_386 = tpu.memref_slice %arg3[%dma_wait3A_384, %dma_wait3A_385] : memref<1000000x32xf32, #tpu.memory_space<hbm>> -> memref<1000000x32xf32, #tpu.memory_space<hbm>>
    tpu.wait_indirect_dma semaphore(%arg11 : memref<!tpu.dma_semaphore, #tpu.memory_space<semaphore_mem>>) src(%dma_wait3A_386 : memref<1000000x32xf32, #tpu.memory_space<hbm>>) dst(%dma_wait3A_380 : memref<128x32xf32, #tpu.memory_space<vmem>>)
    %dma_wait3A_387 = arith.constant 2 : i32
    %dma_wait3A_388 = arith.constant 2 : i32
    %dma_wait3A_389 = arith.constant 0 : i32
    %dma_wait3A_390 = arith.constant 0 : i32
    %dma_wait3A_391 = tpu.memref_slice %arg8[%dma_wait3A_388, %dma_wait3A_389, %dma_wait3A_390] : memref<13x128x32xf32, #tpu.memory_space<vmem>> -> memref<1x128x32xf32, #tpu.memory_space<vmem>>
    %dma_wait3A_392 = tpu.memref_squeeze %dma_wait3A_391 : memref<1x128x32xf32, #tpu.memory_space<vmem>> -> memref<128x32xf32, #tpu.memory_space<vmem>>
    %dma_wait3A_393 = arith.constant 0 : i32
    %dma_wait3A_394 = tpu.memref_slice %arg7[%dma_wait3A_387, %dma_wait3A_393] : memref<26x128xi32, #tpu.memory_space<vmem>> -> memref<1x128xi32, #tpu.memory_space<vmem>>
    %dma_wait3A_395 = tpu.memref_squeeze %dma_wait3A_394 : memref<1x128xi32, #tpu.memory_space<vmem>> -> memref<128xi32, #tpu.memory_space<vmem>>
    %dma_wait3A_396 = arith.constant 0 : i32
    %dma_wait3A_397 = arith.constant 0 : i32
    %dma_wait3A_398 = tpu.memref_slice %arg3[%dma_wait3A_396, %dma_wait3A_397] : memref<1000000x32xf32, #tpu.memory_space<hbm>> -> memref<1000000x32xf32, #tpu.memory_space<hbm>>
    tpu.wait_indirect_dma semaphore(%arg11 : memref<!tpu.dma_semaphore, #tpu.memory_space<semaphore_mem>>) src(%dma_wait3A_398 : memref<1000000x32xf32, #tpu.memory_space<hbm>>) dst(%dma_wait3A_392 : memref<128x32xf32, #tpu.memory_space<vmem>>)
    %dma_wait3A_399 = arith.constant 3 : i32
    %dma_wait3A_400 = arith.constant 3 : i32
    %dma_wait3A_401 = arith.constant 0 : i32
    %dma_wait3A_402 = arith.constant 0 : i32
    %dma_wait3A_403 = tpu.memref_slice %arg8[%dma_wait3A_400, %dma_wait3A_401, %dma_wait3A_402] : memref<13x128x32xf32, #tpu.memory_space<vmem>> -> memref<1x128x32xf32, #tpu.memory_space<vmem>>
    %dma_wait3A_404 = tpu.memref_squeeze %dma_wait3A_403 : memref<1x128x32xf32, #tpu.memory_space<vmem>> -> memref<128x32xf32, #tpu.memory_space<vmem>>
    %dma_wait3A_405 = arith.constant 0 : i32
    %dma_wait3A_406 = tpu.memref_slice %arg7[%dma_wait3A_399, %dma_wait3A_405] : memref<26x128xi32, #tpu.memory_space<vmem>> -> memref<1x128xi32, #tpu.memory_space<vmem>>
    %dma_wait3A_407 = tpu.memref_squeeze %dma_wait3A_406 : memref<1x128xi32, #tpu.memory_space<vmem>> -> memref<128xi32, #tpu.memory_space<vmem>>
    %dma_wait3A_408 = arith.constant 0 : i32
    %dma_wait3A_409 = arith.constant 0 : i32
    %dma_wait3A_410 = tpu.memref_slice %arg3[%dma_wait3A_408, %dma_wait3A_409] : memref<1000000x32xf32, #tpu.memory_space<hbm>> -> memref<1000000x32xf32, #tpu.memory_space<hbm>>
    tpu.wait_indirect_dma semaphore(%arg11 : memref<!tpu.dma_semaphore, #tpu.memory_space<semaphore_mem>>) src(%dma_wait3A_410 : memref<1000000x32xf32, #tpu.memory_space<hbm>>) dst(%dma_wait3A_404 : memref<128x32xf32, #tpu.memory_space<vmem>>)
    %dma_wait3A_411 = arith.constant 4 : i32
    %dma_wait3A_412 = arith.constant 4 : i32
    %dma_wait3A_413 = arith.constant 0 : i32
    %dma_wait3A_414 = arith.constant 0 : i32
    %dma_wait3A_415 = tpu.memref_slice %arg8[%dma_wait3A_412, %dma_wait3A_413, %dma_wait3A_414] : memref<13x128x32xf32, #tpu.memory_space<vmem>> -> memref<1x128x32xf32, #tpu.memory_space<vmem>>
    %dma_wait3A_416 = tpu.memref_squeeze %dma_wait3A_415 : memref<1x128x32xf32, #tpu.memory_space<vmem>> -> memref<128x32xf32, #tpu.memory_space<vmem>>
    %dma_wait3A_417 = arith.constant 0 : i32
    %dma_wait3A_418 = tpu.memref_slice %arg7[%dma_wait3A_411, %dma_wait3A_417] : memref<26x128xi32, #tpu.memory_space<vmem>> -> memref<1x128xi32, #tpu.memory_space<vmem>>
    %dma_wait3A_419 = tpu.memref_squeeze %dma_wait3A_418 : memref<1x128xi32, #tpu.memory_space<vmem>> -> memref<128xi32, #tpu.memory_space<vmem>>
    %dma_wait3A_420 = arith.constant 0 : i32
    %dma_wait3A_421 = arith.constant 0 : i32
    %dma_wait3A_422 = tpu.memref_slice %arg3[%dma_wait3A_420, %dma_wait3A_421] : memref<1000000x32xf32, #tpu.memory_space<hbm>> -> memref<1000000x32xf32, #tpu.memory_space<hbm>>
    tpu.wait_indirect_dma semaphore(%arg11 : memref<!tpu.dma_semaphore, #tpu.memory_space<semaphore_mem>>) src(%dma_wait3A_422 : memref<1000000x32xf32, #tpu.memory_space<hbm>>) dst(%dma_wait3A_416 : memref<128x32xf32, #tpu.memory_space<vmem>>)
    %dma_wait3A_423 = arith.constant 5 : i32
    %dma_wait3A_424 = arith.constant 5 : i32
    %dma_wait3A_425 = arith.constant 0 : i32
    %dma_wait3A_426 = arith.constant 0 : i32
    %dma_wait3A_427 = tpu.memref_slice %arg8[%dma_wait3A_424, %dma_wait3A_425, %dma_wait3A_426] : memref<13x128x32xf32, #tpu.memory_space<vmem>> -> memref<1x128x32xf32, #tpu.memory_space<vmem>>
    %dma_wait3A_428 = tpu.memref_squeeze %dma_wait3A_427 : memref<1x128x32xf32, #tpu.memory_space<vmem>> -> memref<128x32xf32, #tpu.memory_space<vmem>>
    %dma_wait3A_429 = arith.constant 0 : i32
    %dma_wait3A_430 = tpu.memref_slice %arg7[%dma_wait3A_423, %dma_wait3A_429] : memref<26x128xi32, #tpu.memory_space<vmem>> -> memref<1x128xi32, #tpu.memory_space<vmem>>
    %dma_wait3A_431 = tpu.memref_squeeze %dma_wait3A_430 : memref<1x128xi32, #tpu.memory_space<vmem>> -> memref<128xi32, #tpu.memory_space<vmem>>
    %dma_wait3A_432 = arith.constant 0 : i32
    %dma_wait3A_433 = arith.constant 0 : i32
    %dma_wait3A_434 = tpu.memref_slice %arg3[%dma_wait3A_432, %dma_wait3A_433] : memref<1000000x32xf32, #tpu.memory_space<hbm>> -> memref<1000000x32xf32, #tpu.memory_space<hbm>>
    tpu.wait_indirect_dma semaphore(%arg11 : memref<!tpu.dma_semaphore, #tpu.memory_space<semaphore_mem>>) src(%dma_wait3A_434 : memref<1000000x32xf32, #tpu.memory_space<hbm>>) dst(%dma_wait3A_428 : memref<128x32xf32, #tpu.memory_space<vmem>>)
    %dma_wait3A_435 = arith.constant 6 : i32
    %dma_wait3A_436 = arith.constant 6 : i32
    %dma_wait3A_437 = arith.constant 0 : i32
    %dma_wait3A_438 = arith.constant 0 : i32
    %dma_wait3A_439 = tpu.memref_slice %arg8[%dma_wait3A_436, %dma_wait3A_437, %dma_wait3A_438] : memref<13x128x32xf32, #tpu.memory_space<vmem>> -> memref<1x128x32xf32, #tpu.memory_space<vmem>>
    %dma_wait3A_440 = tpu.memref_squeeze %dma_wait3A_439 : memref<1x128x32xf32, #tpu.memory_space<vmem>> -> memref<128x32xf32, #tpu.memory_space<vmem>>
    %dma_wait3A_441 = arith.constant 0 : i32
    %dma_wait3A_442 = tpu.memref_slice %arg7[%dma_wait3A_435, %dma_wait3A_441] : memref<26x128xi32, #tpu.memory_space<vmem>> -> memref<1x128xi32, #tpu.memory_space<vmem>>
    %dma_wait3A_443 = tpu.memref_squeeze %dma_wait3A_442 : memref<1x128xi32, #tpu.memory_space<vmem>> -> memref<128xi32, #tpu.memory_space<vmem>>
    %dma_wait3A_444 = arith.constant 0 : i32
    %dma_wait3A_445 = arith.constant 0 : i32
    %dma_wait3A_446 = tpu.memref_slice %arg3[%dma_wait3A_444, %dma_wait3A_445] : memref<1000000x32xf32, #tpu.memory_space<hbm>> -> memref<1000000x32xf32, #tpu.memory_space<hbm>>
    tpu.wait_indirect_dma semaphore(%arg11 : memref<!tpu.dma_semaphore, #tpu.memory_space<semaphore_mem>>) src(%dma_wait3A_446 : memref<1000000x32xf32, #tpu.memory_space<hbm>>) dst(%dma_wait3A_440 : memref<128x32xf32, #tpu.memory_space<vmem>>)
    %dma_wait3A_447 = arith.constant 7 : i32
    %dma_wait3A_448 = arith.constant 7 : i32
    %dma_wait3A_449 = arith.constant 0 : i32
    %dma_wait3A_450 = arith.constant 0 : i32
    %dma_wait3A_451 = tpu.memref_slice %arg8[%dma_wait3A_448, %dma_wait3A_449, %dma_wait3A_450] : memref<13x128x32xf32, #tpu.memory_space<vmem>> -> memref<1x128x32xf32, #tpu.memory_space<vmem>>
    %dma_wait3A_452 = tpu.memref_squeeze %dma_wait3A_451 : memref<1x128x32xf32, #tpu.memory_space<vmem>> -> memref<128x32xf32, #tpu.memory_space<vmem>>
    %dma_wait3A_453 = arith.constant 0 : i32
    %dma_wait3A_454 = tpu.memref_slice %arg7[%dma_wait3A_447, %dma_wait3A_453] : memref<26x128xi32, #tpu.memory_space<vmem>> -> memref<1x128xi32, #tpu.memory_space<vmem>>
    %dma_wait3A_455 = tpu.memref_squeeze %dma_wait3A_454 : memref<1x128xi32, #tpu.memory_space<vmem>> -> memref<128xi32, #tpu.memory_space<vmem>>
    %dma_wait3A_456 = arith.constant 0 : i32
    %dma_wait3A_457 = arith.constant 0 : i32
    %dma_wait3A_458 = tpu.memref_slice %arg3[%dma_wait3A_456, %dma_wait3A_457] : memref<1000000x32xf32, #tpu.memory_space<hbm>> -> memref<1000000x32xf32, #tpu.memory_space<hbm>>
    tpu.wait_indirect_dma semaphore(%arg11 : memref<!tpu.dma_semaphore, #tpu.memory_space<semaphore_mem>>) src(%dma_wait3A_458 : memref<1000000x32xf32, #tpu.memory_space<hbm>>) dst(%dma_wait3A_452 : memref<128x32xf32, #tpu.memory_space<vmem>>)
    %dma_wait3A_459 = arith.constant 8 : i32
    %dma_wait3A_460 = arith.constant 8 : i32
    %dma_wait3A_461 = arith.constant 0 : i32
    %dma_wait3A_462 = arith.constant 0 : i32
    %dma_wait3A_463 = tpu.memref_slice %arg8[%dma_wait3A_460, %dma_wait3A_461, %dma_wait3A_462] : memref<13x128x32xf32, #tpu.memory_space<vmem>> -> memref<1x128x32xf32, #tpu.memory_space<vmem>>
    %dma_wait3A_464 = tpu.memref_squeeze %dma_wait3A_463 : memref<1x128x32xf32, #tpu.memory_space<vmem>> -> memref<128x32xf32, #tpu.memory_space<vmem>>
    %dma_wait3A_465 = arith.constant 0 : i32
    %dma_wait3A_466 = tpu.memref_slice %arg7[%dma_wait3A_459, %dma_wait3A_465] : memref<26x128xi32, #tpu.memory_space<vmem>> -> memref<1x128xi32, #tpu.memory_space<vmem>>
    %dma_wait3A_467 = tpu.memref_squeeze %dma_wait3A_466 : memref<1x128xi32, #tpu.memory_space<vmem>> -> memref<128xi32, #tpu.memory_space<vmem>>
    %dma_wait3A_468 = arith.constant 0 : i32
    %dma_wait3A_469 = arith.constant 0 : i32
    %dma_wait3A_470 = tpu.memref_slice %arg3[%dma_wait3A_468, %dma_wait3A_469] : memref<1000000x32xf32, #tpu.memory_space<hbm>> -> memref<1000000x32xf32, #tpu.memory_space<hbm>>
    tpu.wait_indirect_dma semaphore(%arg11 : memref<!tpu.dma_semaphore, #tpu.memory_space<semaphore_mem>>) src(%dma_wait3A_470 : memref<1000000x32xf32, #tpu.memory_space<hbm>>) dst(%dma_wait3A_464 : memref<128x32xf32, #tpu.memory_space<vmem>>)
    %dma_wait3A_471 = arith.constant 9 : i32
    %dma_wait3A_472 = arith.constant 9 : i32
    %dma_wait3A_473 = arith.constant 0 : i32
    %dma_wait3A_474 = arith.constant 0 : i32
    %dma_wait3A_475 = tpu.memref_slice %arg8[%dma_wait3A_472, %dma_wait3A_473, %dma_wait3A_474] : memref<13x128x32xf32, #tpu.memory_space<vmem>> -> memref<1x128x32xf32, #tpu.memory_space<vmem>>
    %dma_wait3A_476 = tpu.memref_squeeze %dma_wait3A_475 : memref<1x128x32xf32, #tpu.memory_space<vmem>> -> memref<128x32xf32, #tpu.memory_space<vmem>>
    %dma_wait3A_477 = arith.constant 0 : i32
    %dma_wait3A_478 = tpu.memref_slice %arg7[%dma_wait3A_471, %dma_wait3A_477] : memref<26x128xi32, #tpu.memory_space<vmem>> -> memref<1x128xi32, #tpu.memory_space<vmem>>
    %dma_wait3A_479 = tpu.memref_squeeze %dma_wait3A_478 : memref<1x128xi32, #tpu.memory_space<vmem>> -> memref<128xi32, #tpu.memory_space<vmem>>
    %dma_wait3A_480 = arith.constant 0 : i32
    %dma_wait3A_481 = arith.constant 0 : i32
    %dma_wait3A_482 = tpu.memref_slice %arg3[%dma_wait3A_480, %dma_wait3A_481] : memref<1000000x32xf32, #tpu.memory_space<hbm>> -> memref<1000000x32xf32, #tpu.memory_space<hbm>>
    tpu.wait_indirect_dma semaphore(%arg11 : memref<!tpu.dma_semaphore, #tpu.memory_space<semaphore_mem>>) src(%dma_wait3A_482 : memref<1000000x32xf32, #tpu.memory_space<hbm>>) dst(%dma_wait3A_476 : memref<128x32xf32, #tpu.memory_space<vmem>>)
    %dma_wait3A_483 = arith.constant 10 : i32
    %dma_wait3A_484 = arith.constant 10 : i32
    %dma_wait3A_485 = arith.constant 0 : i32
    %dma_wait3A_486 = arith.constant 0 : i32
    %dma_wait3A_487 = tpu.memref_slice %arg8[%dma_wait3A_484, %dma_wait3A_485, %dma_wait3A_486] : memref<13x128x32xf32, #tpu.memory_space<vmem>> -> memref<1x128x32xf32, #tpu.memory_space<vmem>>
    %dma_wait3A_488 = tpu.memref_squeeze %dma_wait3A_487 : memref<1x128x32xf32, #tpu.memory_space<vmem>> -> memref<128x32xf32, #tpu.memory_space<vmem>>
    %dma_wait3A_489 = arith.constant 0 : i32
    %dma_wait3A_490 = tpu.memref_slice %arg7[%dma_wait3A_483, %dma_wait3A_489] : memref<26x128xi32, #tpu.memory_space<vmem>> -> memref<1x128xi32, #tpu.memory_space<vmem>>
    %dma_wait3A_491 = tpu.memref_squeeze %dma_wait3A_490 : memref<1x128xi32, #tpu.memory_space<vmem>> -> memref<128xi32, #tpu.memory_space<vmem>>
    %dma_wait3A_492 = arith.constant 0 : i32
    %dma_wait3A_493 = arith.constant 0 : i32
    %dma_wait3A_494 = tpu.memref_slice %arg3[%dma_wait3A_492, %dma_wait3A_493] : memref<1000000x32xf32, #tpu.memory_space<hbm>> -> memref<1000000x32xf32, #tpu.memory_space<hbm>>
    tpu.wait_indirect_dma semaphore(%arg11 : memref<!tpu.dma_semaphore, #tpu.memory_space<semaphore_mem>>) src(%dma_wait3A_494 : memref<1000000x32xf32, #tpu.memory_space<hbm>>) dst(%dma_wait3A_488 : memref<128x32xf32, #tpu.memory_space<vmem>>)
    %dma_wait3A_495 = arith.constant 11 : i32
    %dma_wait3A_496 = arith.constant 11 : i32
    %dma_wait3A_497 = arith.constant 0 : i32
    %dma_wait3A_498 = arith.constant 0 : i32
    %dma_wait3A_499 = tpu.memref_slice %arg8[%dma_wait3A_496, %dma_wait3A_497, %dma_wait3A_498] : memref<13x128x32xf32, #tpu.memory_space<vmem>> -> memref<1x128x32xf32, #tpu.memory_space<vmem>>
    %dma_wait3A_500 = tpu.memref_squeeze %dma_wait3A_499 : memref<1x128x32xf32, #tpu.memory_space<vmem>> -> memref<128x32xf32, #tpu.memory_space<vmem>>
    %dma_wait3A_501 = arith.constant 0 : i32
    %dma_wait3A_502 = tpu.memref_slice %arg7[%dma_wait3A_495, %dma_wait3A_501] : memref<26x128xi32, #tpu.memory_space<vmem>> -> memref<1x128xi32, #tpu.memory_space<vmem>>
    %dma_wait3A_503 = tpu.memref_squeeze %dma_wait3A_502 : memref<1x128xi32, #tpu.memory_space<vmem>> -> memref<128xi32, #tpu.memory_space<vmem>>
    %dma_wait3A_504 = arith.constant 0 : i32
    %dma_wait3A_505 = arith.constant 0 : i32
    %dma_wait3A_506 = tpu.memref_slice %arg3[%dma_wait3A_504, %dma_wait3A_505] : memref<1000000x32xf32, #tpu.memory_space<hbm>> -> memref<1000000x32xf32, #tpu.memory_space<hbm>>
    tpu.wait_indirect_dma semaphore(%arg11 : memref<!tpu.dma_semaphore, #tpu.memory_space<semaphore_mem>>) src(%dma_wait3A_506 : memref<1000000x32xf32, #tpu.memory_space<hbm>>) dst(%dma_wait3A_500 : memref<128x32xf32, #tpu.memory_space<vmem>>)
    %dma_wait3A_507 = arith.constant 12 : i32
    %dma_wait3A_508 = arith.constant 12 : i32
    %dma_wait3A_509 = arith.constant 0 : i32
    %dma_wait3A_510 = arith.constant 0 : i32
    %dma_wait3A_511 = tpu.memref_slice %arg8[%dma_wait3A_508, %dma_wait3A_509, %dma_wait3A_510] : memref<13x128x32xf32, #tpu.memory_space<vmem>> -> memref<1x128x32xf32, #tpu.memory_space<vmem>>
    %dma_wait3A_512 = tpu.memref_squeeze %dma_wait3A_511 : memref<1x128x32xf32, #tpu.memory_space<vmem>> -> memref<128x32xf32, #tpu.memory_space<vmem>>
    %dma_wait3A_513 = arith.constant 0 : i32
    %dma_wait3A_514 = tpu.memref_slice %arg7[%dma_wait3A_507, %dma_wait3A_513] : memref<26x128xi32, #tpu.memory_space<vmem>> -> memref<1x128xi32, #tpu.memory_space<vmem>>
    %dma_wait3A_515 = tpu.memref_squeeze %dma_wait3A_514 : memref<1x128xi32, #tpu.memory_space<vmem>> -> memref<128xi32, #tpu.memory_space<vmem>>
    %dma_wait3A_516 = arith.constant 0 : i32
    %dma_wait3A_517 = arith.constant 0 : i32
    %dma_wait3A_518 = tpu.memref_slice %arg3[%dma_wait3A_516, %dma_wait3A_517] : memref<1000000x32xf32, #tpu.memory_space<hbm>> -> memref<1000000x32xf32, #tpu.memory_space<hbm>>
    tpu.wait_indirect_dma semaphore(%arg11 : memref<!tpu.dma_semaphore, #tpu.memory_space<semaphore_mem>>) src(%dma_wait3A_518 : memref<1000000x32xf32, #tpu.memory_space<hbm>>) dst(%dma_wait3A_512 : memref<128x32xf32, #tpu.memory_space<vmem>>)
    %mul3A_519 = arith.constant 26 : i32
    %mul3A_520 = arith.muli %add3A, %mul3A_519 : i32
    %add3A_521 = arith.constant 0 : i32
    %add3A_522 = arith.addi %mul3A_520, %add3A_521 : i32
    "tpu.region"() ({
      %run_scoped3A = tpu.sem_alloc : memref<!tpu.dma_semaphore, #tpu.memory_space<semaphore_mem>>
      %dma_start3A_2166 = arith.constant 0 : i32
      %dma_start3A_2167 = arith.constant 0 : i32
      %dma_start3A_2168 = tpu.memref_slice %arg5[%add3A_522, %dma_start3A_2166, %dma_start3A_2167] : memref<832x128x32xf32, #tpu.memory_space<hbm>> -> memref<13x128x32xf32, #tpu.memory_space<hbm>>
      %dma_start3A_2169 = arith.constant 0 : i32
      %dma_start3A_2170 = arith.constant 0 : i32
      %dma_start3A_2171 = tpu.memref_slice %arg5[%add3A_522, %dma_start3A_2169, %dma_start3A_2170] : memref<832x128x32xf32, #tpu.memory_space<hbm>> -> memref<13x128x32xf32, #tpu.memory_space<hbm>>
      tpu.enqueue_dma source(%arg8 : memref<13x128x32xf32, #tpu.memory_space<vmem>>) target(%dma_start3A_2171 : memref<13x128x32xf32, #tpu.memory_space<hbm>>) target_semaphore(%run_scoped3A : memref<!tpu.dma_semaphore, #tpu.memory_space<semaphore_mem>>)
      %dma_wait3A_2172 = arith.constant 0 : i32
      %dma_wait3A_2173 = arith.constant 0 : i32
      %dma_wait3A_2174 = tpu.memref_slice %arg5[%add3A_522, %dma_wait3A_2172, %dma_wait3A_2173] : memref<832x128x32xf32, #tpu.memory_space<hbm>> -> memref<13x128x32xf32, #tpu.memory_space<hbm>>
      %dma_wait3A_2175 = arith.constant 0 : i32
      %dma_wait3A_2176 = arith.constant 0 : i32
      %dma_wait3A_2177 = tpu.memref_slice %arg5[%add3A_522, %dma_wait3A_2175, %dma_wait3A_2176] : memref<832x128x32xf32, #tpu.memory_space<hbm>> -> memref<13x128x32xf32, #tpu.memory_space<hbm>>
      tpu.wait_dma2 semaphore(%run_scoped3A : memref<!tpu.dma_semaphore, #tpu.memory_space<semaphore_mem>>) src(%arg8 : memref<13x128x32xf32, #tpu.memory_space<vmem>>) dst(%dma_wait3A_2177 : memref<13x128x32xf32, #tpu.memory_space<hbm>>)
      tpu.yield
    }) : () -> ()
    %dma_start3A_523 = arith.constant 13 : i32
    %dma_start3A_524 = arith.constant 0 : i32
    %dma_start3A_525 = arith.constant 0 : i32
    %dma_start3A_526 = arith.constant 0 : i32
    %dma_start3A_527 = tpu.memref_slice %arg8[%dma_start3A_524, %dma_start3A_525, %dma_start3A_526] : memref<13x128x32xf32, #tpu.memory_space<vmem>> -> memref<1x128x32xf32, #tpu.memory_space<vmem>>
    %dma_start3A_528 = tpu.memref_squeeze %dma_start3A_527 : memref<1x128x32xf32, #tpu.memory_space<vmem>> -> memref<128x32xf32, #tpu.memory_space<vmem>>
    %dma_start3A_529 = arith.constant 0 : i32
    %dma_start3A_530 = tpu.memref_slice %arg7[%dma_start3A_523, %dma_start3A_529] : memref<26x128xi32, #tpu.memory_space<vmem>> -> memref<1x128xi32, #tpu.memory_space<vmem>>
    %dma_start3A_531 = tpu.memref_squeeze %dma_start3A_530 : memref<1x128xi32, #tpu.memory_space<vmem>> -> memref<128xi32, #tpu.memory_space<vmem>>
    %dma_start3A_532 = arith.constant 0 : i32
    %dma_start3A_533 = arith.constant 0 : i32
    %dma_start3A_534 = tpu.memref_slice %arg3[%dma_start3A_532, %dma_start3A_533] : memref<1000000x32xf32, #tpu.memory_space<hbm>> -> memref<1000000x32xf32, #tpu.memory_space<hbm>>
    tpu.enqueue_indirect_dma source(%dma_start3A_534 : memref<1000000x32xf32, #tpu.memory_space<hbm>>) target(%dma_start3A_528 : memref<128x32xf32, #tpu.memory_space<vmem>>) offsets(%dma_start3A_531 : memref<128xi32, #tpu.memory_space<vmem>>) semaphore(%arg11 : memref<!tpu.dma_semaphore, #tpu.memory_space<semaphore_mem>>)
    %dma_start3A_535 = arith.constant 14 : i32
    %dma_start3A_536 = arith.constant 1 : i32
    %dma_start3A_537 = arith.constant 0 : i32
    %dma_start3A_538 = arith.constant 0 : i32
    %dma_start3A_539 = tpu.memref_slice %arg8[%dma_start3A_536, %dma_start3A_537, %dma_start3A_538] : memref<13x128x32xf32, #tpu.memory_space<vmem>> -> memref<1x128x32xf32, #tpu.memory_space<vmem>>
    %dma_start3A_540 = tpu.memref_squeeze %dma_start3A_539 : memref<1x128x32xf32, #tpu.memory_space<vmem>> -> memref<128x32xf32, #tpu.memory_space<vmem>>
    %dma_start3A_541 = arith.constant 0 : i32
    %dma_start3A_542 = tpu.memref_slice %arg7[%dma_start3A_535, %dma_start3A_541] : memref<26x128xi32, #tpu.memory_space<vmem>> -> memref<1x128xi32, #tpu.memory_space<vmem>>
    %dma_start3A_543 = tpu.memref_squeeze %dma_start3A_542 : memref<1x128xi32, #tpu.memory_space<vmem>> -> memref<128xi32, #tpu.memory_space<vmem>>
    %dma_start3A_544 = arith.constant 0 : i32
    %dma_start3A_545 = arith.constant 0 : i32
    %dma_start3A_546 = tpu.memref_slice %arg3[%dma_start3A_544, %dma_start3A_545] : memref<1000000x32xf32, #tpu.memory_space<hbm>> -> memref<1000000x32xf32, #tpu.memory_space<hbm>>
    tpu.enqueue_indirect_dma source(%dma_start3A_546 : memref<1000000x32xf32, #tpu.memory_space<hbm>>) target(%dma_start3A_540 : memref<128x32xf32, #tpu.memory_space<vmem>>) offsets(%dma_start3A_543 : memref<128xi32, #tpu.memory_space<vmem>>) semaphore(%arg11 : memref<!tpu.dma_semaphore, #tpu.memory_space<semaphore_mem>>)
    %dma_start3A_547 = arith.constant 15 : i32
    %dma_start3A_548 = arith.constant 2 : i32
    %dma_start3A_549 = arith.constant 0 : i32
    %dma_start3A_550 = arith.constant 0 : i32
    %dma_start3A_551 = tpu.memref_slice %arg8[%dma_start3A_548, %dma_start3A_549, %dma_start3A_550] : memref<13x128x32xf32, #tpu.memory_space<vmem>> -> memref<1x128x32xf32, #tpu.memory_space<vmem>>
    %dma_start3A_552 = tpu.memref_squeeze %dma_start3A_551 : memref<1x128x32xf32, #tpu.memory_space<vmem>> -> memref<128x32xf32, #tpu.memory_space<vmem>>
    %dma_start3A_553 = arith.constant 0 : i32
    %dma_start3A_554 = tpu.memref_slice %arg7[%dma_start3A_547, %dma_start3A_553] : memref<26x128xi32, #tpu.memory_space<vmem>> -> memref<1x128xi32, #tpu.memory_space<vmem>>
    %dma_start3A_555 = tpu.memref_squeeze %dma_start3A_554 : memref<1x128xi32, #tpu.memory_space<vmem>> -> memref<128xi32, #tpu.memory_space<vmem>>
    %dma_start3A_556 = arith.constant 0 : i32
    %dma_start3A_557 = arith.constant 0 : i32
    %dma_start3A_558 = tpu.memref_slice %arg3[%dma_start3A_556, %dma_start3A_557] : memref<1000000x32xf32, #tpu.memory_space<hbm>> -> memref<1000000x32xf32, #tpu.memory_space<hbm>>
    tpu.enqueue_indirect_dma source(%dma_start3A_558 : memref<1000000x32xf32, #tpu.memory_space<hbm>>) target(%dma_start3A_552 : memref<128x32xf32, #tpu.memory_space<vmem>>) offsets(%dma_start3A_555 : memref<128xi32, #tpu.memory_space<vmem>>) semaphore(%arg11 : memref<!tpu.dma_semaphore, #tpu.memory_space<semaphore_mem>>)
    %dma_start3A_559 = arith.constant 16 : i32
    %dma_start3A_560 = arith.constant 3 : i32
    %dma_start3A_561 = arith.constant 0 : i32
    %dma_start3A_562 = arith.constant 0 : i32
    %dma_start3A_563 = tpu.memref_slice %arg8[%dma_start3A_560, %dma_start3A_561, %dma_start3A_562] : memref<13x128x32xf32, #tpu.memory_space<vmem>> -> memref<1x128x32xf32, #tpu.memory_space<vmem>>
    %dma_start3A_564 = tpu.memref_squeeze %dma_start3A_563 : memref<1x128x32xf32, #tpu.memory_space<vmem>> -> memref<128x32xf32, #tpu.memory_space<vmem>>
    %dma_start3A_565 = arith.constant 0 : i32
    %dma_start3A_566 = tpu.memref_slice %arg7[%dma_start3A_559, %dma_start3A_565] : memref<26x128xi32, #tpu.memory_space<vmem>> -> memref<1x128xi32, #tpu.memory_space<vmem>>
    %dma_start3A_567 = tpu.memref_squeeze %dma_start3A_566 : memref<1x128xi32, #tpu.memory_space<vmem>> -> memref<128xi32, #tpu.memory_space<vmem>>
    %dma_start3A_568 = arith.constant 0 : i32
    %dma_start3A_569 = arith.constant 0 : i32
    %dma_start3A_570 = tpu.memref_slice %arg3[%dma_start3A_568, %dma_start3A_569] : memref<1000000x32xf32, #tpu.memory_space<hbm>> -> memref<1000000x32xf32, #tpu.memory_space<hbm>>
    tpu.enqueue_indirect_dma source(%dma_start3A_570 : memref<1000000x32xf32, #tpu.memory_space<hbm>>) target(%dma_start3A_564 : memref<128x32xf32, #tpu.memory_space<vmem>>) offsets(%dma_start3A_567 : memref<128xi32, #tpu.memory_space<vmem>>) semaphore(%arg11 : memref<!tpu.dma_semaphore, #tpu.memory_space<semaphore_mem>>)
    %dma_start3A_571 = arith.constant 17 : i32
    %dma_start3A_572 = arith.constant 4 : i32
    %dma_start3A_573 = arith.constant 0 : i32
    %dma_start3A_574 = arith.constant 0 : i32
    %dma_start3A_575 = tpu.memref_slice %arg8[%dma_start3A_572, %dma_start3A_573, %dma_start3A_574] : memref<13x128x32xf32, #tpu.memory_space<vmem>> -> memref<1x128x32xf32, #tpu.memory_space<vmem>>
    %dma_start3A_576 = tpu.memref_squeeze %dma_start3A_575 : memref<1x128x32xf32, #tpu.memory_space<vmem>> -> memref<128x32xf32, #tpu.memory_space<vmem>>
    %dma_start3A_577 = arith.constant 0 : i32
    %dma_start3A_578 = tpu.memref_slice %arg7[%dma_start3A_571, %dma_start3A_577] : memref<26x128xi32, #tpu.memory_space<vmem>> -> memref<1x128xi32, #tpu.memory_space<vmem>>
    %dma_start3A_579 = tpu.memref_squeeze %dma_start3A_578 : memref<1x128xi32, #tpu.memory_space<vmem>> -> memref<128xi32, #tpu.memory_space<vmem>>
    %dma_start3A_580 = arith.constant 0 : i32
    %dma_start3A_581 = arith.constant 0 : i32
    %dma_start3A_582 = tpu.memref_slice %arg3[%dma_start3A_580, %dma_start3A_581] : memref<1000000x32xf32, #tpu.memory_space<hbm>> -> memref<1000000x32xf32, #tpu.memory_space<hbm>>
    tpu.enqueue_indirect_dma source(%dma_start3A_582 : memref<1000000x32xf32, #tpu.memory_space<hbm>>) target(%dma_start3A_576 : memref<128x32xf32, #tpu.memory_space<vmem>>) offsets(%dma_start3A_579 : memref<128xi32, #tpu.memory_space<vmem>>) semaphore(%arg11 : memref<!tpu.dma_semaphore, #tpu.memory_space<semaphore_mem>>)
    %dma_start3A_583 = arith.constant 18 : i32
    %dma_start3A_584 = arith.constant 5 : i32
    %dma_start3A_585 = arith.constant 0 : i32
    %dma_start3A_586 = arith.constant 0 : i32
    %dma_start3A_587 = tpu.memref_slice %arg8[%dma_start3A_584, %dma_start3A_585, %dma_start3A_586] : memref<13x128x32xf32, #tpu.memory_space<vmem>> -> memref<1x128x32xf32, #tpu.memory_space<vmem>>
    %dma_start3A_588 = tpu.memref_squeeze %dma_start3A_587 : memref<1x128x32xf32, #tpu.memory_space<vmem>> -> memref<128x32xf32, #tpu.memory_space<vmem>>
    %dma_start3A_589 = arith.constant 0 : i32
    %dma_start3A_590 = tpu.memref_slice %arg7[%dma_start3A_583, %dma_start3A_589] : memref<26x128xi32, #tpu.memory_space<vmem>> -> memref<1x128xi32, #tpu.memory_space<vmem>>
    %dma_start3A_591 = tpu.memref_squeeze %dma_start3A_590 : memref<1x128xi32, #tpu.memory_space<vmem>> -> memref<128xi32, #tpu.memory_space<vmem>>
    %dma_start3A_592 = arith.constant 0 : i32
    %dma_start3A_593 = arith.constant 0 : i32
    %dma_start3A_594 = tpu.memref_slice %arg3[%dma_start3A_592, %dma_start3A_593] : memref<1000000x32xf32, #tpu.memory_space<hbm>> -> memref<1000000x32xf32, #tpu.memory_space<hbm>>
    tpu.enqueue_indirect_dma source(%dma_start3A_594 : memref<1000000x32xf32, #tpu.memory_space<hbm>>) target(%dma_start3A_588 : memref<128x32xf32, #tpu.memory_space<vmem>>) offsets(%dma_start3A_591 : memref<128xi32, #tpu.memory_space<vmem>>) semaphore(%arg11 : memref<!tpu.dma_semaphore, #tpu.memory_space<semaphore_mem>>)
    %dma_start3A_595 = arith.constant 19 : i32
    %dma_start3A_596 = arith.constant 6 : i32
    %dma_start3A_597 = arith.constant 0 : i32
    %dma_start3A_598 = arith.constant 0 : i32
    %dma_start3A_599 = tpu.memref_slice %arg8[%dma_start3A_596, %dma_start3A_597, %dma_start3A_598] : memref<13x128x32xf32, #tpu.memory_space<vmem>> -> memref<1x128x32xf32, #tpu.memory_space<vmem>>
    %dma_start3A_600 = tpu.memref_squeeze %dma_start3A_599 : memref<1x128x32xf32, #tpu.memory_space<vmem>> -> memref<128x32xf32, #tpu.memory_space<vmem>>
    %dma_start3A_601 = arith.constant 0 : i32
    %dma_start3A_602 = tpu.memref_slice %arg7[%dma_start3A_595, %dma_start3A_601] : memref<26x128xi32, #tpu.memory_space<vmem>> -> memref<1x128xi32, #tpu.memory_space<vmem>>
    %dma_start3A_603 = tpu.memref_squeeze %dma_start3A_602 : memref<1x128xi32, #tpu.memory_space<vmem>> -> memref<128xi32, #tpu.memory_space<vmem>>
    %dma_start3A_604 = arith.constant 0 : i32
    %dma_start3A_605 = arith.constant 0 : i32
    %dma_start3A_606 = tpu.memref_slice %arg3[%dma_start3A_604, %dma_start3A_605] : memref<1000000x32xf32, #tpu.memory_space<hbm>> -> memref<1000000x32xf32, #tpu.memory_space<hbm>>
    tpu.enqueue_indirect_dma source(%dma_start3A_606 : memref<1000000x32xf32, #tpu.memory_space<hbm>>) target(%dma_start3A_600 : memref<128x32xf32, #tpu.memory_space<vmem>>) offsets(%dma_start3A_603 : memref<128xi32, #tpu.memory_space<vmem>>) semaphore(%arg11 : memref<!tpu.dma_semaphore, #tpu.memory_space<semaphore_mem>>)
    %dma_start3A_607 = arith.constant 20 : i32
    %dma_start3A_608 = arith.constant 7 : i32
    %dma_start3A_609 = arith.constant 0 : i32
    %dma_start3A_610 = arith.constant 0 : i32
    %dma_start3A_611 = tpu.memref_slice %arg8[%dma_start3A_608, %dma_start3A_609, %dma_start3A_610] : memref<13x128x32xf32, #tpu.memory_space<vmem>> -> memref<1x128x32xf32, #tpu.memory_space<vmem>>
    %dma_start3A_612 = tpu.memref_squeeze %dma_start3A_611 : memref<1x128x32xf32, #tpu.memory_space<vmem>> -> memref<128x32xf32, #tpu.memory_space<vmem>>
    %dma_start3A_613 = arith.constant 0 : i32
    %dma_start3A_614 = tpu.memref_slice %arg7[%dma_start3A_607, %dma_start3A_613] : memref<26x128xi32, #tpu.memory_space<vmem>> -> memref<1x128xi32, #tpu.memory_space<vmem>>
    %dma_start3A_615 = tpu.memref_squeeze %dma_start3A_614 : memref<1x128xi32, #tpu.memory_space<vmem>> -> memref<128xi32, #tpu.memory_space<vmem>>
    %dma_start3A_616 = arith.constant 0 : i32
    %dma_start3A_617 = arith.constant 0 : i32
    %dma_start3A_618 = tpu.memref_slice %arg3[%dma_start3A_616, %dma_start3A_617] : memref<1000000x32xf32, #tpu.memory_space<hbm>> -> memref<1000000x32xf32, #tpu.memory_space<hbm>>
    tpu.enqueue_indirect_dma source(%dma_start3A_618 : memref<1000000x32xf32, #tpu.memory_space<hbm>>) target(%dma_start3A_612 : memref<128x32xf32, #tpu.memory_space<vmem>>) offsets(%dma_start3A_615 : memref<128xi32, #tpu.memory_space<vmem>>) semaphore(%arg11 : memref<!tpu.dma_semaphore, #tpu.memory_space<semaphore_mem>>)
    %dma_start3A_619 = arith.constant 21 : i32
    %dma_start3A_620 = arith.constant 8 : i32
    %dma_start3A_621 = arith.constant 0 : i32
    %dma_start3A_622 = arith.constant 0 : i32
    %dma_start3A_623 = tpu.memref_slice %arg8[%dma_start3A_620, %dma_start3A_621, %dma_start3A_622] : memref<13x128x32xf32, #tpu.memory_space<vmem>> -> memref<1x128x32xf32, #tpu.memory_space<vmem>>
    %dma_start3A_624 = tpu.memref_squeeze %dma_start3A_623 : memref<1x128x32xf32, #tpu.memory_space<vmem>> -> memref<128x32xf32, #tpu.memory_space<vmem>>
    %dma_start3A_625 = arith.constant 0 : i32
    %dma_start3A_626 = tpu.memref_slice %arg7[%dma_start3A_619, %dma_start3A_625] : memref<26x128xi32, #tpu.memory_space<vmem>> -> memref<1x128xi32, #tpu.memory_space<vmem>>
    %dma_start3A_627 = tpu.memref_squeeze %dma_start3A_626 : memref<1x128xi32, #tpu.memory_space<vmem>> -> memref<128xi32, #tpu.memory_space<vmem>>
    %dma_start3A_628 = arith.constant 0 : i32
    %dma_start3A_629 = arith.constant 0 : i32
    %dma_start3A_630 = tpu.memref_slice %arg3[%dma_start3A_628, %dma_start3A_629] : memref<1000000x32xf32, #tpu.memory_space<hbm>> -> memref<1000000x32xf32, #tpu.memory_space<hbm>>
    tpu.enqueue_indirect_dma source(%dma_start3A_630 : memref<1000000x32xf32, #tpu.memory_space<hbm>>) target(%dma_start3A_624 : memref<128x32xf32, #tpu.memory_space<vmem>>) offsets(%dma_start3A_627 : memref<128xi32, #tpu.memory_space<vmem>>) semaphore(%arg11 : memref<!tpu.dma_semaphore, #tpu.memory_space<semaphore_mem>>)
    %dma_start3A_631 = arith.constant 22 : i32
    %dma_start3A_632 = arith.constant 9 : i32
    %dma_start3A_633 = arith.constant 0 : i32
    %dma_start3A_634 = arith.constant 0 : i32
    %dma_start3A_635 = tpu.memref_slice %arg8[%dma_start3A_632, %dma_start3A_633, %dma_start3A_634] : memref<13x128x32xf32, #tpu.memory_space<vmem>> -> memref<1x128x32xf32, #tpu.memory_space<vmem>>
    %dma_start3A_636 = tpu.memref_squeeze %dma_start3A_635 : memref<1x128x32xf32, #tpu.memory_space<vmem>> -> memref<128x32xf32, #tpu.memory_space<vmem>>
    %dma_start3A_637 = arith.constant 0 : i32
    %dma_start3A_638 = tpu.memref_slice %arg7[%dma_start3A_631, %dma_start3A_637] : memref<26x128xi32, #tpu.memory_space<vmem>> -> memref<1x128xi32, #tpu.memory_space<vmem>>
    %dma_start3A_639 = tpu.memref_squeeze %dma_start3A_638 : memref<1x128xi32, #tpu.memory_space<vmem>> -> memref<128xi32, #tpu.memory_space<vmem>>
    %dma_start3A_640 = arith.constant 0 : i32
    %dma_start3A_641 = arith.constant 0 : i32
    %dma_start3A_642 = tpu.memref_slice %arg3[%dma_start3A_640, %dma_start3A_641] : memref<1000000x32xf32, #tpu.memory_space<hbm>> -> memref<1000000x32xf32, #tpu.memory_space<hbm>>
    tpu.enqueue_indirect_dma source(%dma_start3A_642 : memref<1000000x32xf32, #tpu.memory_space<hbm>>) target(%dma_start3A_636 : memref<128x32xf32, #tpu.memory_space<vmem>>) offsets(%dma_start3A_639 : memref<128xi32, #tpu.memory_space<vmem>>) semaphore(%arg11 : memref<!tpu.dma_semaphore, #tpu.memory_space<semaphore_mem>>)
    %dma_start3A_643 = arith.constant 23 : i32
    %dma_start3A_644 = arith.constant 10 : i32
    %dma_start3A_645 = arith.constant 0 : i32
    %dma_start3A_646 = arith.constant 0 : i32
    %dma_start3A_647 = tpu.memref_slice %arg8[%dma_start3A_644, %dma_start3A_645, %dma_start3A_646] : memref<13x128x32xf32, #tpu.memory_space<vmem>> -> memref<1x128x32xf32, #tpu.memory_space<vmem>>
    %dma_start3A_648 = tpu.memref_squeeze %dma_start3A_647 : memref<1x128x32xf32, #tpu.memory_space<vmem>> -> memref<128x32xf32, #tpu.memory_space<vmem>>
    %dma_start3A_649 = arith.constant 0 : i32
    %dma_start3A_650 = tpu.memref_slice %arg7[%dma_start3A_643, %dma_start3A_649] : memref<26x128xi32, #tpu.memory_space<vmem>> -> memref<1x128xi32, #tpu.memory_space<vmem>>
    %dma_start3A_651 = tpu.memref_squeeze %dma_start3A_650 : memref<1x128xi32, #tpu.memory_space<vmem>> -> memref<128xi32, #tpu.memory_space<vmem>>
    %dma_start3A_652 = arith.constant 0 : i32
    %dma_start3A_653 = arith.constant 0 : i32
    %dma_start3A_654 = tpu.memref_slice %arg3[%dma_start3A_652, %dma_start3A_653] : memref<1000000x32xf32, #tpu.memory_space<hbm>> -> memref<1000000x32xf32, #tpu.memory_space<hbm>>
    tpu.enqueue_indirect_dma source(%dma_start3A_654 : memref<1000000x32xf32, #tpu.memory_space<hbm>>) target(%dma_start3A_648 : memref<128x32xf32, #tpu.memory_space<vmem>>) offsets(%dma_start3A_651 : memref<128xi32, #tpu.memory_space<vmem>>) semaphore(%arg11 : memref<!tpu.dma_semaphore, #tpu.memory_space<semaphore_mem>>)
    %dma_start3A_655 = arith.constant 24 : i32
    %dma_start3A_656 = arith.constant 11 : i32
    %dma_start3A_657 = arith.constant 0 : i32
    %dma_start3A_658 = arith.constant 0 : i32
    %dma_start3A_659 = tpu.memref_slice %arg8[%dma_start3A_656, %dma_start3A_657, %dma_start3A_658] : memref<13x128x32xf32, #tpu.memory_space<vmem>> -> memref<1x128x32xf32, #tpu.memory_space<vmem>>
    %dma_start3A_660 = tpu.memref_squeeze %dma_start3A_659 : memref<1x128x32xf32, #tpu.memory_space<vmem>> -> memref<128x32xf32, #tpu.memory_space<vmem>>
    %dma_start3A_661 = arith.constant 0 : i32
    %dma_start3A_662 = tpu.memref_slice %arg7[%dma_start3A_655, %dma_start3A_661] : memref<26x128xi32, #tpu.memory_space<vmem>> -> memref<1x128xi32, #tpu.memory_space<vmem>>
    %dma_start3A_663 = tpu.memref_squeeze %dma_start3A_662 : memref<1x128xi32, #tpu.memory_space<vmem>> -> memref<128xi32, #tpu.memory_space<vmem>>
    %dma_start3A_664 = arith.constant 0 : i32
    %dma_start3A_665 = arith.constant 0 : i32
    %dma_start3A_666 = tpu.memref_slice %arg3[%dma_start3A_664, %dma_start3A_665] : memref<1000000x32xf32, #tpu.memory_space<hbm>> -> memref<1000000x32xf32, #tpu.memory_space<hbm>>
    tpu.enqueue_indirect_dma source(%dma_start3A_666 : memref<1000000x32xf32, #tpu.memory_space<hbm>>) target(%dma_start3A_660 : memref<128x32xf32, #tpu.memory_space<vmem>>) offsets(%dma_start3A_663 : memref<128xi32, #tpu.memory_space<vmem>>) semaphore(%arg11 : memref<!tpu.dma_semaphore, #tpu.memory_space<semaphore_mem>>)
    %dma_start3A_667 = arith.constant 25 : i32
    %dma_start3A_668 = arith.constant 12 : i32
    %dma_start3A_669 = arith.constant 0 : i32
    %dma_start3A_670 = arith.constant 0 : i32
    %dma_start3A_671 = tpu.memref_slice %arg8[%dma_start3A_668, %dma_start3A_669, %dma_start3A_670] : memref<13x128x32xf32, #tpu.memory_space<vmem>> -> memref<1x128x32xf32, #tpu.memory_space<vmem>>
    %dma_start3A_672 = tpu.memref_squeeze %dma_start3A_671 : memref<1x128x32xf32, #tpu.memory_space<vmem>> -> memref<128x32xf32, #tpu.memory_space<vmem>>
    %dma_start3A_673 = arith.constant 0 : i32
    %dma_start3A_674 = tpu.memref_slice %arg7[%dma_start3A_667, %dma_start3A_673] : memref<26x128xi32, #tpu.memory_space<vmem>> -> memref<1x128xi32, #tpu.memory_space<vmem>>
    %dma_start3A_675 = tpu.memref_squeeze %dma_start3A_674 : memref<1x128xi32, #tpu.memory_space<vmem>> -> memref<128xi32, #tpu.memory_space<vmem>>
    %dma_start3A_676 = arith.constant 0 : i32
    %dma_start3A_677 = arith.constant 0 : i32
    %dma_start3A_678 = tpu.memref_slice %arg3[%dma_start3A_676, %dma_start3A_677] : memref<1000000x32xf32, #tpu.memory_space<hbm>> -> memref<1000000x32xf32, #tpu.memory_space<hbm>>
    tpu.enqueue_indirect_dma source(%dma_start3A_678 : memref<1000000x32xf32, #tpu.memory_space<hbm>>) target(%dma_start3A_672 : memref<128x32xf32, #tpu.memory_space<vmem>>) offsets(%dma_start3A_675 : memref<128xi32, #tpu.memory_space<vmem>>) semaphore(%arg11 : memref<!tpu.dma_semaphore, #tpu.memory_space<semaphore_mem>>)
    %dma_wait3A_679 = arith.constant 13 : i32
    %dma_wait3A_680 = arith.constant 0 : i32
    %dma_wait3A_681 = arith.constant 0 : i32
    %dma_wait3A_682 = arith.constant 0 : i32
    %dma_wait3A_683 = tpu.memref_slice %arg8[%dma_wait3A_680, %dma_wait3A_681, %dma_wait3A_682] : memref<13x128x32xf32, #tpu.memory_space<vmem>> -> memref<1x128x32xf32, #tpu.memory_space<vmem>>
    %dma_wait3A_684 = tpu.memref_squeeze %dma_wait3A_683 : memref<1x128x32xf32, #tpu.memory_space<vmem>> -> memref<128x32xf32, #tpu.memory_space<vmem>>
    %dma_wait3A_685 = arith.constant 0 : i32
    %dma_wait3A_686 = tpu.memref_slice %arg7[%dma_wait3A_679, %dma_wait3A_685] : memref<26x128xi32, #tpu.memory_space<vmem>> -> memref<1x128xi32, #tpu.memory_space<vmem>>
    %dma_wait3A_687 = tpu.memref_squeeze %dma_wait3A_686 : memref<1x128xi32, #tpu.memory_space<vmem>> -> memref<128xi32, #tpu.memory_space<vmem>>
    %dma_wait3A_688 = arith.constant 0 : i32
    %dma_wait3A_689 = arith.constant 0 : i32
    %dma_wait3A_690 = tpu.memref_slice %arg3[%dma_wait3A_688, %dma_wait3A_689] : memref<1000000x32xf32, #tpu.memory_space<hbm>> -> memref<1000000x32xf32, #tpu.memory_space<hbm>>
    tpu.wait_indirect_dma semaphore(%arg11 : memref<!tpu.dma_semaphore, #tpu.memory_space<semaphore_mem>>) src(%dma_wait3A_690 : memref<1000000x32xf32, #tpu.memory_space<hbm>>) dst(%dma_wait3A_684 : memref<128x32xf32, #tpu.memory_space<vmem>>)
    %dma_wait3A_691 = arith.constant 14 : i32
    %dma_wait3A_692 = arith.constant 1 : i32
    %dma_wait3A_693 = arith.constant 0 : i32
    %dma_wait3A_694 = arith.constant 0 : i32
    %dma_wait3A_695 = tpu.memref_slice %arg8[%dma_wait3A_692, %dma_wait3A_693, %dma_wait3A_694] : memref<13x128x32xf32, #tpu.memory_space<vmem>> -> memref<1x128x32xf32, #tpu.memory_space<vmem>>
    %dma_wait3A_696 = tpu.memref_squeeze %dma_wait3A_695 : memref<1x128x32xf32, #tpu.memory_space<vmem>> -> memref<128x32xf32, #tpu.memory_space<vmem>>
    %dma_wait3A_697 = arith.constant 0 : i32
    %dma_wait3A_698 = tpu.memref_slice %arg7[%dma_wait3A_691, %dma_wait3A_697] : memref<26x128xi32, #tpu.memory_space<vmem>> -> memref<1x128xi32, #tpu.memory_space<vmem>>
    %dma_wait3A_699 = tpu.memref_squeeze %dma_wait3A_698 : memref<1x128xi32, #tpu.memory_space<vmem>> -> memref<128xi32, #tpu.memory_space<vmem>>
    %dma_wait3A_700 = arith.constant 0 : i32
    %dma_wait3A_701 = arith.constant 0 : i32
    %dma_wait3A_702 = tpu.memref_slice %arg3[%dma_wait3A_700, %dma_wait3A_701] : memref<1000000x32xf32, #tpu.memory_space<hbm>> -> memref<1000000x32xf32, #tpu.memory_space<hbm>>
    tpu.wait_indirect_dma semaphore(%arg11 : memref<!tpu.dma_semaphore, #tpu.memory_space<semaphore_mem>>) src(%dma_wait3A_702 : memref<1000000x32xf32, #tpu.memory_space<hbm>>) dst(%dma_wait3A_696 : memref<128x32xf32, #tpu.memory_space<vmem>>)
    %dma_wait3A_703 = arith.constant 15 : i32
    %dma_wait3A_704 = arith.constant 2 : i32
    %dma_wait3A_705 = arith.constant 0 : i32
    %dma_wait3A_706 = arith.constant 0 : i32
    %dma_wait3A_707 = tpu.memref_slice %arg8[%dma_wait3A_704, %dma_wait3A_705, %dma_wait3A_706] : memref<13x128x32xf32, #tpu.memory_space<vmem>> -> memref<1x128x32xf32, #tpu.memory_space<vmem>>
    %dma_wait3A_708 = tpu.memref_squeeze %dma_wait3A_707 : memref<1x128x32xf32, #tpu.memory_space<vmem>> -> memref<128x32xf32, #tpu.memory_space<vmem>>
    %dma_wait3A_709 = arith.constant 0 : i32
    %dma_wait3A_710 = tpu.memref_slice %arg7[%dma_wait3A_703, %dma_wait3A_709] : memref<26x128xi32, #tpu.memory_space<vmem>> -> memref<1x128xi32, #tpu.memory_space<vmem>>
    %dma_wait3A_711 = tpu.memref_squeeze %dma_wait3A_710 : memref<1x128xi32, #tpu.memory_space<vmem>> -> memref<128xi32, #tpu.memory_space<vmem>>
    %dma_wait3A_712 = arith.constant 0 : i32
    %dma_wait3A_713 = arith.constant 0 : i32
    %dma_wait3A_714 = tpu.memref_slice %arg3[%dma_wait3A_712, %dma_wait3A_713] : memref<1000000x32xf32, #tpu.memory_space<hbm>> -> memref<1000000x32xf32, #tpu.memory_space<hbm>>
    tpu.wait_indirect_dma semaphore(%arg11 : memref<!tpu.dma_semaphore, #tpu.memory_space<semaphore_mem>>) src(%dma_wait3A_714 : memref<1000000x32xf32, #tpu.memory_space<hbm>>) dst(%dma_wait3A_708 : memref<128x32xf32, #tpu.memory_space<vmem>>)
    %dma_wait3A_715 = arith.constant 16 : i32
    %dma_wait3A_716 = arith.constant 3 : i32
    %dma_wait3A_717 = arith.constant 0 : i32
    %dma_wait3A_718 = arith.constant 0 : i32
    %dma_wait3A_719 = tpu.memref_slice %arg8[%dma_wait3A_716, %dma_wait3A_717, %dma_wait3A_718] : memref<13x128x32xf32, #tpu.memory_space<vmem>> -> memref<1x128x32xf32, #tpu.memory_space<vmem>>
    %dma_wait3A_720 = tpu.memref_squeeze %dma_wait3A_719 : memref<1x128x32xf32, #tpu.memory_space<vmem>> -> memref<128x32xf32, #tpu.memory_space<vmem>>
    %dma_wait3A_721 = arith.constant 0 : i32
    %dma_wait3A_722 = tpu.memref_slice %arg7[%dma_wait3A_715, %dma_wait3A_721] : memref<26x128xi32, #tpu.memory_space<vmem>> -> memref<1x128xi32, #tpu.memory_space<vmem>>
    %dma_wait3A_723 = tpu.memref_squeeze %dma_wait3A_722 : memref<1x128xi32, #tpu.memory_space<vmem>> -> memref<128xi32, #tpu.memory_space<vmem>>
    %dma_wait3A_724 = arith.constant 0 : i32
    %dma_wait3A_725 = arith.constant 0 : i32
    %dma_wait3A_726 = tpu.memref_slice %arg3[%dma_wait3A_724, %dma_wait3A_725] : memref<1000000x32xf32, #tpu.memory_space<hbm>> -> memref<1000000x32xf32, #tpu.memory_space<hbm>>
    tpu.wait_indirect_dma semaphore(%arg11 : memref<!tpu.dma_semaphore, #tpu.memory_space<semaphore_mem>>) src(%dma_wait3A_726 : memref<1000000x32xf32, #tpu.memory_space<hbm>>) dst(%dma_wait3A_720 : memref<128x32xf32, #tpu.memory_space<vmem>>)
    %dma_wait3A_727 = arith.constant 17 : i32
    %dma_wait3A_728 = arith.constant 4 : i32
    %dma_wait3A_729 = arith.constant 0 : i32
    %dma_wait3A_730 = arith.constant 0 : i32
    %dma_wait3A_731 = tpu.memref_slice %arg8[%dma_wait3A_728, %dma_wait3A_729, %dma_wait3A_730] : memref<13x128x32xf32, #tpu.memory_space<vmem>> -> memref<1x128x32xf32, #tpu.memory_space<vmem>>
    %dma_wait3A_732 = tpu.memref_squeeze %dma_wait3A_731 : memref<1x128x32xf32, #tpu.memory_space<vmem>> -> memref<128x32xf32, #tpu.memory_space<vmem>>
    %dma_wait3A_733 = arith.constant 0 : i32
    %dma_wait3A_734 = tpu.memref_slice %arg7[%dma_wait3A_727, %dma_wait3A_733] : memref<26x128xi32, #tpu.memory_space<vmem>> -> memref<1x128xi32, #tpu.memory_space<vmem>>
    %dma_wait3A_735 = tpu.memref_squeeze %dma_wait3A_734 : memref<1x128xi32, #tpu.memory_space<vmem>> -> memref<128xi32, #tpu.memory_space<vmem>>
    %dma_wait3A_736 = arith.constant 0 : i32
    %dma_wait3A_737 = arith.constant 0 : i32
    %dma_wait3A_738 = tpu.memref_slice %arg3[%dma_wait3A_736, %dma_wait3A_737] : memref<1000000x32xf32, #tpu.memory_space<hbm>> -> memref<1000000x32xf32, #tpu.memory_space<hbm>>
    tpu.wait_indirect_dma semaphore(%arg11 : memref<!tpu.dma_semaphore, #tpu.memory_space<semaphore_mem>>) src(%dma_wait3A_738 : memref<1000000x32xf32, #tpu.memory_space<hbm>>) dst(%dma_wait3A_732 : memref<128x32xf32, #tpu.memory_space<vmem>>)
    %dma_wait3A_739 = arith.constant 18 : i32
    %dma_wait3A_740 = arith.constant 5 : i32
    %dma_wait3A_741 = arith.constant 0 : i32
    %dma_wait3A_742 = arith.constant 0 : i32
    %dma_wait3A_743 = tpu.memref_slice %arg8[%dma_wait3A_740, %dma_wait3A_741, %dma_wait3A_742] : memref<13x128x32xf32, #tpu.memory_space<vmem>> -> memref<1x128x32xf32, #tpu.memory_space<vmem>>
    %dma_wait3A_744 = tpu.memref_squeeze %dma_wait3A_743 : memref<1x128x32xf32, #tpu.memory_space<vmem>> -> memref<128x32xf32, #tpu.memory_space<vmem>>
    %dma_wait3A_745 = arith.constant 0 : i32
    %dma_wait3A_746 = tpu.memref_slice %arg7[%dma_wait3A_739, %dma_wait3A_745] : memref<26x128xi32, #tpu.memory_space<vmem>> -> memref<1x128xi32, #tpu.memory_space<vmem>>
    %dma_wait3A_747 = tpu.memref_squeeze %dma_wait3A_746 : memref<1x128xi32, #tpu.memory_space<vmem>> -> memref<128xi32, #tpu.memory_space<vmem>>
    %dma_wait3A_748 = arith.constant 0 : i32
    %dma_wait3A_749 = arith.constant 0 : i32
    %dma_wait3A_750 = tpu.memref_slice %arg3[%dma_wait3A_748, %dma_wait3A_749] : memref<1000000x32xf32, #tpu.memory_space<hbm>> -> memref<1000000x32xf32, #tpu.memory_space<hbm>>
    tpu.wait_indirect_dma semaphore(%arg11 : memref<!tpu.dma_semaphore, #tpu.memory_space<semaphore_mem>>) src(%dma_wait3A_750 : memref<1000000x32xf32, #tpu.memory_space<hbm>>) dst(%dma_wait3A_744 : memref<128x32xf32, #tpu.memory_space<vmem>>)
    %dma_wait3A_751 = arith.constant 19 : i32
    %dma_wait3A_752 = arith.constant 6 : i32
    %dma_wait3A_753 = arith.constant 0 : i32
    %dma_wait3A_754 = arith.constant 0 : i32
    %dma_wait3A_755 = tpu.memref_slice %arg8[%dma_wait3A_752, %dma_wait3A_753, %dma_wait3A_754] : memref<13x128x32xf32, #tpu.memory_space<vmem>> -> memref<1x128x32xf32, #tpu.memory_space<vmem>>
    %dma_wait3A_756 = tpu.memref_squeeze %dma_wait3A_755 : memref<1x128x32xf32, #tpu.memory_space<vmem>> -> memref<128x32xf32, #tpu.memory_space<vmem>>
    %dma_wait3A_757 = arith.constant 0 : i32
    %dma_wait3A_758 = tpu.memref_slice %arg7[%dma_wait3A_751, %dma_wait3A_757] : memref<26x128xi32, #tpu.memory_space<vmem>> -> memref<1x128xi32, #tpu.memory_space<vmem>>
    %dma_wait3A_759 = tpu.memref_squeeze %dma_wait3A_758 : memref<1x128xi32, #tpu.memory_space<vmem>> -> memref<128xi32, #tpu.memory_space<vmem>>
    %dma_wait3A_760 = arith.constant 0 : i32
    %dma_wait3A_761 = arith.constant 0 : i32
    %dma_wait3A_762 = tpu.memref_slice %arg3[%dma_wait3A_760, %dma_wait3A_761] : memref<1000000x32xf32, #tpu.memory_space<hbm>> -> memref<1000000x32xf32, #tpu.memory_space<hbm>>
    tpu.wait_indirect_dma semaphore(%arg11 : memref<!tpu.dma_semaphore, #tpu.memory_space<semaphore_mem>>) src(%dma_wait3A_762 : memref<1000000x32xf32, #tpu.memory_space<hbm>>) dst(%dma_wait3A_756 : memref<128x32xf32, #tpu.memory_space<vmem>>)
    %dma_wait3A_763 = arith.constant 20 : i32
    %dma_wait3A_764 = arith.constant 7 : i32
    %dma_wait3A_765 = arith.constant 0 : i32
    %dma_wait3A_766 = arith.constant 0 : i32
    %dma_wait3A_767 = tpu.memref_slice %arg8[%dma_wait3A_764, %dma_wait3A_765, %dma_wait3A_766] : memref<13x128x32xf32, #tpu.memory_space<vmem>> -> memref<1x128x32xf32, #tpu.memory_space<vmem>>
    %dma_wait3A_768 = tpu.memref_squeeze %dma_wait3A_767 : memref<1x128x32xf32, #tpu.memory_space<vmem>> -> memref<128x32xf32, #tpu.memory_space<vmem>>
    %dma_wait3A_769 = arith.constant 0 : i32
    %dma_wait3A_770 = tpu.memref_slice %arg7[%dma_wait3A_763, %dma_wait3A_769] : memref<26x128xi32, #tpu.memory_space<vmem>> -> memref<1x128xi32, #tpu.memory_space<vmem>>
    %dma_wait3A_771 = tpu.memref_squeeze %dma_wait3A_770 : memref<1x128xi32, #tpu.memory_space<vmem>> -> memref<128xi32, #tpu.memory_space<vmem>>
    %dma_wait3A_772 = arith.constant 0 : i32
    %dma_wait3A_773 = arith.constant 0 : i32
    %dma_wait3A_774 = tpu.memref_slice %arg3[%dma_wait3A_772, %dma_wait3A_773] : memref<1000000x32xf32, #tpu.memory_space<hbm>> -> memref<1000000x32xf32, #tpu.memory_space<hbm>>
    tpu.wait_indirect_dma semaphore(%arg11 : memref<!tpu.dma_semaphore, #tpu.memory_space<semaphore_mem>>) src(%dma_wait3A_774 : memref<1000000x32xf32, #tpu.memory_space<hbm>>) dst(%dma_wait3A_768 : memref<128x32xf32, #tpu.memory_space<vmem>>)
    %dma_wait3A_775 = arith.constant 21 : i32
    %dma_wait3A_776 = arith.constant 8 : i32
    %dma_wait3A_777 = arith.constant 0 : i32
    %dma_wait3A_778 = arith.constant 0 : i32
    %dma_wait3A_779 = tpu.memref_slice %arg8[%dma_wait3A_776, %dma_wait3A_777, %dma_wait3A_778] : memref<13x128x32xf32, #tpu.memory_space<vmem>> -> memref<1x128x32xf32, #tpu.memory_space<vmem>>
    %dma_wait3A_780 = tpu.memref_squeeze %dma_wait3A_779 : memref<1x128x32xf32, #tpu.memory_space<vmem>> -> memref<128x32xf32, #tpu.memory_space<vmem>>
    %dma_wait3A_781 = arith.constant 0 : i32
    %dma_wait3A_782 = tpu.memref_slice %arg7[%dma_wait3A_775, %dma_wait3A_781] : memref<26x128xi32, #tpu.memory_space<vmem>> -> memref<1x128xi32, #tpu.memory_space<vmem>>
    %dma_wait3A_783 = tpu.memref_squeeze %dma_wait3A_782 : memref<1x128xi32, #tpu.memory_space<vmem>> -> memref<128xi32, #tpu.memory_space<vmem>>
    %dma_wait3A_784 = arith.constant 0 : i32
    %dma_wait3A_785 = arith.constant 0 : i32
    %dma_wait3A_786 = tpu.memref_slice %arg3[%dma_wait3A_784, %dma_wait3A_785] : memref<1000000x32xf32, #tpu.memory_space<hbm>> -> memref<1000000x32xf32, #tpu.memory_space<hbm>>
    tpu.wait_indirect_dma semaphore(%arg11 : memref<!tpu.dma_semaphore, #tpu.memory_space<semaphore_mem>>) src(%dma_wait3A_786 : memref<1000000x32xf32, #tpu.memory_space<hbm>>) dst(%dma_wait3A_780 : memref<128x32xf32, #tpu.memory_space<vmem>>)
    %dma_wait3A_787 = arith.constant 22 : i32
    %dma_wait3A_788 = arith.constant 9 : i32
    %dma_wait3A_789 = arith.constant 0 : i32
    %dma_wait3A_790 = arith.constant 0 : i32
    %dma_wait3A_791 = tpu.memref_slice %arg8[%dma_wait3A_788, %dma_wait3A_789, %dma_wait3A_790] : memref<13x128x32xf32, #tpu.memory_space<vmem>> -> memref<1x128x32xf32, #tpu.memory_space<vmem>>
    %dma_wait3A_792 = tpu.memref_squeeze %dma_wait3A_791 : memref<1x128x32xf32, #tpu.memory_space<vmem>> -> memref<128x32xf32, #tpu.memory_space<vmem>>
    %dma_wait3A_793 = arith.constant 0 : i32
    %dma_wait3A_794 = tpu.memref_slice %arg7[%dma_wait3A_787, %dma_wait3A_793] : memref<26x128xi32, #tpu.memory_space<vmem>> -> memref<1x128xi32, #tpu.memory_space<vmem>>
    %dma_wait3A_795 = tpu.memref_squeeze %dma_wait3A_794 : memref<1x128xi32, #tpu.memory_space<vmem>> -> memref<128xi32, #tpu.memory_space<vmem>>
    %dma_wait3A_796 = arith.constant 0 : i32
    %dma_wait3A_797 = arith.constant 0 : i32
    %dma_wait3A_798 = tpu.memref_slice %arg3[%dma_wait3A_796, %dma_wait3A_797] : memref<1000000x32xf32, #tpu.memory_space<hbm>> -> memref<1000000x32xf32, #tpu.memory_space<hbm>>
    tpu.wait_indirect_dma semaphore(%arg11 : memref<!tpu.dma_semaphore, #tpu.memory_space<semaphore_mem>>) src(%dma_wait3A_798 : memref<1000000x32xf32, #tpu.memory_space<hbm>>) dst(%dma_wait3A_792 : memref<128x32xf32, #tpu.memory_space<vmem>>)
    %dma_wait3A_799 = arith.constant 23 : i32
    %dma_wait3A_800 = arith.constant 10 : i32
    %dma_wait3A_801 = arith.constant 0 : i32
    %dma_wait3A_802 = arith.constant 0 : i32
    %dma_wait3A_803 = tpu.memref_slice %arg8[%dma_wait3A_800, %dma_wait3A_801, %dma_wait3A_802] : memref<13x128x32xf32, #tpu.memory_space<vmem>> -> memref<1x128x32xf32, #tpu.memory_space<vmem>>
    %dma_wait3A_804 = tpu.memref_squeeze %dma_wait3A_803 : memref<1x128x32xf32, #tpu.memory_space<vmem>> -> memref<128x32xf32, #tpu.memory_space<vmem>>
    %dma_wait3A_805 = arith.constant 0 : i32
    %dma_wait3A_806 = tpu.memref_slice %arg7[%dma_wait3A_799, %dma_wait3A_805] : memref<26x128xi32, #tpu.memory_space<vmem>> -> memref<1x128xi32, #tpu.memory_space<vmem>>
    %dma_wait3A_807 = tpu.memref_squeeze %dma_wait3A_806 : memref<1x128xi32, #tpu.memory_space<vmem>> -> memref<128xi32, #tpu.memory_space<vmem>>
    %dma_wait3A_808 = arith.constant 0 : i32
    %dma_wait3A_809 = arith.constant 0 : i32
    %dma_wait3A_810 = tpu.memref_slice %arg3[%dma_wait3A_808, %dma_wait3A_809] : memref<1000000x32xf32, #tpu.memory_space<hbm>> -> memref<1000000x32xf32, #tpu.memory_space<hbm>>
    tpu.wait_indirect_dma semaphore(%arg11 : memref<!tpu.dma_semaphore, #tpu.memory_space<semaphore_mem>>) src(%dma_wait3A_810 : memref<1000000x32xf32, #tpu.memory_space<hbm>>) dst(%dma_wait3A_804 : memref<128x32xf32, #tpu.memory_space<vmem>>)
    %dma_wait3A_811 = arith.constant 24 : i32
    %dma_wait3A_812 = arith.constant 11 : i32
    %dma_wait3A_813 = arith.constant 0 : i32
    %dma_wait3A_814 = arith.constant 0 : i32
    %dma_wait3A_815 = tpu.memref_slice %arg8[%dma_wait3A_812, %dma_wait3A_813, %dma_wait3A_814] : memref<13x128x32xf32, #tpu.memory_space<vmem>> -> memref<1x128x32xf32, #tpu.memory_space<vmem>>
    %dma_wait3A_816 = tpu.memref_squeeze %dma_wait3A_815 : memref<1x128x32xf32, #tpu.memory_space<vmem>> -> memref<128x32xf32, #tpu.memory_space<vmem>>
    %dma_wait3A_817 = arith.constant 0 : i32
    %dma_wait3A_818 = tpu.memref_slice %arg7[%dma_wait3A_811, %dma_wait3A_817] : memref<26x128xi32, #tpu.memory_space<vmem>> -> memref<1x128xi32, #tpu.memory_space<vmem>>
    %dma_wait3A_819 = tpu.memref_squeeze %dma_wait3A_818 : memref<1x128xi32, #tpu.memory_space<vmem>> -> memref<128xi32, #tpu.memory_space<vmem>>
    %dma_wait3A_820 = arith.constant 0 : i32
    %dma_wait3A_821 = arith.constant 0 : i32
    %dma_wait3A_822 = tpu.memref_slice %arg3[%dma_wait3A_820, %dma_wait3A_821] : memref<1000000x32xf32, #tpu.memory_space<hbm>> -> memref<1000000x32xf32, #tpu.memory_space<hbm>>
    tpu.wait_indirect_dma semaphore(%arg11 : memref<!tpu.dma_semaphore, #tpu.memory_space<semaphore_mem>>) src(%dma_wait3A_822 : memref<1000000x32xf32, #tpu.memory_space<hbm>>) dst(%dma_wait3A_816 : memref<128x32xf32, #tpu.memory_space<vmem>>)
    %dma_wait3A_823 = arith.constant 25 : i32
    %dma_wait3A_824 = arith.constant 12 : i32
    %dma_wait3A_825 = arith.constant 0 : i32
    %dma_wait3A_826 = arith.constant 0 : i32
    %dma_wait3A_827 = tpu.memref_slice %arg8[%dma_wait3A_824, %dma_wait3A_825, %dma_wait3A_826] : memref<13x128x32xf32, #tpu.memory_space<vmem>> -> memref<1x128x32xf32, #tpu.memory_space<vmem>>
    %dma_wait3A_828 = tpu.memref_squeeze %dma_wait3A_827 : memref<1x128x32xf32, #tpu.memory_space<vmem>> -> memref<128x32xf32, #tpu.memory_space<vmem>>
    %dma_wait3A_829 = arith.constant 0 : i32
    %dma_wait3A_830 = tpu.memref_slice %arg7[%dma_wait3A_823, %dma_wait3A_829] : memref<26x128xi32, #tpu.memory_space<vmem>> -> memref<1x128xi32, #tpu.memory_space<vmem>>
    %dma_wait3A_831 = tpu.memref_squeeze %dma_wait3A_830 : memref<1x128xi32, #tpu.memory_space<vmem>> -> memref<128xi32, #tpu.memory_space<vmem>>
    %dma_wait3A_832 = arith.constant 0 : i32
    %dma_wait3A_833 = arith.constant 0 : i32
    %dma_wait3A_834 = tpu.memref_slice %arg3[%dma_wait3A_832, %dma_wait3A_833] : memref<1000000x32xf32, #tpu.memory_space<hbm>> -> memref<1000000x32xf32, #tpu.memory_space<hbm>>
    tpu.wait_indirect_dma semaphore(%arg11 : memref<!tpu.dma_semaphore, #tpu.memory_space<semaphore_mem>>) src(%dma_wait3A_834 : memref<1000000x32xf32, #tpu.memory_space<hbm>>) dst(%dma_wait3A_828 : memref<128x32xf32, #tpu.memory_space<vmem>>)
    %mul3A_835 = arith.constant 26 : i32
    %mul3A_836 = arith.muli %add3A, %mul3A_835 : i32
    %add3A_837 = arith.constant 13 : i32
    %add3A_838 = arith.addi %mul3A_836, %add3A_837 : i32
    "tpu.region"() ({
      %run_scoped3A = tpu.sem_alloc : memref<!tpu.dma_semaphore, #tpu.memory_space<semaphore_mem>>
      %dma_start3A_2166 = arith.constant 0 : i32
      %dma_start3A_2167 = arith.constant 0 : i32
      %dma_start3A_2168 = tpu.memref_slice %arg5[%add3A_838, %dma_start3A_2166, %dma_start3A_2167] : memref<832x128x32xf32, #tpu.memory_space<hbm>> -> memref<13x128x32xf32, #tpu.memory_space<hbm>>
      %dma_start3A_2169 = arith.constant 0 : i32
      %dma_start3A_2170 = arith.constant 0 : i32
      %dma_start3A_2171 = tpu.memref_slice %arg5[%add3A_838, %dma_start3A_2169, %dma_start3A_2170] : memref<832x128x32xf32, #tpu.memory_space<hbm>> -> memref<13x128x32xf32, #tpu.memory_space<hbm>>
      tpu.enqueue_dma source(%arg8 : memref<13x128x32xf32, #tpu.memory_space<vmem>>) target(%dma_start3A_2171 : memref<13x128x32xf32, #tpu.memory_space<hbm>>) target_semaphore(%run_scoped3A : memref<!tpu.dma_semaphore, #tpu.memory_space<semaphore_mem>>)
      %dma_wait3A_2172 = arith.constant 0 : i32
      %dma_wait3A_2173 = arith.constant 0 : i32
      %dma_wait3A_2174 = tpu.memref_slice %arg5[%add3A_838, %dma_wait3A_2172, %dma_wait3A_2173] : memref<832x128x32xf32, #tpu.memory_space<hbm>> -> memref<13x128x32xf32, #tpu.memory_space<hbm>>
      %dma_wait3A_2175 = arith.constant 0 : i32
      %dma_wait3A_2176 = arith.constant 0 : i32
      %dma_wait3A_2177 = tpu.memref_slice %arg5[%add3A_838, %dma_wait3A_2175, %dma_wait3A_2176] : memref<832x128x32xf32, #tpu.memory_space<hbm>> -> memref<13x128x32xf32, #tpu.memory_space<hbm>>
      tpu.wait_dma2 semaphore(%run_scoped3A : memref<!tpu.dma_semaphore, #tpu.memory_space<semaphore_mem>>) src(%arg8 : memref<13x128x32xf32, #tpu.memory_space<vmem>>) dst(%dma_wait3A_2177 : memref<13x128x32xf32, #tpu.memory_space<hbm>>)
      tpu.yield
    }) : () -> ()
    %dma_wait3A_839 = arith.constant 0 : i32
    %dma_wait3A_840 = arith.constant 0 : i32
    %dma_wait3A_841 = tpu.memref_slice %arg9[%dma_wait3A_840] : memref<3328xf32, #tpu.memory_space<vmem>> -> memref<128xf32, #tpu.memory_space<vmem>>
    %dma_wait3A_842 = arith.constant 0 : i32
    %dma_wait3A_843 = tpu.memref_slice %arg7[%dma_wait3A_839, %dma_wait3A_842] : memref<26x128xi32, #tpu.memory_space<vmem>> -> memref<1x128xi32, #tpu.memory_space<vmem>>
    %dma_wait3A_844 = tpu.memref_squeeze %dma_wait3A_843 : memref<1x128xi32, #tpu.memory_space<vmem>> -> memref<128xi32, #tpu.memory_space<vmem>>
    %dma_wait3A_845 = arith.constant 0 : i32
    %dma_wait3A_846 = tpu.memref_slice %arg4[%dma_wait3A_845] : memref<1000000xf32, #tpu.memory_space<hbm>> -> memref<1000000xf32, #tpu.memory_space<hbm>>
    tpu.wait_indirect_dma semaphore(%arg12 : memref<!tpu.dma_semaphore, #tpu.memory_space<semaphore_mem>>) src(%dma_wait3A_846 : memref<1000000xf32, #tpu.memory_space<hbm>>) dst(%dma_wait3A_841 : memref<128xf32, #tpu.memory_space<vmem>>)
    %dma_wait3A_847 = arith.constant 1 : i32
    %dma_wait3A_848 = arith.constant 128 : i32
    %dma_wait3A_849 = tpu.memref_slice %arg9[%dma_wait3A_848] : memref<3328xf32, #tpu.memory_space<vmem>> -> memref<128xf32, #tpu.memory_space<vmem>>
    %dma_wait3A_850 = arith.constant 0 : i32
    %dma_wait3A_851 = tpu.memref_slice %arg7[%dma_wait3A_847, %dma_wait3A_850] : memref<26x128xi32, #tpu.memory_space<vmem>> -> memref<1x128xi32, #tpu.memory_space<vmem>>
    %dma_wait3A_852 = tpu.memref_squeeze %dma_wait3A_851 : memref<1x128xi32, #tpu.memory_space<vmem>> -> memref<128xi32, #tpu.memory_space<vmem>>
    %dma_wait3A_853 = arith.constant 0 : i32
    %dma_wait3A_854 = tpu.memref_slice %arg4[%dma_wait3A_853] : memref<1000000xf32, #tpu.memory_space<hbm>> -> memref<1000000xf32, #tpu.memory_space<hbm>>
    tpu.wait_indirect_dma semaphore(%arg12 : memref<!tpu.dma_semaphore, #tpu.memory_space<semaphore_mem>>) src(%dma_wait3A_854 : memref<1000000xf32, #tpu.memory_space<hbm>>) dst(%dma_wait3A_849 : memref<128xf32, #tpu.memory_space<vmem>>)
    %dma_wait3A_855 = arith.constant 2 : i32
    %dma_wait3A_856 = arith.constant 256 : i32
    %dma_wait3A_857 = tpu.memref_slice %arg9[%dma_wait3A_856] : memref<3328xf32, #tpu.memory_space<vmem>> -> memref<128xf32, #tpu.memory_space<vmem>>
    %dma_wait3A_858 = arith.constant 0 : i32
    %dma_wait3A_859 = tpu.memref_slice %arg7[%dma_wait3A_855, %dma_wait3A_858] : memref<26x128xi32, #tpu.memory_space<vmem>> -> memref<1x128xi32, #tpu.memory_space<vmem>>
    %dma_wait3A_860 = tpu.memref_squeeze %dma_wait3A_859 : memref<1x128xi32, #tpu.memory_space<vmem>> -> memref<128xi32, #tpu.memory_space<vmem>>
    %dma_wait3A_861 = arith.constant 0 : i32
    %dma_wait3A_862 = tpu.memref_slice %arg4[%dma_wait3A_861] : memref<1000000xf32, #tpu.memory_space<hbm>> -> memref<1000000xf32, #tpu.memory_space<hbm>>
    tpu.wait_indirect_dma semaphore(%arg12 : memref<!tpu.dma_semaphore, #tpu.memory_space<semaphore_mem>>) src(%dma_wait3A_862 : memref<1000000xf32, #tpu.memory_space<hbm>>) dst(%dma_wait3A_857 : memref<128xf32, #tpu.memory_space<vmem>>)
    %dma_wait3A_863 = arith.constant 3 : i32
    %dma_wait3A_864 = arith.constant 384 : i32
    %dma_wait3A_865 = tpu.memref_slice %arg9[%dma_wait3A_864] : memref<3328xf32, #tpu.memory_space<vmem>> -> memref<128xf32, #tpu.memory_space<vmem>>
    %dma_wait3A_866 = arith.constant 0 : i32
    %dma_wait3A_867 = tpu.memref_slice %arg7[%dma_wait3A_863, %dma_wait3A_866] : memref<26x128xi32, #tpu.memory_space<vmem>> -> memref<1x128xi32, #tpu.memory_space<vmem>>
    %dma_wait3A_868 = tpu.memref_squeeze %dma_wait3A_867 : memref<1x128xi32, #tpu.memory_space<vmem>> -> memref<128xi32, #tpu.memory_space<vmem>>
    %dma_wait3A_869 = arith.constant 0 : i32
    %dma_wait3A_870 = tpu.memref_slice %arg4[%dma_wait3A_869] : memref<1000000xf32, #tpu.memory_space<hbm>> -> memref<1000000xf32, #tpu.memory_space<hbm>>
    tpu.wait_indirect_dma semaphore(%arg12 : memref<!tpu.dma_semaphore, #tpu.memory_space<semaphore_mem>>) src(%dma_wait3A_870 : memref<1000000xf32, #tpu.memory_space<hbm>>) dst(%dma_wait3A_865 : memref<128xf32, #tpu.memory_space<vmem>>)
    %dma_wait3A_871 = arith.constant 4 : i32
    %dma_wait3A_872 = arith.constant 512 : i32
    %dma_wait3A_873 = tpu.memref_slice %arg9[%dma_wait3A_872] : memref<3328xf32, #tpu.memory_space<vmem>> -> memref<128xf32, #tpu.memory_space<vmem>>
    %dma_wait3A_874 = arith.constant 0 : i32
    %dma_wait3A_875 = tpu.memref_slice %arg7[%dma_wait3A_871, %dma_wait3A_874] : memref<26x128xi32, #tpu.memory_space<vmem>> -> memref<1x128xi32, #tpu.memory_space<vmem>>
    %dma_wait3A_876 = tpu.memref_squeeze %dma_wait3A_875 : memref<1x128xi32, #tpu.memory_space<vmem>> -> memref<128xi32, #tpu.memory_space<vmem>>
    %dma_wait3A_877 = arith.constant 0 : i32
    %dma_wait3A_878 = tpu.memref_slice %arg4[%dma_wait3A_877] : memref<1000000xf32, #tpu.memory_space<hbm>> -> memref<1000000xf32, #tpu.memory_space<hbm>>
    tpu.wait_indirect_dma semaphore(%arg12 : memref<!tpu.dma_semaphore, #tpu.memory_space<semaphore_mem>>) src(%dma_wait3A_878 : memref<1000000xf32, #tpu.memory_space<hbm>>) dst(%dma_wait3A_873 : memref<128xf32, #tpu.memory_space<vmem>>)
    %dma_wait3A_879 = arith.constant 5 : i32
    %dma_wait3A_880 = arith.constant 640 : i32
    %dma_wait3A_881 = tpu.memref_slice %arg9[%dma_wait3A_880] : memref<3328xf32, #tpu.memory_space<vmem>> -> memref<128xf32, #tpu.memory_space<vmem>>
    %dma_wait3A_882 = arith.constant 0 : i32
    %dma_wait3A_883 = tpu.memref_slice %arg7[%dma_wait3A_879, %dma_wait3A_882] : memref<26x128xi32, #tpu.memory_space<vmem>> -> memref<1x128xi32, #tpu.memory_space<vmem>>
    %dma_wait3A_884 = tpu.memref_squeeze %dma_wait3A_883 : memref<1x128xi32, #tpu.memory_space<vmem>> -> memref<128xi32, #tpu.memory_space<vmem>>
    %dma_wait3A_885 = arith.constant 0 : i32
    %dma_wait3A_886 = tpu.memref_slice %arg4[%dma_wait3A_885] : memref<1000000xf32, #tpu.memory_space<hbm>> -> memref<1000000xf32, #tpu.memory_space<hbm>>
    tpu.wait_indirect_dma semaphore(%arg12 : memref<!tpu.dma_semaphore, #tpu.memory_space<semaphore_mem>>) src(%dma_wait3A_886 : memref<1000000xf32, #tpu.memory_space<hbm>>) dst(%dma_wait3A_881 : memref<128xf32, #tpu.memory_space<vmem>>)
    %dma_wait3A_887 = arith.constant 6 : i32
    %dma_wait3A_888 = arith.constant 768 : i32
    %dma_wait3A_889 = tpu.memref_slice %arg9[%dma_wait3A_888] : memref<3328xf32, #tpu.memory_space<vmem>> -> memref<128xf32, #tpu.memory_space<vmem>>
    %dma_wait3A_890 = arith.constant 0 : i32
    %dma_wait3A_891 = tpu.memref_slice %arg7[%dma_wait3A_887, %dma_wait3A_890] : memref<26x128xi32, #tpu.memory_space<vmem>> -> memref<1x128xi32, #tpu.memory_space<vmem>>
    %dma_wait3A_892 = tpu.memref_squeeze %dma_wait3A_891 : memref<1x128xi32, #tpu.memory_space<vmem>> -> memref<128xi32, #tpu.memory_space<vmem>>
    %dma_wait3A_893 = arith.constant 0 : i32
    %dma_wait3A_894 = tpu.memref_slice %arg4[%dma_wait3A_893] : memref<1000000xf32, #tpu.memory_space<hbm>> -> memref<1000000xf32, #tpu.memory_space<hbm>>
    tpu.wait_indirect_dma semaphore(%arg12 : memref<!tpu.dma_semaphore, #tpu.memory_space<semaphore_mem>>) src(%dma_wait3A_894 : memref<1000000xf32, #tpu.memory_space<hbm>>) dst(%dma_wait3A_889 : memref<128xf32, #tpu.memory_space<vmem>>)
    %dma_wait3A_895 = arith.constant 7 : i32
    %dma_wait3A_896 = arith.constant 896 : i32
    %dma_wait3A_897 = tpu.memref_slice %arg9[%dma_wait3A_896] : memref<3328xf32, #tpu.memory_space<vmem>> -> memref<128xf32, #tpu.memory_space<vmem>>
    %dma_wait3A_898 = arith.constant 0 : i32
    %dma_wait3A_899 = tpu.memref_slice %arg7[%dma_wait3A_895, %dma_wait3A_898] : memref<26x128xi32, #tpu.memory_space<vmem>> -> memref<1x128xi32, #tpu.memory_space<vmem>>
    %dma_wait3A_900 = tpu.memref_squeeze %dma_wait3A_899 : memref<1x128xi32, #tpu.memory_space<vmem>> -> memref<128xi32, #tpu.memory_space<vmem>>
    %dma_wait3A_901 = arith.constant 0 : i32
    %dma_wait3A_902 = tpu.memref_slice %arg4[%dma_wait3A_901] : memref<1000000xf32, #tpu.memory_space<hbm>> -> memref<1000000xf32, #tpu.memory_space<hbm>>
    tpu.wait_indirect_dma semaphore(%arg12 : memref<!tpu.dma_semaphore, #tpu.memory_space<semaphore_mem>>) src(%dma_wait3A_902 : memref<1000000xf32, #tpu.memory_space<hbm>>) dst(%dma_wait3A_897 : memref<128xf32, #tpu.memory_space<vmem>>)
    %dma_wait3A_903 = arith.constant 8 : i32
    %dma_wait3A_904 = arith.constant 1024 : i32
    %dma_wait3A_905 = tpu.memref_slice %arg9[%dma_wait3A_904] : memref<3328xf32, #tpu.memory_space<vmem>> -> memref<128xf32, #tpu.memory_space<vmem>>
    %dma_wait3A_906 = arith.constant 0 : i32
    %dma_wait3A_907 = tpu.memref_slice %arg7[%dma_wait3A_903, %dma_wait3A_906] : memref<26x128xi32, #tpu.memory_space<vmem>> -> memref<1x128xi32, #tpu.memory_space<vmem>>
    %dma_wait3A_908 = tpu.memref_squeeze %dma_wait3A_907 : memref<1x128xi32, #tpu.memory_space<vmem>> -> memref<128xi32, #tpu.memory_space<vmem>>
    %dma_wait3A_909 = arith.constant 0 : i32
    %dma_wait3A_910 = tpu.memref_slice %arg4[%dma_wait3A_909] : memref<1000000xf32, #tpu.memory_space<hbm>> -> memref<1000000xf32, #tpu.memory_space<hbm>>
    tpu.wait_indirect_dma semaphore(%arg12 : memref<!tpu.dma_semaphore, #tpu.memory_space<semaphore_mem>>) src(%dma_wait3A_910 : memref<1000000xf32, #tpu.memory_space<hbm>>) dst(%dma_wait3A_905 : memref<128xf32, #tpu.memory_space<vmem>>)
    %dma_wait3A_911 = arith.constant 9 : i32
    %dma_wait3A_912 = arith.constant 1152 : i32
    %dma_wait3A_913 = tpu.memref_slice %arg9[%dma_wait3A_912] : memref<3328xf32, #tpu.memory_space<vmem>> -> memref<128xf32, #tpu.memory_space<vmem>>
    %dma_wait3A_914 = arith.constant 0 : i32
    %dma_wait3A_915 = tpu.memref_slice %arg7[%dma_wait3A_911, %dma_wait3A_914] : memref<26x128xi32, #tpu.memory_space<vmem>> -> memref<1x128xi32, #tpu.memory_space<vmem>>
    %dma_wait3A_916 = tpu.memref_squeeze %dma_wait3A_915 : memref<1x128xi32, #tpu.memory_space<vmem>> -> memref<128xi32, #tpu.memory_space<vmem>>
    %dma_wait3A_917 = arith.constant 0 : i32
    %dma_wait3A_918 = tpu.memref_slice %arg4[%dma_wait3A_917] : memref<1000000xf32, #tpu.memory_space<hbm>> -> memref<1000000xf32, #tpu.memory_space<hbm>>
    tpu.wait_indirect_dma semaphore(%arg12 : memref<!tpu.dma_semaphore, #tpu.memory_space<semaphore_mem>>) src(%dma_wait3A_918 : memref<1000000xf32, #tpu.memory_space<hbm>>) dst(%dma_wait3A_913 : memref<128xf32, #tpu.memory_space<vmem>>)
    %dma_wait3A_919 = arith.constant 10 : i32
    %dma_wait3A_920 = arith.constant 1280 : i32
    %dma_wait3A_921 = tpu.memref_slice %arg9[%dma_wait3A_920] : memref<3328xf32, #tpu.memory_space<vmem>> -> memref<128xf32, #tpu.memory_space<vmem>>
    %dma_wait3A_922 = arith.constant 0 : i32
    %dma_wait3A_923 = tpu.memref_slice %arg7[%dma_wait3A_919, %dma_wait3A_922] : memref<26x128xi32, #tpu.memory_space<vmem>> -> memref<1x128xi32, #tpu.memory_space<vmem>>
    %dma_wait3A_924 = tpu.memref_squeeze %dma_wait3A_923 : memref<1x128xi32, #tpu.memory_space<vmem>> -> memref<128xi32, #tpu.memory_space<vmem>>
    %dma_wait3A_925 = arith.constant 0 : i32
    %dma_wait3A_926 = tpu.memref_slice %arg4[%dma_wait3A_925] : memref<1000000xf32, #tpu.memory_space<hbm>> -> memref<1000000xf32, #tpu.memory_space<hbm>>
    tpu.wait_indirect_dma semaphore(%arg12 : memref<!tpu.dma_semaphore, #tpu.memory_space<semaphore_mem>>) src(%dma_wait3A_926 : memref<1000000xf32, #tpu.memory_space<hbm>>) dst(%dma_wait3A_921 : memref<128xf32, #tpu.memory_space<vmem>>)
    %dma_wait3A_927 = arith.constant 11 : i32
    %dma_wait3A_928 = arith.constant 1408 : i32
    %dma_wait3A_929 = tpu.memref_slice %arg9[%dma_wait3A_928] : memref<3328xf32, #tpu.memory_space<vmem>> -> memref<128xf32, #tpu.memory_space<vmem>>
    %dma_wait3A_930 = arith.constant 0 : i32
    %dma_wait3A_931 = tpu.memref_slice %arg7[%dma_wait3A_927, %dma_wait3A_930] : memref<26x128xi32, #tpu.memory_space<vmem>> -> memref<1x128xi32, #tpu.memory_space<vmem>>
    %dma_wait3A_932 = tpu.memref_squeeze %dma_wait3A_931 : memref<1x128xi32, #tpu.memory_space<vmem>> -> memref<128xi32, #tpu.memory_space<vmem>>
    %dma_wait3A_933 = arith.constant 0 : i32
    %dma_wait3A_934 = tpu.memref_slice %arg4[%dma_wait3A_933] : memref<1000000xf32, #tpu.memory_space<hbm>> -> memref<1000000xf32, #tpu.memory_space<hbm>>
    tpu.wait_indirect_dma semaphore(%arg12 : memref<!tpu.dma_semaphore, #tpu.memory_space<semaphore_mem>>) src(%dma_wait3A_934 : memref<1000000xf32, #tpu.memory_space<hbm>>) dst(%dma_wait3A_929 : memref<128xf32, #tpu.memory_space<vmem>>)
    %dma_wait3A_935 = arith.constant 12 : i32
    %dma_wait3A_936 = arith.constant 1536 : i32
    %dma_wait3A_937 = tpu.memref_slice %arg9[%dma_wait3A_936] : memref<3328xf32, #tpu.memory_space<vmem>> -> memref<128xf32, #tpu.memory_space<vmem>>
    %dma_wait3A_938 = arith.constant 0 : i32
    %dma_wait3A_939 = tpu.memref_slice %arg7[%dma_wait3A_935, %dma_wait3A_938] : memref<26x128xi32, #tpu.memory_space<vmem>> -> memref<1x128xi32, #tpu.memory_space<vmem>>
    %dma_wait3A_940 = tpu.memref_squeeze %dma_wait3A_939 : memref<1x128xi32, #tpu.memory_space<vmem>> -> memref<128xi32, #tpu.memory_space<vmem>>
    %dma_wait3A_941 = arith.constant 0 : i32
    %dma_wait3A_942 = tpu.memref_slice %arg4[%dma_wait3A_941] : memref<1000000xf32, #tpu.memory_space<hbm>> -> memref<1000000xf32, #tpu.memory_space<hbm>>
    tpu.wait_indirect_dma semaphore(%arg12 : memref<!tpu.dma_semaphore, #tpu.memory_space<semaphore_mem>>) src(%dma_wait3A_942 : memref<1000000xf32, #tpu.memory_space<hbm>>) dst(%dma_wait3A_937 : memref<128xf32, #tpu.memory_space<vmem>>)
    %dma_wait3A_943 = arith.constant 13 : i32
    %dma_wait3A_944 = arith.constant 1664 : i32
    %dma_wait3A_945 = tpu.memref_slice %arg9[%dma_wait3A_944] : memref<3328xf32, #tpu.memory_space<vmem>> -> memref<128xf32, #tpu.memory_space<vmem>>
    %dma_wait3A_946 = arith.constant 0 : i32
    %dma_wait3A_947 = tpu.memref_slice %arg7[%dma_wait3A_943, %dma_wait3A_946] : memref<26x128xi32, #tpu.memory_space<vmem>> -> memref<1x128xi32, #tpu.memory_space<vmem>>
    %dma_wait3A_948 = tpu.memref_squeeze %dma_wait3A_947 : memref<1x128xi32, #tpu.memory_space<vmem>> -> memref<128xi32, #tpu.memory_space<vmem>>
    %dma_wait3A_949 = arith.constant 0 : i32
    %dma_wait3A_950 = tpu.memref_slice %arg4[%dma_wait3A_949] : memref<1000000xf32, #tpu.memory_space<hbm>> -> memref<1000000xf32, #tpu.memory_space<hbm>>
    tpu.wait_indirect_dma semaphore(%arg12 : memref<!tpu.dma_semaphore, #tpu.memory_space<semaphore_mem>>) src(%dma_wait3A_950 : memref<1000000xf32, #tpu.memory_space<hbm>>) dst(%dma_wait3A_945 : memref<128xf32, #tpu.memory_space<vmem>>)
    %dma_wait3A_951 = arith.constant 14 : i32
    %dma_wait3A_952 = arith.constant 1792 : i32
    %dma_wait3A_953 = tpu.memref_slice %arg9[%dma_wait3A_952] : memref<3328xf32, #tpu.memory_space<vmem>> -> memref<128xf32, #tpu.memory_space<vmem>>
    %dma_wait3A_954 = arith.constant 0 : i32
    %dma_wait3A_955 = tpu.memref_slice %arg7[%dma_wait3A_951, %dma_wait3A_954] : memref<26x128xi32, #tpu.memory_space<vmem>> -> memref<1x128xi32, #tpu.memory_space<vmem>>
    %dma_wait3A_956 = tpu.memref_squeeze %dma_wait3A_955 : memref<1x128xi32, #tpu.memory_space<vmem>> -> memref<128xi32, #tpu.memory_space<vmem>>
    %dma_wait3A_957 = arith.constant 0 : i32
    %dma_wait3A_958 = tpu.memref_slice %arg4[%dma_wait3A_957] : memref<1000000xf32, #tpu.memory_space<hbm>> -> memref<1000000xf32, #tpu.memory_space<hbm>>
    tpu.wait_indirect_dma semaphore(%arg12 : memref<!tpu.dma_semaphore, #tpu.memory_space<semaphore_mem>>) src(%dma_wait3A_958 : memref<1000000xf32, #tpu.memory_space<hbm>>) dst(%dma_wait3A_953 : memref<128xf32, #tpu.memory_space<vmem>>)
    %dma_wait3A_959 = arith.constant 15 : i32
    %dma_wait3A_960 = arith.constant 1920 : i32
    %dma_wait3A_961 = tpu.memref_slice %arg9[%dma_wait3A_960] : memref<3328xf32, #tpu.memory_space<vmem>> -> memref<128xf32, #tpu.memory_space<vmem>>
    %dma_wait3A_962 = arith.constant 0 : i32
    %dma_wait3A_963 = tpu.memref_slice %arg7[%dma_wait3A_959, %dma_wait3A_962] : memref<26x128xi32, #tpu.memory_space<vmem>> -> memref<1x128xi32, #tpu.memory_space<vmem>>
    %dma_wait3A_964 = tpu.memref_squeeze %dma_wait3A_963 : memref<1x128xi32, #tpu.memory_space<vmem>> -> memref<128xi32, #tpu.memory_space<vmem>>
    %dma_wait3A_965 = arith.constant 0 : i32
    %dma_wait3A_966 = tpu.memref_slice %arg4[%dma_wait3A_965] : memref<1000000xf32, #tpu.memory_space<hbm>> -> memref<1000000xf32, #tpu.memory_space<hbm>>
    tpu.wait_indirect_dma semaphore(%arg12 : memref<!tpu.dma_semaphore, #tpu.memory_space<semaphore_mem>>) src(%dma_wait3A_966 : memref<1000000xf32, #tpu.memory_space<hbm>>) dst(%dma_wait3A_961 : memref<128xf32, #tpu.memory_space<vmem>>)
    %dma_wait3A_967 = arith.constant 16 : i32
    %dma_wait3A_968 = arith.constant 2048 : i32
    %dma_wait3A_969 = tpu.memref_slice %arg9[%dma_wait3A_968] : memref<3328xf32, #tpu.memory_space<vmem>> -> memref<128xf32, #tpu.memory_space<vmem>>
    %dma_wait3A_970 = arith.constant 0 : i32
    %dma_wait3A_971 = tpu.memref_slice %arg7[%dma_wait3A_967, %dma_wait3A_970] : memref<26x128xi32, #tpu.memory_space<vmem>> -> memref<1x128xi32, #tpu.memory_space<vmem>>
    %dma_wait3A_972 = tpu.memref_squeeze %dma_wait3A_971 : memref<1x128xi32, #tpu.memory_space<vmem>> -> memref<128xi32, #tpu.memory_space<vmem>>
    %dma_wait3A_973 = arith.constant 0 : i32
    %dma_wait3A_974 = tpu.memref_slice %arg4[%dma_wait3A_973] : memref<1000000xf32, #tpu.memory_space<hbm>> -> memref<1000000xf32, #tpu.memory_space<hbm>>
    tpu.wait_indirect_dma semaphore(%arg12 : memref<!tpu.dma_semaphore, #tpu.memory_space<semaphore_mem>>) src(%dma_wait3A_974 : memref<1000000xf32, #tpu.memory_space<hbm>>) dst(%dma_wait3A_969 : memref<128xf32, #tpu.memory_space<vmem>>)
    %dma_wait3A_975 = arith.constant 17 : i32
    %dma_wait3A_976 = arith.constant 2176 : i32
    %dma_wait3A_977 = tpu.memref_slice %arg9[%dma_wait3A_976] : memref<3328xf32, #tpu.memory_space<vmem>> -> memref<128xf32, #tpu.memory_space<vmem>>
    %dma_wait3A_978 = arith.constant 0 : i32
    %dma_wait3A_979 = tpu.memref_slice %arg7[%dma_wait3A_975, %dma_wait3A_978] : memref<26x128xi32, #tpu.memory_space<vmem>> -> memref<1x128xi32, #tpu.memory_space<vmem>>
    %dma_wait3A_980 = tpu.memref_squeeze %dma_wait3A_979 : memref<1x128xi32, #tpu.memory_space<vmem>> -> memref<128xi32, #tpu.memory_space<vmem>>
    %dma_wait3A_981 = arith.constant 0 : i32
    %dma_wait3A_982 = tpu.memref_slice %arg4[%dma_wait3A_981] : memref<1000000xf32, #tpu.memory_space<hbm>> -> memref<1000000xf32, #tpu.memory_space<hbm>>
    tpu.wait_indirect_dma semaphore(%arg12 : memref<!tpu.dma_semaphore, #tpu.memory_space<semaphore_mem>>) src(%dma_wait3A_982 : memref<1000000xf32, #tpu.memory_space<hbm>>) dst(%dma_wait3A_977 : memref<128xf32, #tpu.memory_space<vmem>>)
    %dma_wait3A_983 = arith.constant 18 : i32
    %dma_wait3A_984 = arith.constant 2304 : i32
    %dma_wait3A_985 = tpu.memref_slice %arg9[%dma_wait3A_984] : memref<3328xf32, #tpu.memory_space<vmem>> -> memref<128xf32, #tpu.memory_space<vmem>>
    %dma_wait3A_986 = arith.constant 0 : i32
    %dma_wait3A_987 = tpu.memref_slice %arg7[%dma_wait3A_983, %dma_wait3A_986] : memref<26x128xi32, #tpu.memory_space<vmem>> -> memref<1x128xi32, #tpu.memory_space<vmem>>
    %dma_wait3A_988 = tpu.memref_squeeze %dma_wait3A_987 : memref<1x128xi32, #tpu.memory_space<vmem>> -> memref<128xi32, #tpu.memory_space<vmem>>
    %dma_wait3A_989 = arith.constant 0 : i32
    %dma_wait3A_990 = tpu.memref_slice %arg4[%dma_wait3A_989] : memref<1000000xf32, #tpu.memory_space<hbm>> -> memref<1000000xf32, #tpu.memory_space<hbm>>
    tpu.wait_indirect_dma semaphore(%arg12 : memref<!tpu.dma_semaphore, #tpu.memory_space<semaphore_mem>>) src(%dma_wait3A_990 : memref<1000000xf32, #tpu.memory_space<hbm>>) dst(%dma_wait3A_985 : memref<128xf32, #tpu.memory_space<vmem>>)
    %dma_wait3A_991 = arith.constant 19 : i32
    %dma_wait3A_992 = arith.constant 2432 : i32
    %dma_wait3A_993 = tpu.memref_slice %arg9[%dma_wait3A_992] : memref<3328xf32, #tpu.memory_space<vmem>> -> memref<128xf32, #tpu.memory_space<vmem>>
    %dma_wait3A_994 = arith.constant 0 : i32
    %dma_wait3A_995 = tpu.memref_slice %arg7[%dma_wait3A_991, %dma_wait3A_994] : memref<26x128xi32, #tpu.memory_space<vmem>> -> memref<1x128xi32, #tpu.memory_space<vmem>>
    %dma_wait3A_996 = tpu.memref_squeeze %dma_wait3A_995 : memref<1x128xi32, #tpu.memory_space<vmem>> -> memref<128xi32, #tpu.memory_space<vmem>>
    %dma_wait3A_997 = arith.constant 0 : i32
    %dma_wait3A_998 = tpu.memref_slice %arg4[%dma_wait3A_997] : memref<1000000xf32, #tpu.memory_space<hbm>> -> memref<1000000xf32, #tpu.memory_space<hbm>>
    tpu.wait_indirect_dma semaphore(%arg12 : memref<!tpu.dma_semaphore, #tpu.memory_space<semaphore_mem>>) src(%dma_wait3A_998 : memref<1000000xf32, #tpu.memory_space<hbm>>) dst(%dma_wait3A_993 : memref<128xf32, #tpu.memory_space<vmem>>)
    %dma_wait3A_999 = arith.constant 20 : i32
    %dma_wait3A_1000 = arith.constant 2560 : i32
    %dma_wait3A_1001 = tpu.memref_slice %arg9[%dma_wait3A_1000] : memref<3328xf32, #tpu.memory_space<vmem>> -> memref<128xf32, #tpu.memory_space<vmem>>
    %dma_wait3A_1002 = arith.constant 0 : i32
    %dma_wait3A_1003 = tpu.memref_slice %arg7[%dma_wait3A_999, %dma_wait3A_1002] : memref<26x128xi32, #tpu.memory_space<vmem>> -> memref<1x128xi32, #tpu.memory_space<vmem>>
    %dma_wait3A_1004 = tpu.memref_squeeze %dma_wait3A_1003 : memref<1x128xi32, #tpu.memory_space<vmem>> -> memref<128xi32, #tpu.memory_space<vmem>>
    %dma_wait3A_1005 = arith.constant 0 : i32
    %dma_wait3A_1006 = tpu.memref_slice %arg4[%dma_wait3A_1005] : memref<1000000xf32, #tpu.memory_space<hbm>> -> memref<1000000xf32, #tpu.memory_space<hbm>>
    tpu.wait_indirect_dma semaphore(%arg12 : memref<!tpu.dma_semaphore, #tpu.memory_space<semaphore_mem>>) src(%dma_wait3A_1006 : memref<1000000xf32, #tpu.memory_space<hbm>>) dst(%dma_wait3A_1001 : memref<128xf32, #tpu.memory_space<vmem>>)
    %dma_wait3A_1007 = arith.constant 21 : i32
    %dma_wait3A_1008 = arith.constant 2688 : i32
    %dma_wait3A_1009 = tpu.memref_slice %arg9[%dma_wait3A_1008] : memref<3328xf32, #tpu.memory_space<vmem>> -> memref<128xf32, #tpu.memory_space<vmem>>
    %dma_wait3A_1010 = arith.constant 0 : i32
    %dma_wait3A_1011 = tpu.memref_slice %arg7[%dma_wait3A_1007, %dma_wait3A_1010] : memref<26x128xi32, #tpu.memory_space<vmem>> -> memref<1x128xi32, #tpu.memory_space<vmem>>
    %dma_wait3A_1012 = tpu.memref_squeeze %dma_wait3A_1011 : memref<1x128xi32, #tpu.memory_space<vmem>> -> memref<128xi32, #tpu.memory_space<vmem>>
    %dma_wait3A_1013 = arith.constant 0 : i32
    %dma_wait3A_1014 = tpu.memref_slice %arg4[%dma_wait3A_1013] : memref<1000000xf32, #tpu.memory_space<hbm>> -> memref<1000000xf32, #tpu.memory_space<hbm>>
    tpu.wait_indirect_dma semaphore(%arg12 : memref<!tpu.dma_semaphore, #tpu.memory_space<semaphore_mem>>) src(%dma_wait3A_1014 : memref<1000000xf32, #tpu.memory_space<hbm>>) dst(%dma_wait3A_1009 : memref<128xf32, #tpu.memory_space<vmem>>)
    %dma_wait3A_1015 = arith.constant 22 : i32
    %dma_wait3A_1016 = arith.constant 2816 : i32
    %dma_wait3A_1017 = tpu.memref_slice %arg9[%dma_wait3A_1016] : memref<3328xf32, #tpu.memory_space<vmem>> -> memref<128xf32, #tpu.memory_space<vmem>>
    %dma_wait3A_1018 = arith.constant 0 : i32
    %dma_wait3A_1019 = tpu.memref_slice %arg7[%dma_wait3A_1015, %dma_wait3A_1018] : memref<26x128xi32, #tpu.memory_space<vmem>> -> memref<1x128xi32, #tpu.memory_space<vmem>>
    %dma_wait3A_1020 = tpu.memref_squeeze %dma_wait3A_1019 : memref<1x128xi32, #tpu.memory_space<vmem>> -> memref<128xi32, #tpu.memory_space<vmem>>
    %dma_wait3A_1021 = arith.constant 0 : i32
    %dma_wait3A_1022 = tpu.memref_slice %arg4[%dma_wait3A_1021] : memref<1000000xf32, #tpu.memory_space<hbm>> -> memref<1000000xf32, #tpu.memory_space<hbm>>
    tpu.wait_indirect_dma semaphore(%arg12 : memref<!tpu.dma_semaphore, #tpu.memory_space<semaphore_mem>>) src(%dma_wait3A_1022 : memref<1000000xf32, #tpu.memory_space<hbm>>) dst(%dma_wait3A_1017 : memref<128xf32, #tpu.memory_space<vmem>>)
    %dma_wait3A_1023 = arith.constant 23 : i32
    %dma_wait3A_1024 = arith.constant 2944 : i32
    %dma_wait3A_1025 = tpu.memref_slice %arg9[%dma_wait3A_1024] : memref<3328xf32, #tpu.memory_space<vmem>> -> memref<128xf32, #tpu.memory_space<vmem>>
    %dma_wait3A_1026 = arith.constant 0 : i32
    %dma_wait3A_1027 = tpu.memref_slice %arg7[%dma_wait3A_1023, %dma_wait3A_1026] : memref<26x128xi32, #tpu.memory_space<vmem>> -> memref<1x128xi32, #tpu.memory_space<vmem>>
    %dma_wait3A_1028 = tpu.memref_squeeze %dma_wait3A_1027 : memref<1x128xi32, #tpu.memory_space<vmem>> -> memref<128xi32, #tpu.memory_space<vmem>>
    %dma_wait3A_1029 = arith.constant 0 : i32
    %dma_wait3A_1030 = tpu.memref_slice %arg4[%dma_wait3A_1029] : memref<1000000xf32, #tpu.memory_space<hbm>> -> memref<1000000xf32, #tpu.memory_space<hbm>>
    tpu.wait_indirect_dma semaphore(%arg12 : memref<!tpu.dma_semaphore, #tpu.memory_space<semaphore_mem>>) src(%dma_wait3A_1030 : memref<1000000xf32, #tpu.memory_space<hbm>>) dst(%dma_wait3A_1025 : memref<128xf32, #tpu.memory_space<vmem>>)
    %dma_wait3A_1031 = arith.constant 24 : i32
    %dma_wait3A_1032 = arith.constant 3072 : i32
    %dma_wait3A_1033 = tpu.memref_slice %arg9[%dma_wait3A_1032] : memref<3328xf32, #tpu.memory_space<vmem>> -> memref<128xf32, #tpu.memory_space<vmem>>
    %dma_wait3A_1034 = arith.constant 0 : i32
    %dma_wait3A_1035 = tpu.memref_slice %arg7[%dma_wait3A_1031, %dma_wait3A_1034] : memref<26x128xi32, #tpu.memory_space<vmem>> -> memref<1x128xi32, #tpu.memory_space<vmem>>
    %dma_wait3A_1036 = tpu.memref_squeeze %dma_wait3A_1035 : memref<1x128xi32, #tpu.memory_space<vmem>> -> memref<128xi32, #tpu.memory_space<vmem>>
    %dma_wait3A_1037 = arith.constant 0 : i32
    %dma_wait3A_1038 = tpu.memref_slice %arg4[%dma_wait3A_1037] : memref<1000000xf32, #tpu.memory_space<hbm>> -> memref<1000000xf32, #tpu.memory_space<hbm>>
    tpu.wait_indirect_dma semaphore(%arg12 : memref<!tpu.dma_semaphore, #tpu.memory_space<semaphore_mem>>) src(%dma_wait3A_1038 : memref<1000000xf32, #tpu.memory_space<hbm>>) dst(%dma_wait3A_1033 : memref<128xf32, #tpu.memory_space<vmem>>)
    %dma_wait3A_1039 = arith.constant 25 : i32
    %dma_wait3A_1040 = arith.constant 3200 : i32
    %dma_wait3A_1041 = tpu.memref_slice %arg9[%dma_wait3A_1040] : memref<3328xf32, #tpu.memory_space<vmem>> -> memref<128xf32, #tpu.memory_space<vmem>>
    %dma_wait3A_1042 = arith.constant 0 : i32
    %dma_wait3A_1043 = tpu.memref_slice %arg7[%dma_wait3A_1039, %dma_wait3A_1042] : memref<26x128xi32, #tpu.memory_space<vmem>> -> memref<1x128xi32, #tpu.memory_space<vmem>>
    %dma_wait3A_1044 = tpu.memref_squeeze %dma_wait3A_1043 : memref<1x128xi32, #tpu.memory_space<vmem>> -> memref<128xi32, #tpu.memory_space<vmem>>
    %dma_wait3A_1045 = arith.constant 0 : i32
    %dma_wait3A_1046 = tpu.memref_slice %arg4[%dma_wait3A_1045] : memref<1000000xf32, #tpu.memory_space<hbm>> -> memref<1000000xf32, #tpu.memory_space<hbm>>
    tpu.wait_indirect_dma semaphore(%arg12 : memref<!tpu.dma_semaphore, #tpu.memory_space<semaphore_mem>>) src(%dma_wait3A_1046 : memref<1000000xf32, #tpu.memory_space<hbm>>) dst(%dma_wait3A_1041 : memref<128xf32, #tpu.memory_space<vmem>>)
    %iota3A = tpu.iota {dimensions = array<i32: 0>} : vector<16xi32>
    %add3A_1047 = arith.constant 0 : i32
    %add3A_1048 = vector.broadcast %add3A_1047 : i32 to vector<16xi32>
    %add3A_1049 = arith.addi %add3A_1048, %iota3A : vector<16xi32>
    %mul3A_1050 = arith.constant 26 : i32
    %mul3A_1051 = vector.broadcast %mul3A_1050 : i32 to vector<16xi32>
    %mul3A_1052 = arith.muli %add3A_1049, %mul3A_1051 : vector<16xi32>
    %broadcast_in_dim3A = arith.constant 0.000000e+00 : f32
    %broadcast_in_dim3A_1053 = vector.broadcast %broadcast_in_dim3A : f32 to vector<16xf32>
    %add3A_1054 = arith.constant 0 : i32
    %add3A_1055 = vector.broadcast %add3A_1054 : i32 to vector<16xi32>
    %add3A_1056 = arith.addi %mul3A_1052, %add3A_1055 : vector<16xi32>
    %gather3A = tpu.vector_load_idx %arg9[%add3A_1056] : memref<3328xf32, #tpu.memory_space<vmem>>[vector<16xi32>], vector<16xf32>,
    %add3A_1057 = arith.addf %broadcast_in_dim3A_1053, %gather3A : vector<16xf32>
    %add3A_1058 = arith.constant 1 : i32
    %add3A_1059 = vector.broadcast %add3A_1058 : i32 to vector<16xi32>
    %add3A_1060 = arith.addi %mul3A_1052, %add3A_1059 : vector<16xi32>
    %gather3A_1061 = tpu.vector_load_idx %arg9[%add3A_1060] : memref<3328xf32, #tpu.memory_space<vmem>>[vector<16xi32>], vector<16xf32>,
    %add3A_1062 = arith.addf %add3A_1057, %gather3A_1061 : vector<16xf32>
    %add3A_1063 = arith.constant 2 : i32
    %add3A_1064 = vector.broadcast %add3A_1063 : i32 to vector<16xi32>
    %add3A_1065 = arith.addi %mul3A_1052, %add3A_1064 : vector<16xi32>
    %gather3A_1066 = tpu.vector_load_idx %arg9[%add3A_1065] : memref<3328xf32, #tpu.memory_space<vmem>>[vector<16xi32>], vector<16xf32>,
    %add3A_1067 = arith.addf %add3A_1062, %gather3A_1066 : vector<16xf32>
    %add3A_1068 = arith.constant 3 : i32
    %add3A_1069 = vector.broadcast %add3A_1068 : i32 to vector<16xi32>
    %add3A_1070 = arith.addi %mul3A_1052, %add3A_1069 : vector<16xi32>
    %gather3A_1071 = tpu.vector_load_idx %arg9[%add3A_1070] : memref<3328xf32, #tpu.memory_space<vmem>>[vector<16xi32>], vector<16xf32>,
    %add3A_1072 = arith.addf %add3A_1067, %gather3A_1071 : vector<16xf32>
    %add3A_1073 = arith.constant 4 : i32
    %add3A_1074 = vector.broadcast %add3A_1073 : i32 to vector<16xi32>
    %add3A_1075 = arith.addi %mul3A_1052, %add3A_1074 : vector<16xi32>
    %gather3A_1076 = tpu.vector_load_idx %arg9[%add3A_1075] : memref<3328xf32, #tpu.memory_space<vmem>>[vector<16xi32>], vector<16xf32>,
    %add3A_1077 = arith.addf %add3A_1072, %gather3A_1076 : vector<16xf32>
    %add3A_1078 = arith.constant 5 : i32
    %add3A_1079 = vector.broadcast %add3A_1078 : i32 to vector<16xi32>
    %add3A_1080 = arith.addi %mul3A_1052, %add3A_1079 : vector<16xi32>
    %gather3A_1081 = tpu.vector_load_idx %arg9[%add3A_1080] : memref<3328xf32, #tpu.memory_space<vmem>>[vector<16xi32>], vector<16xf32>,
    %add3A_1082 = arith.addf %add3A_1077, %gather3A_1081 : vector<16xf32>
    %add3A_1083 = arith.constant 6 : i32
    %add3A_1084 = vector.broadcast %add3A_1083 : i32 to vector<16xi32>
    %add3A_1085 = arith.addi %mul3A_1052, %add3A_1084 : vector<16xi32>
    %gather3A_1086 = tpu.vector_load_idx %arg9[%add3A_1085] : memref<3328xf32, #tpu.memory_space<vmem>>[vector<16xi32>], vector<16xf32>,
    %add3A_1087 = arith.addf %add3A_1082, %gather3A_1086 : vector<16xf32>
    %add3A_1088 = arith.constant 7 : i32
    %add3A_1089 = vector.broadcast %add3A_1088 : i32 to vector<16xi32>
    %add3A_1090 = arith.addi %mul3A_1052, %add3A_1089 : vector<16xi32>
    %gather3A_1091 = tpu.vector_load_idx %arg9[%add3A_1090] : memref<3328xf32, #tpu.memory_space<vmem>>[vector<16xi32>], vector<16xf32>,
    %add3A_1092 = arith.addf %add3A_1087, %gather3A_1091 : vector<16xf32>
    %add3A_1093 = arith.constant 8 : i32
    %add3A_1094 = vector.broadcast %add3A_1093 : i32 to vector<16xi32>
    %add3A_1095 = arith.addi %mul3A_1052, %add3A_1094 : vector<16xi32>
    %gather3A_1096 = tpu.vector_load_idx %arg9[%add3A_1095] : memref<3328xf32, #tpu.memory_space<vmem>>[vector<16xi32>], vector<16xf32>,
    %add3A_1097 = arith.addf %add3A_1092, %gather3A_1096 : vector<16xf32>
    %add3A_1098 = arith.constant 9 : i32
    %add3A_1099 = vector.broadcast %add3A_1098 : i32 to vector<16xi32>
    %add3A_1100 = arith.addi %mul3A_1052, %add3A_1099 : vector<16xi32>
    %gather3A_1101 = tpu.vector_load_idx %arg9[%add3A_1100] : memref<3328xf32, #tpu.memory_space<vmem>>[vector<16xi32>], vector<16xf32>,
    %add3A_1102 = arith.addf %add3A_1097, %gather3A_1101 : vector<16xf32>
    %add3A_1103 = arith.constant 10 : i32
    %add3A_1104 = vector.broadcast %add3A_1103 : i32 to vector<16xi32>
    %add3A_1105 = arith.addi %mul3A_1052, %add3A_1104 : vector<16xi32>
    %gather3A_1106 = tpu.vector_load_idx %arg9[%add3A_1105] : memref<3328xf32, #tpu.memory_space<vmem>>[vector<16xi32>], vector<16xf32>,
    %add3A_1107 = arith.addf %add3A_1102, %gather3A_1106 : vector<16xf32>
    %add3A_1108 = arith.constant 11 : i32
    %add3A_1109 = vector.broadcast %add3A_1108 : i32 to vector<16xi32>
    %add3A_1110 = arith.addi %mul3A_1052, %add3A_1109 : vector<16xi32>
    %gather3A_1111 = tpu.vector_load_idx %arg9[%add3A_1110] : memref<3328xf32, #tpu.memory_space<vmem>>[vector<16xi32>], vector<16xf32>,
    %add3A_1112 = arith.addf %add3A_1107, %gather3A_1111 : vector<16xf32>
    %add3A_1113 = arith.constant 12 : i32
    %add3A_1114 = vector.broadcast %add3A_1113 : i32 to vector<16xi32>
    %add3A_1115 = arith.addi %mul3A_1052, %add3A_1114 : vector<16xi32>
    %gather3A_1116 = tpu.vector_load_idx %arg9[%add3A_1115] : memref<3328xf32, #tpu.memory_space<vmem>>[vector<16xi32>], vector<16xf32>,
    %add3A_1117 = arith.addf %add3A_1112, %gather3A_1116 : vector<16xf32>
    %add3A_1118 = arith.constant 13 : i32
    %add3A_1119 = vector.broadcast %add3A_1118 : i32 to vector<16xi32>
    %add3A_1120 = arith.addi %mul3A_1052, %add3A_1119 : vector<16xi32>
    %gather3A_1121 = tpu.vector_load_idx %arg9[%add3A_1120] : memref<3328xf32, #tpu.memory_space<vmem>>[vector<16xi32>], vector<16xf32>,
    %add3A_1122 = arith.addf %add3A_1117, %gather3A_1121 : vector<16xf32>
    %add3A_1123 = arith.constant 14 : i32
    %add3A_1124 = vector.broadcast %add3A_1123 : i32 to vector<16xi32>
    %add3A_1125 = arith.addi %mul3A_1052, %add3A_1124 : vector<16xi32>
    %gather3A_1126 = tpu.vector_load_idx %arg9[%add3A_1125] : memref<3328xf32, #tpu.memory_space<vmem>>[vector<16xi32>], vector<16xf32>,
    %add3A_1127 = arith.addf %add3A_1122, %gather3A_1126 : vector<16xf32>
    %add3A_1128 = arith.constant 15 : i32
    %add3A_1129 = vector.broadcast %add3A_1128 : i32 to vector<16xi32>
    %add3A_1130 = arith.addi %mul3A_1052, %add3A_1129 : vector<16xi32>
    %gather3A_1131 = tpu.vector_load_idx %arg9[%add3A_1130] : memref<3328xf32, #tpu.memory_space<vmem>>[vector<16xi32>], vector<16xf32>,
    %add3A_1132 = arith.addf %add3A_1127, %gather3A_1131 : vector<16xf32>
    %add3A_1133 = arith.constant 16 : i32
    %add3A_1134 = vector.broadcast %add3A_1133 : i32 to vector<16xi32>
    %add3A_1135 = arith.addi %mul3A_1052, %add3A_1134 : vector<16xi32>
    %gather3A_1136 = tpu.vector_load_idx %arg9[%add3A_1135] : memref<3328xf32, #tpu.memory_space<vmem>>[vector<16xi32>], vector<16xf32>,
    %add3A_1137 = arith.addf %add3A_1132, %gather3A_1136 : vector<16xf32>
    %add3A_1138 = arith.constant 17 : i32
    %add3A_1139 = vector.broadcast %add3A_1138 : i32 to vector<16xi32>
    %add3A_1140 = arith.addi %mul3A_1052, %add3A_1139 : vector<16xi32>
    %gather3A_1141 = tpu.vector_load_idx %arg9[%add3A_1140] : memref<3328xf32, #tpu.memory_space<vmem>>[vector<16xi32>], vector<16xf32>,
    %add3A_1142 = arith.addf %add3A_1137, %gather3A_1141 : vector<16xf32>
    %add3A_1143 = arith.constant 18 : i32
    %add3A_1144 = vector.broadcast %add3A_1143 : i32 to vector<16xi32>
    %add3A_1145 = arith.addi %mul3A_1052, %add3A_1144 : vector<16xi32>
    %gather3A_1146 = tpu.vector_load_idx %arg9[%add3A_1145] : memref<3328xf32, #tpu.memory_space<vmem>>[vector<16xi32>], vector<16xf32>,
    %add3A_1147 = arith.addf %add3A_1142, %gather3A_1146 : vector<16xf32>
    %add3A_1148 = arith.constant 19 : i32
    %add3A_1149 = vector.broadcast %add3A_1148 : i32 to vector<16xi32>
    %add3A_1150 = arith.addi %mul3A_1052, %add3A_1149 : vector<16xi32>
    %gather3A_1151 = tpu.vector_load_idx %arg9[%add3A_1150] : memref<3328xf32, #tpu.memory_space<vmem>>[vector<16xi32>], vector<16xf32>,
    %add3A_1152 = arith.addf %add3A_1147, %gather3A_1151 : vector<16xf32>
    %add3A_1153 = arith.constant 20 : i32
    %add3A_1154 = vector.broadcast %add3A_1153 : i32 to vector<16xi32>
    %add3A_1155 = arith.addi %mul3A_1052, %add3A_1154 : vector<16xi32>
    %gather3A_1156 = tpu.vector_load_idx %arg9[%add3A_1155] : memref<3328xf32, #tpu.memory_space<vmem>>[vector<16xi32>], vector<16xf32>,
    %add3A_1157 = arith.addf %add3A_1152, %gather3A_1156 : vector<16xf32>
    %add3A_1158 = arith.constant 21 : i32
    %add3A_1159 = vector.broadcast %add3A_1158 : i32 to vector<16xi32>
    %add3A_1160 = arith.addi %mul3A_1052, %add3A_1159 : vector<16xi32>
    %gather3A_1161 = tpu.vector_load_idx %arg9[%add3A_1160] : memref<3328xf32, #tpu.memory_space<vmem>>[vector<16xi32>], vector<16xf32>,
    %add3A_1162 = arith.addf %add3A_1157, %gather3A_1161 : vector<16xf32>
    %add3A_1163 = arith.constant 22 : i32
    %add3A_1164 = vector.broadcast %add3A_1163 : i32 to vector<16xi32>
    %add3A_1165 = arith.addi %mul3A_1052, %add3A_1164 : vector<16xi32>
    %gather3A_1166 = tpu.vector_load_idx %arg9[%add3A_1165] : memref<3328xf32, #tpu.memory_space<vmem>>[vector<16xi32>], vector<16xf32>,
    %add3A_1167 = arith.addf %add3A_1162, %gather3A_1166 : vector<16xf32>
    %add3A_1168 = arith.constant 23 : i32
    %add3A_1169 = vector.broadcast %add3A_1168 : i32 to vector<16xi32>
    %add3A_1170 = arith.addi %mul3A_1052, %add3A_1169 : vector<16xi32>
    %gather3A_1171 = tpu.vector_load_idx %arg9[%add3A_1170] : memref<3328xf32, #tpu.memory_space<vmem>>[vector<16xi32>], vector<16xf32>,
    %add3A_1172 = arith.addf %add3A_1167, %gather3A_1171 : vector<16xf32>
    %add3A_1173 = arith.constant 24 : i32
    %add3A_1174 = vector.broadcast %add3A_1173 : i32 to vector<16xi32>
    %add3A_1175 = arith.addi %mul3A_1052, %add3A_1174 : vector<16xi32>
    %gather3A_1176 = tpu.vector_load_idx %arg9[%add3A_1175] : memref<3328xf32, #tpu.memory_space<vmem>>[vector<16xi32>], vector<16xf32>,
    %add3A_1177 = arith.addf %add3A_1172, %gather3A_1176 : vector<16xf32>
    %add3A_1178 = arith.constant 25 : i32
    %add3A_1179 = vector.broadcast %add3A_1178 : i32 to vector<16xi32>
    %add3A_1180 = arith.addi %mul3A_1052, %add3A_1179 : vector<16xi32>
    %gather3A_1181 = tpu.vector_load_idx %arg9[%add3A_1180] : memref<3328xf32, #tpu.memory_space<vmem>>[vector<16xi32>], vector<16xf32>,
    %add3A_1182 = arith.addf %add3A_1177, %gather3A_1181 : vector<16xf32>
    %swap3A = arith.constant 0 : index
    %swap3A_1183 = tpu.vector_load %arg10[%swap3A] {strides = array<i32>} : memref<128xf32, #tpu.memory_space<vmem>>, vector<16xf32>,
    tpu.vector_store %arg10[%swap3A], %add3A_1182 {strides = array<i32>} : memref<128xf32, #tpu.memory_space<vmem>>, vector<16xf32>,
    %add3A_1184 = arith.constant 16 : i32
    %add3A_1185 = vector.broadcast %add3A_1184 : i32 to vector<16xi32>
    %add3A_1186 = arith.addi %add3A_1185, %iota3A : vector<16xi32>
    %mul3A_1187 = arith.constant 26 : i32
    %mul3A_1188 = vector.broadcast %mul3A_1187 : i32 to vector<16xi32>
    %mul3A_1189 = arith.muli %add3A_1186, %mul3A_1188 : vector<16xi32>
    %broadcast_in_dim3A_1190 = arith.constant 0.000000e+00 : f32
    %broadcast_in_dim3A_1191 = vector.broadcast %broadcast_in_dim3A_1190 : f32 to vector<16xf32>
    %add3A_1192 = arith.constant 0 : i32
    %add3A_1193 = vector.broadcast %add3A_1192 : i32 to vector<16xi32>
    %add3A_1194 = arith.addi %mul3A_1189, %add3A_1193 : vector<16xi32>
    %gather3A_1195 = tpu.vector_load_idx %arg9[%add3A_1194] : memref<3328xf32, #tpu.memory_space<vmem>>[vector<16xi32>], vector<16xf32>,
    %add3A_1196 = arith.addf %broadcast_in_dim3A_1191, %gather3A_1195 : vector<16xf32>
    %add3A_1197 = arith.constant 1 : i32
    %add3A_1198 = vector.broadcast %add3A_1197 : i32 to vector<16xi32>
    %add3A_1199 = arith.addi %mul3A_1189, %add3A_1198 : vector<16xi32>
    %gather3A_1200 = tpu.vector_load_idx %arg9[%add3A_1199] : memref<3328xf32, #tpu.memory_space<vmem>>[vector<16xi32>], vector<16xf32>,
    %add3A_1201 = arith.addf %add3A_1196, %gather3A_1200 : vector<16xf32>
    %add3A_1202 = arith.constant 2 : i32
    %add3A_1203 = vector.broadcast %add3A_1202 : i32 to vector<16xi32>
    %add3A_1204 = arith.addi %mul3A_1189, %add3A_1203 : vector<16xi32>
    %gather3A_1205 = tpu.vector_load_idx %arg9[%add3A_1204] : memref<3328xf32, #tpu.memory_space<vmem>>[vector<16xi32>], vector<16xf32>,
    %add3A_1206 = arith.addf %add3A_1201, %gather3A_1205 : vector<16xf32>
    %add3A_1207 = arith.constant 3 : i32
    %add3A_1208 = vector.broadcast %add3A_1207 : i32 to vector<16xi32>
    %add3A_1209 = arith.addi %mul3A_1189, %add3A_1208 : vector<16xi32>
    %gather3A_1210 = tpu.vector_load_idx %arg9[%add3A_1209] : memref<3328xf32, #tpu.memory_space<vmem>>[vector<16xi32>], vector<16xf32>,
    %add3A_1211 = arith.addf %add3A_1206, %gather3A_1210 : vector<16xf32>
    %add3A_1212 = arith.constant 4 : i32
    %add3A_1213 = vector.broadcast %add3A_1212 : i32 to vector<16xi32>
    %add3A_1214 = arith.addi %mul3A_1189, %add3A_1213 : vector<16xi32>
    %gather3A_1215 = tpu.vector_load_idx %arg9[%add3A_1214] : memref<3328xf32, #tpu.memory_space<vmem>>[vector<16xi32>], vector<16xf32>,
    %add3A_1216 = arith.addf %add3A_1211, %gather3A_1215 : vector<16xf32>
    %add3A_1217 = arith.constant 5 : i32
    %add3A_1218 = vector.broadcast %add3A_1217 : i32 to vector<16xi32>
    %add3A_1219 = arith.addi %mul3A_1189, %add3A_1218 : vector<16xi32>
    %gather3A_1220 = tpu.vector_load_idx %arg9[%add3A_1219] : memref<3328xf32, #tpu.memory_space<vmem>>[vector<16xi32>], vector<16xf32>,
    %add3A_1221 = arith.addf %add3A_1216, %gather3A_1220 : vector<16xf32>
    %add3A_1222 = arith.constant 6 : i32
    %add3A_1223 = vector.broadcast %add3A_1222 : i32 to vector<16xi32>
    %add3A_1224 = arith.addi %mul3A_1189, %add3A_1223 : vector<16xi32>
    %gather3A_1225 = tpu.vector_load_idx %arg9[%add3A_1224] : memref<3328xf32, #tpu.memory_space<vmem>>[vector<16xi32>], vector<16xf32>,
    %add3A_1226 = arith.addf %add3A_1221, %gather3A_1225 : vector<16xf32>
    %add3A_1227 = arith.constant 7 : i32
    %add3A_1228 = vector.broadcast %add3A_1227 : i32 to vector<16xi32>
    %add3A_1229 = arith.addi %mul3A_1189, %add3A_1228 : vector<16xi32>
    %gather3A_1230 = tpu.vector_load_idx %arg9[%add3A_1229] : memref<3328xf32, #tpu.memory_space<vmem>>[vector<16xi32>], vector<16xf32>,
    %add3A_1231 = arith.addf %add3A_1226, %gather3A_1230 : vector<16xf32>
    %add3A_1232 = arith.constant 8 : i32
    %add3A_1233 = vector.broadcast %add3A_1232 : i32 to vector<16xi32>
    %add3A_1234 = arith.addi %mul3A_1189, %add3A_1233 : vector<16xi32>
    %gather3A_1235 = tpu.vector_load_idx %arg9[%add3A_1234] : memref<3328xf32, #tpu.memory_space<vmem>>[vector<16xi32>], vector<16xf32>,
    %add3A_1236 = arith.addf %add3A_1231, %gather3A_1235 : vector<16xf32>
    %add3A_1237 = arith.constant 9 : i32
    %add3A_1238 = vector.broadcast %add3A_1237 : i32 to vector<16xi32>
    %add3A_1239 = arith.addi %mul3A_1189, %add3A_1238 : vector<16xi32>
    %gather3A_1240 = tpu.vector_load_idx %arg9[%add3A_1239] : memref<3328xf32, #tpu.memory_space<vmem>>[vector<16xi32>], vector<16xf32>,
    %add3A_1241 = arith.addf %add3A_1236, %gather3A_1240 : vector<16xf32>
    %add3A_1242 = arith.constant 10 : i32
    %add3A_1243 = vector.broadcast %add3A_1242 : i32 to vector<16xi32>
    %add3A_1244 = arith.addi %mul3A_1189, %add3A_1243 : vector<16xi32>
    %gather3A_1245 = tpu.vector_load_idx %arg9[%add3A_1244] : memref<3328xf32, #tpu.memory_space<vmem>>[vector<16xi32>], vector<16xf32>,
    %add3A_1246 = arith.addf %add3A_1241, %gather3A_1245 : vector<16xf32>
    %add3A_1247 = arith.constant 11 : i32
    %add3A_1248 = vector.broadcast %add3A_1247 : i32 to vector<16xi32>
    %add3A_1249 = arith.addi %mul3A_1189, %add3A_1248 : vector<16xi32>
    %gather3A_1250 = tpu.vector_load_idx %arg9[%add3A_1249] : memref<3328xf32, #tpu.memory_space<vmem>>[vector<16xi32>], vector<16xf32>,
    %add3A_1251 = arith.addf %add3A_1246, %gather3A_1250 : vector<16xf32>
    %add3A_1252 = arith.constant 12 : i32
    %add3A_1253 = vector.broadcast %add3A_1252 : i32 to vector<16xi32>
    %add3A_1254 = arith.addi %mul3A_1189, %add3A_1253 : vector<16xi32>
    %gather3A_1255 = tpu.vector_load_idx %arg9[%add3A_1254] : memref<3328xf32, #tpu.memory_space<vmem>>[vector<16xi32>], vector<16xf32>,
    %add3A_1256 = arith.addf %add3A_1251, %gather3A_1255 : vector<16xf32>
    %add3A_1257 = arith.constant 13 : i32
    %add3A_1258 = vector.broadcast %add3A_1257 : i32 to vector<16xi32>
    %add3A_1259 = arith.addi %mul3A_1189, %add3A_1258 : vector<16xi32>
    %gather3A_1260 = tpu.vector_load_idx %arg9[%add3A_1259] : memref<3328xf32, #tpu.memory_space<vmem>>[vector<16xi32>], vector<16xf32>,
    %add3A_1261 = arith.addf %add3A_1256, %gather3A_1260 : vector<16xf32>
    %add3A_1262 = arith.constant 14 : i32
    %add3A_1263 = vector.broadcast %add3A_1262 : i32 to vector<16xi32>
    %add3A_1264 = arith.addi %mul3A_1189, %add3A_1263 : vector<16xi32>
    %gather3A_1265 = tpu.vector_load_idx %arg9[%add3A_1264] : memref<3328xf32, #tpu.memory_space<vmem>>[vector<16xi32>], vector<16xf32>,
    %add3A_1266 = arith.addf %add3A_1261, %gather3A_1265 : vector<16xf32>
    %add3A_1267 = arith.constant 15 : i32
    %add3A_1268 = vector.broadcast %add3A_1267 : i32 to vector<16xi32>
    %add3A_1269 = arith.addi %mul3A_1189, %add3A_1268 : vector<16xi32>
    %gather3A_1270 = tpu.vector_load_idx %arg9[%add3A_1269] : memref<3328xf32, #tpu.memory_space<vmem>>[vector<16xi32>], vector<16xf32>,
    %add3A_1271 = arith.addf %add3A_1266, %gather3A_1270 : vector<16xf32>
    %add3A_1272 = arith.constant 16 : i32
    %add3A_1273 = vector.broadcast %add3A_1272 : i32 to vector<16xi32>
    %add3A_1274 = arith.addi %mul3A_1189, %add3A_1273 : vector<16xi32>
    %gather3A_1275 = tpu.vector_load_idx %arg9[%add3A_1274] : memref<3328xf32, #tpu.memory_space<vmem>>[vector<16xi32>], vector<16xf32>,
    %add3A_1276 = arith.addf %add3A_1271, %gather3A_1275 : vector<16xf32>
    %add3A_1277 = arith.constant 17 : i32
    %add3A_1278 = vector.broadcast %add3A_1277 : i32 to vector<16xi32>
    %add3A_1279 = arith.addi %mul3A_1189, %add3A_1278 : vector<16xi32>
    %gather3A_1280 = tpu.vector_load_idx %arg9[%add3A_1279] : memref<3328xf32, #tpu.memory_space<vmem>>[vector<16xi32>], vector<16xf32>,
    %add3A_1281 = arith.addf %add3A_1276, %gather3A_1280 : vector<16xf32>
    %add3A_1282 = arith.constant 18 : i32
    %add3A_1283 = vector.broadcast %add3A_1282 : i32 to vector<16xi32>
    %add3A_1284 = arith.addi %mul3A_1189, %add3A_1283 : vector<16xi32>
    %gather3A_1285 = tpu.vector_load_idx %arg9[%add3A_1284] : memref<3328xf32, #tpu.memory_space<vmem>>[vector<16xi32>], vector<16xf32>,
    %add3A_1286 = arith.addf %add3A_1281, %gather3A_1285 : vector<16xf32>
    %add3A_1287 = arith.constant 19 : i32
    %add3A_1288 = vector.broadcast %add3A_1287 : i32 to vector<16xi32>
    %add3A_1289 = arith.addi %mul3A_1189, %add3A_1288 : vector<16xi32>
    %gather3A_1290 = tpu.vector_load_idx %arg9[%add3A_1289] : memref<3328xf32, #tpu.memory_space<vmem>>[vector<16xi32>], vector<16xf32>,
    %add3A_1291 = arith.addf %add3A_1286, %gather3A_1290 : vector<16xf32>
    %add3A_1292 = arith.constant 20 : i32
    %add3A_1293 = vector.broadcast %add3A_1292 : i32 to vector<16xi32>
    %add3A_1294 = arith.addi %mul3A_1189, %add3A_1293 : vector<16xi32>
    %gather3A_1295 = tpu.vector_load_idx %arg9[%add3A_1294] : memref<3328xf32, #tpu.memory_space<vmem>>[vector<16xi32>], vector<16xf32>,
    %add3A_1296 = arith.addf %add3A_1291, %gather3A_1295 : vector<16xf32>
    %add3A_1297 = arith.constant 21 : i32
    %add3A_1298 = vector.broadcast %add3A_1297 : i32 to vector<16xi32>
    %add3A_1299 = arith.addi %mul3A_1189, %add3A_1298 : vector<16xi32>
    %gather3A_1300 = tpu.vector_load_idx %arg9[%add3A_1299] : memref<3328xf32, #tpu.memory_space<vmem>>[vector<16xi32>], vector<16xf32>,
    %add3A_1301 = arith.addf %add3A_1296, %gather3A_1300 : vector<16xf32>
    %add3A_1302 = arith.constant 22 : i32
    %add3A_1303 = vector.broadcast %add3A_1302 : i32 to vector<16xi32>
    %add3A_1304 = arith.addi %mul3A_1189, %add3A_1303 : vector<16xi32>
    %gather3A_1305 = tpu.vector_load_idx %arg9[%add3A_1304] : memref<3328xf32, #tpu.memory_space<vmem>>[vector<16xi32>], vector<16xf32>,
    %add3A_1306 = arith.addf %add3A_1301, %gather3A_1305 : vector<16xf32>
    %add3A_1307 = arith.constant 23 : i32
    %add3A_1308 = vector.broadcast %add3A_1307 : i32 to vector<16xi32>
    %add3A_1309 = arith.addi %mul3A_1189, %add3A_1308 : vector<16xi32>
    %gather3A_1310 = tpu.vector_load_idx %arg9[%add3A_1309] : memref<3328xf32, #tpu.memory_space<vmem>>[vector<16xi32>], vector<16xf32>,
    %add3A_1311 = arith.addf %add3A_1306, %gather3A_1310 : vector<16xf32>
    %add3A_1312 = arith.constant 24 : i32
    %add3A_1313 = vector.broadcast %add3A_1312 : i32 to vector<16xi32>
    %add3A_1314 = arith.addi %mul3A_1189, %add3A_1313 : vector<16xi32>
    %gather3A_1315 = tpu.vector_load_idx %arg9[%add3A_1314] : memref<3328xf32, #tpu.memory_space<vmem>>[vector<16xi32>], vector<16xf32>,
    %add3A_1316 = arith.addf %add3A_1311, %gather3A_1315 : vector<16xf32>
    %add3A_1317 = arith.constant 25 : i32
    %add3A_1318 = vector.broadcast %add3A_1317 : i32 to vector<16xi32>
    %add3A_1319 = arith.addi %mul3A_1189, %add3A_1318 : vector<16xi32>
    %gather3A_1320 = tpu.vector_load_idx %arg9[%add3A_1319] : memref<3328xf32, #tpu.memory_space<vmem>>[vector<16xi32>], vector<16xf32>,
    %add3A_1321 = arith.addf %add3A_1316, %gather3A_1320 : vector<16xf32>
    %swap3A_1322 = arith.constant 16 : index
    %swap3A_1323 = tpu.vector_load %arg10[%swap3A_1322] {strides = array<i32>} : memref<128xf32, #tpu.memory_space<vmem>>, vector<16xf32>,
    tpu.vector_store %arg10[%swap3A_1322], %add3A_1321 {strides = array<i32>} : memref<128xf32, #tpu.memory_space<vmem>>, vector<16xf32>,
    %add3A_1324 = arith.constant 32 : i32
    %add3A_1325 = vector.broadcast %add3A_1324 : i32 to vector<16xi32>
    %add3A_1326 = arith.addi %add3A_1325, %iota3A : vector<16xi32>
    %mul3A_1327 = arith.constant 26 : i32
    %mul3A_1328 = vector.broadcast %mul3A_1327 : i32 to vector<16xi32>
    %mul3A_1329 = arith.muli %add3A_1326, %mul3A_1328 : vector<16xi32>
    %broadcast_in_dim3A_1330 = arith.constant 0.000000e+00 : f32
    %broadcast_in_dim3A_1331 = vector.broadcast %broadcast_in_dim3A_1330 : f32 to vector<16xf32>
    %add3A_1332 = arith.constant 0 : i32
    %add3A_1333 = vector.broadcast %add3A_1332 : i32 to vector<16xi32>
    %add3A_1334 = arith.addi %mul3A_1329, %add3A_1333 : vector<16xi32>
    %gather3A_1335 = tpu.vector_load_idx %arg9[%add3A_1334] : memref<3328xf32, #tpu.memory_space<vmem>>[vector<16xi32>], vector<16xf32>,
    %add3A_1336 = arith.addf %broadcast_in_dim3A_1331, %gather3A_1335 : vector<16xf32>
    %add3A_1337 = arith.constant 1 : i32
    %add3A_1338 = vector.broadcast %add3A_1337 : i32 to vector<16xi32>
    %add3A_1339 = arith.addi %mul3A_1329, %add3A_1338 : vector<16xi32>
    %gather3A_1340 = tpu.vector_load_idx %arg9[%add3A_1339] : memref<3328xf32, #tpu.memory_space<vmem>>[vector<16xi32>], vector<16xf32>,
    %add3A_1341 = arith.addf %add3A_1336, %gather3A_1340 : vector<16xf32>
    %add3A_1342 = arith.constant 2 : i32
    %add3A_1343 = vector.broadcast %add3A_1342 : i32 to vector<16xi32>
    %add3A_1344 = arith.addi %mul3A_1329, %add3A_1343 : vector<16xi32>
    %gather3A_1345 = tpu.vector_load_idx %arg9[%add3A_1344] : memref<3328xf32, #tpu.memory_space<vmem>>[vector<16xi32>], vector<16xf32>,
    %add3A_1346 = arith.addf %add3A_1341, %gather3A_1345 : vector<16xf32>
    %add3A_1347 = arith.constant 3 : i32
    %add3A_1348 = vector.broadcast %add3A_1347 : i32 to vector<16xi32>
    %add3A_1349 = arith.addi %mul3A_1329, %add3A_1348 : vector<16xi32>
    %gather3A_1350 = tpu.vector_load_idx %arg9[%add3A_1349] : memref<3328xf32, #tpu.memory_space<vmem>>[vector<16xi32>], vector<16xf32>,
    %add3A_1351 = arith.addf %add3A_1346, %gather3A_1350 : vector<16xf32>
    %add3A_1352 = arith.constant 4 : i32
    %add3A_1353 = vector.broadcast %add3A_1352 : i32 to vector<16xi32>
    %add3A_1354 = arith.addi %mul3A_1329, %add3A_1353 : vector<16xi32>
    %gather3A_1355 = tpu.vector_load_idx %arg9[%add3A_1354] : memref<3328xf32, #tpu.memory_space<vmem>>[vector<16xi32>], vector<16xf32>,
    %add3A_1356 = arith.addf %add3A_1351, %gather3A_1355 : vector<16xf32>
    %add3A_1357 = arith.constant 5 : i32
    %add3A_1358 = vector.broadcast %add3A_1357 : i32 to vector<16xi32>
    %add3A_1359 = arith.addi %mul3A_1329, %add3A_1358 : vector<16xi32>
    %gather3A_1360 = tpu.vector_load_idx %arg9[%add3A_1359] : memref<3328xf32, #tpu.memory_space<vmem>>[vector<16xi32>], vector<16xf32>,
    %add3A_1361 = arith.addf %add3A_1356, %gather3A_1360 : vector<16xf32>
    %add3A_1362 = arith.constant 6 : i32
    %add3A_1363 = vector.broadcast %add3A_1362 : i32 to vector<16xi32>
    %add3A_1364 = arith.addi %mul3A_1329, %add3A_1363 : vector<16xi32>
    %gather3A_1365 = tpu.vector_load_idx %arg9[%add3A_1364] : memref<3328xf32, #tpu.memory_space<vmem>>[vector<16xi32>], vector<16xf32>,
    %add3A_1366 = arith.addf %add3A_1361, %gather3A_1365 : vector<16xf32>
    %add3A_1367 = arith.constant 7 : i32
    %add3A_1368 = vector.broadcast %add3A_1367 : i32 to vector<16xi32>
    %add3A_1369 = arith.addi %mul3A_1329, %add3A_1368 : vector<16xi32>
    %gather3A_1370 = tpu.vector_load_idx %arg9[%add3A_1369] : memref<3328xf32, #tpu.memory_space<vmem>>[vector<16xi32>], vector<16xf32>,
    %add3A_1371 = arith.addf %add3A_1366, %gather3A_1370 : vector<16xf32>
    %add3A_1372 = arith.constant 8 : i32
    %add3A_1373 = vector.broadcast %add3A_1372 : i32 to vector<16xi32>
    %add3A_1374 = arith.addi %mul3A_1329, %add3A_1373 : vector<16xi32>
    %gather3A_1375 = tpu.vector_load_idx %arg9[%add3A_1374] : memref<3328xf32, #tpu.memory_space<vmem>>[vector<16xi32>], vector<16xf32>,
    %add3A_1376 = arith.addf %add3A_1371, %gather3A_1375 : vector<16xf32>
    %add3A_1377 = arith.constant 9 : i32
    %add3A_1378 = vector.broadcast %add3A_1377 : i32 to vector<16xi32>
    %add3A_1379 = arith.addi %mul3A_1329, %add3A_1378 : vector<16xi32>
    %gather3A_1380 = tpu.vector_load_idx %arg9[%add3A_1379] : memref<3328xf32, #tpu.memory_space<vmem>>[vector<16xi32>], vector<16xf32>,
    %add3A_1381 = arith.addf %add3A_1376, %gather3A_1380 : vector<16xf32>
    %add3A_1382 = arith.constant 10 : i32
    %add3A_1383 = vector.broadcast %add3A_1382 : i32 to vector<16xi32>
    %add3A_1384 = arith.addi %mul3A_1329, %add3A_1383 : vector<16xi32>
    %gather3A_1385 = tpu.vector_load_idx %arg9[%add3A_1384] : memref<3328xf32, #tpu.memory_space<vmem>>[vector<16xi32>], vector<16xf32>,
    %add3A_1386 = arith.addf %add3A_1381, %gather3A_1385 : vector<16xf32>
    %add3A_1387 = arith.constant 11 : i32
    %add3A_1388 = vector.broadcast %add3A_1387 : i32 to vector<16xi32>
    %add3A_1389 = arith.addi %mul3A_1329, %add3A_1388 : vector<16xi32>
    %gather3A_1390 = tpu.vector_load_idx %arg9[%add3A_1389] : memref<3328xf32, #tpu.memory_space<vmem>>[vector<16xi32>], vector<16xf32>,
    %add3A_1391 = arith.addf %add3A_1386, %gather3A_1390 : vector<16xf32>
    %add3A_1392 = arith.constant 12 : i32
    %add3A_1393 = vector.broadcast %add3A_1392 : i32 to vector<16xi32>
    %add3A_1394 = arith.addi %mul3A_1329, %add3A_1393 : vector<16xi32>
    %gather3A_1395 = tpu.vector_load_idx %arg9[%add3A_1394] : memref<3328xf32, #tpu.memory_space<vmem>>[vector<16xi32>], vector<16xf32>,
    %add3A_1396 = arith.addf %add3A_1391, %gather3A_1395 : vector<16xf32>
    %add3A_1397 = arith.constant 13 : i32
    %add3A_1398 = vector.broadcast %add3A_1397 : i32 to vector<16xi32>
    %add3A_1399 = arith.addi %mul3A_1329, %add3A_1398 : vector<16xi32>
    %gather3A_1400 = tpu.vector_load_idx %arg9[%add3A_1399] : memref<3328xf32, #tpu.memory_space<vmem>>[vector<16xi32>], vector<16xf32>,
    %add3A_1401 = arith.addf %add3A_1396, %gather3A_1400 : vector<16xf32>
    %add3A_1402 = arith.constant 14 : i32
    %add3A_1403 = vector.broadcast %add3A_1402 : i32 to vector<16xi32>
    %add3A_1404 = arith.addi %mul3A_1329, %add3A_1403 : vector<16xi32>
    %gather3A_1405 = tpu.vector_load_idx %arg9[%add3A_1404] : memref<3328xf32, #tpu.memory_space<vmem>>[vector<16xi32>], vector<16xf32>,
    %add3A_1406 = arith.addf %add3A_1401, %gather3A_1405 : vector<16xf32>
    %add3A_1407 = arith.constant 15 : i32
    %add3A_1408 = vector.broadcast %add3A_1407 : i32 to vector<16xi32>
    %add3A_1409 = arith.addi %mul3A_1329, %add3A_1408 : vector<16xi32>
    %gather3A_1410 = tpu.vector_load_idx %arg9[%add3A_1409] : memref<3328xf32, #tpu.memory_space<vmem>>[vector<16xi32>], vector<16xf32>,
    %add3A_1411 = arith.addf %add3A_1406, %gather3A_1410 : vector<16xf32>
    %add3A_1412 = arith.constant 16 : i32
    %add3A_1413 = vector.broadcast %add3A_1412 : i32 to vector<16xi32>
    %add3A_1414 = arith.addi %mul3A_1329, %add3A_1413 : vector<16xi32>
    %gather3A_1415 = tpu.vector_load_idx %arg9[%add3A_1414] : memref<3328xf32, #tpu.memory_space<vmem>>[vector<16xi32>], vector<16xf32>,
    %add3A_1416 = arith.addf %add3A_1411, %gather3A_1415 : vector<16xf32>
    %add3A_1417 = arith.constant 17 : i32
    %add3A_1418 = vector.broadcast %add3A_1417 : i32 to vector<16xi32>
    %add3A_1419 = arith.addi %mul3A_1329, %add3A_1418 : vector<16xi32>
    %gather3A_1420 = tpu.vector_load_idx %arg9[%add3A_1419] : memref<3328xf32, #tpu.memory_space<vmem>>[vector<16xi32>], vector<16xf32>,
    %add3A_1421 = arith.addf %add3A_1416, %gather3A_1420 : vector<16xf32>
    %add3A_1422 = arith.constant 18 : i32
    %add3A_1423 = vector.broadcast %add3A_1422 : i32 to vector<16xi32>
    %add3A_1424 = arith.addi %mul3A_1329, %add3A_1423 : vector<16xi32>
    %gather3A_1425 = tpu.vector_load_idx %arg9[%add3A_1424] : memref<3328xf32, #tpu.memory_space<vmem>>[vector<16xi32>], vector<16xf32>,
    %add3A_1426 = arith.addf %add3A_1421, %gather3A_1425 : vector<16xf32>
    %add3A_1427 = arith.constant 19 : i32
    %add3A_1428 = vector.broadcast %add3A_1427 : i32 to vector<16xi32>
    %add3A_1429 = arith.addi %mul3A_1329, %add3A_1428 : vector<16xi32>
    %gather3A_1430 = tpu.vector_load_idx %arg9[%add3A_1429] : memref<3328xf32, #tpu.memory_space<vmem>>[vector<16xi32>], vector<16xf32>,
    %add3A_1431 = arith.addf %add3A_1426, %gather3A_1430 : vector<16xf32>
    %add3A_1432 = arith.constant 20 : i32
    %add3A_1433 = vector.broadcast %add3A_1432 : i32 to vector<16xi32>
    %add3A_1434 = arith.addi %mul3A_1329, %add3A_1433 : vector<16xi32>
    %gather3A_1435 = tpu.vector_load_idx %arg9[%add3A_1434] : memref<3328xf32, #tpu.memory_space<vmem>>[vector<16xi32>], vector<16xf32>,
    %add3A_1436 = arith.addf %add3A_1431, %gather3A_1435 : vector<16xf32>
    %add3A_1437 = arith.constant 21 : i32
    %add3A_1438 = vector.broadcast %add3A_1437 : i32 to vector<16xi32>
    %add3A_1439 = arith.addi %mul3A_1329, %add3A_1438 : vector<16xi32>
    %gather3A_1440 = tpu.vector_load_idx %arg9[%add3A_1439] : memref<3328xf32, #tpu.memory_space<vmem>>[vector<16xi32>], vector<16xf32>,
    %add3A_1441 = arith.addf %add3A_1436, %gather3A_1440 : vector<16xf32>
    %add3A_1442 = arith.constant 22 : i32
    %add3A_1443 = vector.broadcast %add3A_1442 : i32 to vector<16xi32>
    %add3A_1444 = arith.addi %mul3A_1329, %add3A_1443 : vector<16xi32>
    %gather3A_1445 = tpu.vector_load_idx %arg9[%add3A_1444] : memref<3328xf32, #tpu.memory_space<vmem>>[vector<16xi32>], vector<16xf32>,
    %add3A_1446 = arith.addf %add3A_1441, %gather3A_1445 : vector<16xf32>
    %add3A_1447 = arith.constant 23 : i32
    %add3A_1448 = vector.broadcast %add3A_1447 : i32 to vector<16xi32>
    %add3A_1449 = arith.addi %mul3A_1329, %add3A_1448 : vector<16xi32>
    %gather3A_1450 = tpu.vector_load_idx %arg9[%add3A_1449] : memref<3328xf32, #tpu.memory_space<vmem>>[vector<16xi32>], vector<16xf32>,
    %add3A_1451 = arith.addf %add3A_1446, %gather3A_1450 : vector<16xf32>
    %add3A_1452 = arith.constant 24 : i32
    %add3A_1453 = vector.broadcast %add3A_1452 : i32 to vector<16xi32>
    %add3A_1454 = arith.addi %mul3A_1329, %add3A_1453 : vector<16xi32>
    %gather3A_1455 = tpu.vector_load_idx %arg9[%add3A_1454] : memref<3328xf32, #tpu.memory_space<vmem>>[vector<16xi32>], vector<16xf32>,
    %add3A_1456 = arith.addf %add3A_1451, %gather3A_1455 : vector<16xf32>
    %add3A_1457 = arith.constant 25 : i32
    %add3A_1458 = vector.broadcast %add3A_1457 : i32 to vector<16xi32>
    %add3A_1459 = arith.addi %mul3A_1329, %add3A_1458 : vector<16xi32>
    %gather3A_1460 = tpu.vector_load_idx %arg9[%add3A_1459] : memref<3328xf32, #tpu.memory_space<vmem>>[vector<16xi32>], vector<16xf32>,
    %add3A_1461 = arith.addf %add3A_1456, %gather3A_1460 : vector<16xf32>
    %swap3A_1462 = arith.constant 32 : index
    %swap3A_1463 = tpu.vector_load %arg10[%swap3A_1462] {strides = array<i32>} : memref<128xf32, #tpu.memory_space<vmem>>, vector<16xf32>,
    tpu.vector_store %arg10[%swap3A_1462], %add3A_1461 {strides = array<i32>} : memref<128xf32, #tpu.memory_space<vmem>>, vector<16xf32>,
    %add3A_1464 = arith.constant 48 : i32
    %add3A_1465 = vector.broadcast %add3A_1464 : i32 to vector<16xi32>
    %add3A_1466 = arith.addi %add3A_1465, %iota3A : vector<16xi32>
    %mul3A_1467 = arith.constant 26 : i32
    %mul3A_1468 = vector.broadcast %mul3A_1467 : i32 to vector<16xi32>
    %mul3A_1469 = arith.muli %add3A_1466, %mul3A_1468 : vector<16xi32>
    %broadcast_in_dim3A_1470 = arith.constant 0.000000e+00 : f32
    %broadcast_in_dim3A_1471 = vector.broadcast %broadcast_in_dim3A_1470 : f32 to vector<16xf32>
    %add3A_1472 = arith.constant 0 : i32
    %add3A_1473 = vector.broadcast %add3A_1472 : i32 to vector<16xi32>
    %add3A_1474 = arith.addi %mul3A_1469, %add3A_1473 : vector<16xi32>
    %gather3A_1475 = tpu.vector_load_idx %arg9[%add3A_1474] : memref<3328xf32, #tpu.memory_space<vmem>>[vector<16xi32>], vector<16xf32>,
    %add3A_1476 = arith.addf %broadcast_in_dim3A_1471, %gather3A_1475 : vector<16xf32>
    %add3A_1477 = arith.constant 1 : i32
    %add3A_1478 = vector.broadcast %add3A_1477 : i32 to vector<16xi32>
    %add3A_1479 = arith.addi %mul3A_1469, %add3A_1478 : vector<16xi32>
    %gather3A_1480 = tpu.vector_load_idx %arg9[%add3A_1479] : memref<3328xf32, #tpu.memory_space<vmem>>[vector<16xi32>], vector<16xf32>,
    %add3A_1481 = arith.addf %add3A_1476, %gather3A_1480 : vector<16xf32>
    %add3A_1482 = arith.constant 2 : i32
    %add3A_1483 = vector.broadcast %add3A_1482 : i32 to vector<16xi32>
    %add3A_1484 = arith.addi %mul3A_1469, %add3A_1483 : vector<16xi32>
    %gather3A_1485 = tpu.vector_load_idx %arg9[%add3A_1484] : memref<3328xf32, #tpu.memory_space<vmem>>[vector<16xi32>], vector<16xf32>,
    %add3A_1486 = arith.addf %add3A_1481, %gather3A_1485 : vector<16xf32>
    %add3A_1487 = arith.constant 3 : i32
    %add3A_1488 = vector.broadcast %add3A_1487 : i32 to vector<16xi32>
    %add3A_1489 = arith.addi %mul3A_1469, %add3A_1488 : vector<16xi32>
    %gather3A_1490 = tpu.vector_load_idx %arg9[%add3A_1489] : memref<3328xf32, #tpu.memory_space<vmem>>[vector<16xi32>], vector<16xf32>,
    %add3A_1491 = arith.addf %add3A_1486, %gather3A_1490 : vector<16xf32>
    %add3A_1492 = arith.constant 4 : i32
    %add3A_1493 = vector.broadcast %add3A_1492 : i32 to vector<16xi32>
    %add3A_1494 = arith.addi %mul3A_1469, %add3A_1493 : vector<16xi32>
    %gather3A_1495 = tpu.vector_load_idx %arg9[%add3A_1494] : memref<3328xf32, #tpu.memory_space<vmem>>[vector<16xi32>], vector<16xf32>,
    %add3A_1496 = arith.addf %add3A_1491, %gather3A_1495 : vector<16xf32>
    %add3A_1497 = arith.constant 5 : i32
    %add3A_1498 = vector.broadcast %add3A_1497 : i32 to vector<16xi32>
    %add3A_1499 = arith.addi %mul3A_1469, %add3A_1498 : vector<16xi32>
    %gather3A_1500 = tpu.vector_load_idx %arg9[%add3A_1499] : memref<3328xf32, #tpu.memory_space<vmem>>[vector<16xi32>], vector<16xf32>,
    %add3A_1501 = arith.addf %add3A_1496, %gather3A_1500 : vector<16xf32>
    %add3A_1502 = arith.constant 6 : i32
    %add3A_1503 = vector.broadcast %add3A_1502 : i32 to vector<16xi32>
    %add3A_1504 = arith.addi %mul3A_1469, %add3A_1503 : vector<16xi32>
    %gather3A_1505 = tpu.vector_load_idx %arg9[%add3A_1504] : memref<3328xf32, #tpu.memory_space<vmem>>[vector<16xi32>], vector<16xf32>,
    %add3A_1506 = arith.addf %add3A_1501, %gather3A_1505 : vector<16xf32>
    %add3A_1507 = arith.constant 7 : i32
    %add3A_1508 = vector.broadcast %add3A_1507 : i32 to vector<16xi32>
    %add3A_1509 = arith.addi %mul3A_1469, %add3A_1508 : vector<16xi32>
    %gather3A_1510 = tpu.vector_load_idx %arg9[%add3A_1509] : memref<3328xf32, #tpu.memory_space<vmem>>[vector<16xi32>], vector<16xf32>,
    %add3A_1511 = arith.addf %add3A_1506, %gather3A_1510 : vector<16xf32>
    %add3A_1512 = arith.constant 8 : i32
    %add3A_1513 = vector.broadcast %add3A_1512 : i32 to vector<16xi32>
    %add3A_1514 = arith.addi %mul3A_1469, %add3A_1513 : vector<16xi32>
    %gather3A_1515 = tpu.vector_load_idx %arg9[%add3A_1514] : memref<3328xf32, #tpu.memory_space<vmem>>[vector<16xi32>], vector<16xf32>,
    %add3A_1516 = arith.addf %add3A_1511, %gather3A_1515 : vector<16xf32>
    %add3A_1517 = arith.constant 9 : i32
    %add3A_1518 = vector.broadcast %add3A_1517 : i32 to vector<16xi32>
    %add3A_1519 = arith.addi %mul3A_1469, %add3A_1518 : vector<16xi32>
    %gather3A_1520 = tpu.vector_load_idx %arg9[%add3A_1519] : memref<3328xf32, #tpu.memory_space<vmem>>[vector<16xi32>], vector<16xf32>,
    %add3A_1521 = arith.addf %add3A_1516, %gather3A_1520 : vector<16xf32>
    %add3A_1522 = arith.constant 10 : i32
    %add3A_1523 = vector.broadcast %add3A_1522 : i32 to vector<16xi32>
    %add3A_1524 = arith.addi %mul3A_1469, %add3A_1523 : vector<16xi32>
    %gather3A_1525 = tpu.vector_load_idx %arg9[%add3A_1524] : memref<3328xf32, #tpu.memory_space<vmem>>[vector<16xi32>], vector<16xf32>,
    %add3A_1526 = arith.addf %add3A_1521, %gather3A_1525 : vector<16xf32>
    %add3A_1527 = arith.constant 11 : i32
    %add3A_1528 = vector.broadcast %add3A_1527 : i32 to vector<16xi32>
    %add3A_1529 = arith.addi %mul3A_1469, %add3A_1528 : vector<16xi32>
    %gather3A_1530 = tpu.vector_load_idx %arg9[%add3A_1529] : memref<3328xf32, #tpu.memory_space<vmem>>[vector<16xi32>], vector<16xf32>,
    %add3A_1531 = arith.addf %add3A_1526, %gather3A_1530 : vector<16xf32>
    %add3A_1532 = arith.constant 12 : i32
    %add3A_1533 = vector.broadcast %add3A_1532 : i32 to vector<16xi32>
    %add3A_1534 = arith.addi %mul3A_1469, %add3A_1533 : vector<16xi32>
    %gather3A_1535 = tpu.vector_load_idx %arg9[%add3A_1534] : memref<3328xf32, #tpu.memory_space<vmem>>[vector<16xi32>], vector<16xf32>,
    %add3A_1536 = arith.addf %add3A_1531, %gather3A_1535 : vector<16xf32>
    %add3A_1537 = arith.constant 13 : i32
    %add3A_1538 = vector.broadcast %add3A_1537 : i32 to vector<16xi32>
    %add3A_1539 = arith.addi %mul3A_1469, %add3A_1538 : vector<16xi32>
    %gather3A_1540 = tpu.vector_load_idx %arg9[%add3A_1539] : memref<3328xf32, #tpu.memory_space<vmem>>[vector<16xi32>], vector<16xf32>,
    %add3A_1541 = arith.addf %add3A_1536, %gather3A_1540 : vector<16xf32>
    %add3A_1542 = arith.constant 14 : i32
    %add3A_1543 = vector.broadcast %add3A_1542 : i32 to vector<16xi32>
    %add3A_1544 = arith.addi %mul3A_1469, %add3A_1543 : vector<16xi32>
    %gather3A_1545 = tpu.vector_load_idx %arg9[%add3A_1544] : memref<3328xf32, #tpu.memory_space<vmem>>[vector<16xi32>], vector<16xf32>,
    %add3A_1546 = arith.addf %add3A_1541, %gather3A_1545 : vector<16xf32>
    %add3A_1547 = arith.constant 15 : i32
    %add3A_1548 = vector.broadcast %add3A_1547 : i32 to vector<16xi32>
    %add3A_1549 = arith.addi %mul3A_1469, %add3A_1548 : vector<16xi32>
    %gather3A_1550 = tpu.vector_load_idx %arg9[%add3A_1549] : memref<3328xf32, #tpu.memory_space<vmem>>[vector<16xi32>], vector<16xf32>,
    %add3A_1551 = arith.addf %add3A_1546, %gather3A_1550 : vector<16xf32>
    %add3A_1552 = arith.constant 16 : i32
    %add3A_1553 = vector.broadcast %add3A_1552 : i32 to vector<16xi32>
    %add3A_1554 = arith.addi %mul3A_1469, %add3A_1553 : vector<16xi32>
    %gather3A_1555 = tpu.vector_load_idx %arg9[%add3A_1554] : memref<3328xf32, #tpu.memory_space<vmem>>[vector<16xi32>], vector<16xf32>,
    %add3A_1556 = arith.addf %add3A_1551, %gather3A_1555 : vector<16xf32>
    %add3A_1557 = arith.constant 17 : i32
    %add3A_1558 = vector.broadcast %add3A_1557 : i32 to vector<16xi32>
    %add3A_1559 = arith.addi %mul3A_1469, %add3A_1558 : vector<16xi32>
    %gather3A_1560 = tpu.vector_load_idx %arg9[%add3A_1559] : memref<3328xf32, #tpu.memory_space<vmem>>[vector<16xi32>], vector<16xf32>,
    %add3A_1561 = arith.addf %add3A_1556, %gather3A_1560 : vector<16xf32>
    %add3A_1562 = arith.constant 18 : i32
    %add3A_1563 = vector.broadcast %add3A_1562 : i32 to vector<16xi32>
    %add3A_1564 = arith.addi %mul3A_1469, %add3A_1563 : vector<16xi32>
    %gather3A_1565 = tpu.vector_load_idx %arg9[%add3A_1564] : memref<3328xf32, #tpu.memory_space<vmem>>[vector<16xi32>], vector<16xf32>,
    %add3A_1566 = arith.addf %add3A_1561, %gather3A_1565 : vector<16xf32>
    %add3A_1567 = arith.constant 19 : i32
    %add3A_1568 = vector.broadcast %add3A_1567 : i32 to vector<16xi32>
    %add3A_1569 = arith.addi %mul3A_1469, %add3A_1568 : vector<16xi32>
    %gather3A_1570 = tpu.vector_load_idx %arg9[%add3A_1569] : memref<3328xf32, #tpu.memory_space<vmem>>[vector<16xi32>], vector<16xf32>,
    %add3A_1571 = arith.addf %add3A_1566, %gather3A_1570 : vector<16xf32>
    %add3A_1572 = arith.constant 20 : i32
    %add3A_1573 = vector.broadcast %add3A_1572 : i32 to vector<16xi32>
    %add3A_1574 = arith.addi %mul3A_1469, %add3A_1573 : vector<16xi32>
    %gather3A_1575 = tpu.vector_load_idx %arg9[%add3A_1574] : memref<3328xf32, #tpu.memory_space<vmem>>[vector<16xi32>], vector<16xf32>,
    %add3A_1576 = arith.addf %add3A_1571, %gather3A_1575 : vector<16xf32>
    %add3A_1577 = arith.constant 21 : i32
    %add3A_1578 = vector.broadcast %add3A_1577 : i32 to vector<16xi32>
    %add3A_1579 = arith.addi %mul3A_1469, %add3A_1578 : vector<16xi32>
    %gather3A_1580 = tpu.vector_load_idx %arg9[%add3A_1579] : memref<3328xf32, #tpu.memory_space<vmem>>[vector<16xi32>], vector<16xf32>,
    %add3A_1581 = arith.addf %add3A_1576, %gather3A_1580 : vector<16xf32>
    %add3A_1582 = arith.constant 22 : i32
    %add3A_1583 = vector.broadcast %add3A_1582 : i32 to vector<16xi32>
    %add3A_1584 = arith.addi %mul3A_1469, %add3A_1583 : vector<16xi32>
    %gather3A_1585 = tpu.vector_load_idx %arg9[%add3A_1584] : memref<3328xf32, #tpu.memory_space<vmem>>[vector<16xi32>], vector<16xf32>,
    %add3A_1586 = arith.addf %add3A_1581, %gather3A_1585 : vector<16xf32>
    %add3A_1587 = arith.constant 23 : i32
    %add3A_1588 = vector.broadcast %add3A_1587 : i32 to vector<16xi32>
    %add3A_1589 = arith.addi %mul3A_1469, %add3A_1588 : vector<16xi32>
    %gather3A_1590 = tpu.vector_load_idx %arg9[%add3A_1589] : memref<3328xf32, #tpu.memory_space<vmem>>[vector<16xi32>], vector<16xf32>,
    %add3A_1591 = arith.addf %add3A_1586, %gather3A_1590 : vector<16xf32>
    %add3A_1592 = arith.constant 24 : i32
    %add3A_1593 = vector.broadcast %add3A_1592 : i32 to vector<16xi32>
    %add3A_1594 = arith.addi %mul3A_1469, %add3A_1593 : vector<16xi32>
    %gather3A_1595 = tpu.vector_load_idx %arg9[%add3A_1594] : memref<3328xf32, #tpu.memory_space<vmem>>[vector<16xi32>], vector<16xf32>,
    %add3A_1596 = arith.addf %add3A_1591, %gather3A_1595 : vector<16xf32>
    %add3A_1597 = arith.constant 25 : i32
    %add3A_1598 = vector.broadcast %add3A_1597 : i32 to vector<16xi32>
    %add3A_1599 = arith.addi %mul3A_1469, %add3A_1598 : vector<16xi32>
    %gather3A_1600 = tpu.vector_load_idx %arg9[%add3A_1599] : memref<3328xf32, #tpu.memory_space<vmem>>[vector<16xi32>], vector<16xf32>,
    %add3A_1601 = arith.addf %add3A_1596, %gather3A_1600 : vector<16xf32>
    %swap3A_1602 = arith.constant 48 : index
    %swap3A_1603 = tpu.vector_load %arg10[%swap3A_1602] {strides = array<i32>} : memref<128xf32, #tpu.memory_space<vmem>>, vector<16xf32>,
    tpu.vector_store %arg10[%swap3A_1602], %add3A_1601 {strides = array<i32>} : memref<128xf32, #tpu.memory_space<vmem>>, vector<16xf32>,
    %add3A_1604 = arith.constant 64 : i32
    %add3A_1605 = vector.broadcast %add3A_1604 : i32 to vector<16xi32>
    %add3A_1606 = arith.addi %add3A_1605, %iota3A : vector<16xi32>
    %mul3A_1607 = arith.constant 26 : i32
    %mul3A_1608 = vector.broadcast %mul3A_1607 : i32 to vector<16xi32>
    %mul3A_1609 = arith.muli %add3A_1606, %mul3A_1608 : vector<16xi32>
    %broadcast_in_dim3A_1610 = arith.constant 0.000000e+00 : f32
    %broadcast_in_dim3A_1611 = vector.broadcast %broadcast_in_dim3A_1610 : f32 to vector<16xf32>
    %add3A_1612 = arith.constant 0 : i32
    %add3A_1613 = vector.broadcast %add3A_1612 : i32 to vector<16xi32>
    %add3A_1614 = arith.addi %mul3A_1609, %add3A_1613 : vector<16xi32>
    %gather3A_1615 = tpu.vector_load_idx %arg9[%add3A_1614] : memref<3328xf32, #tpu.memory_space<vmem>>[vector<16xi32>], vector<16xf32>,
    %add3A_1616 = arith.addf %broadcast_in_dim3A_1611, %gather3A_1615 : vector<16xf32>
    %add3A_1617 = arith.constant 1 : i32
    %add3A_1618 = vector.broadcast %add3A_1617 : i32 to vector<16xi32>
    %add3A_1619 = arith.addi %mul3A_1609, %add3A_1618 : vector<16xi32>
    %gather3A_1620 = tpu.vector_load_idx %arg9[%add3A_1619] : memref<3328xf32, #tpu.memory_space<vmem>>[vector<16xi32>], vector<16xf32>,
    %add3A_1621 = arith.addf %add3A_1616, %gather3A_1620 : vector<16xf32>
    %add3A_1622 = arith.constant 2 : i32
    %add3A_1623 = vector.broadcast %add3A_1622 : i32 to vector<16xi32>
    %add3A_1624 = arith.addi %mul3A_1609, %add3A_1623 : vector<16xi32>
    %gather3A_1625 = tpu.vector_load_idx %arg9[%add3A_1624] : memref<3328xf32, #tpu.memory_space<vmem>>[vector<16xi32>], vector<16xf32>,
    %add3A_1626 = arith.addf %add3A_1621, %gather3A_1625 : vector<16xf32>
    %add3A_1627 = arith.constant 3 : i32
    %add3A_1628 = vector.broadcast %add3A_1627 : i32 to vector<16xi32>
    %add3A_1629 = arith.addi %mul3A_1609, %add3A_1628 : vector<16xi32>
    %gather3A_1630 = tpu.vector_load_idx %arg9[%add3A_1629] : memref<3328xf32, #tpu.memory_space<vmem>>[vector<16xi32>], vector<16xf32>,
    %add3A_1631 = arith.addf %add3A_1626, %gather3A_1630 : vector<16xf32>
    %add3A_1632 = arith.constant 4 : i32
    %add3A_1633 = vector.broadcast %add3A_1632 : i32 to vector<16xi32>
    %add3A_1634 = arith.addi %mul3A_1609, %add3A_1633 : vector<16xi32>
    %gather3A_1635 = tpu.vector_load_idx %arg9[%add3A_1634] : memref<3328xf32, #tpu.memory_space<vmem>>[vector<16xi32>], vector<16xf32>,
    %add3A_1636 = arith.addf %add3A_1631, %gather3A_1635 : vector<16xf32>
    %add3A_1637 = arith.constant 5 : i32
    %add3A_1638 = vector.broadcast %add3A_1637 : i32 to vector<16xi32>
    %add3A_1639 = arith.addi %mul3A_1609, %add3A_1638 : vector<16xi32>
    %gather3A_1640 = tpu.vector_load_idx %arg9[%add3A_1639] : memref<3328xf32, #tpu.memory_space<vmem>>[vector<16xi32>], vector<16xf32>,
    %add3A_1641 = arith.addf %add3A_1636, %gather3A_1640 : vector<16xf32>
    %add3A_1642 = arith.constant 6 : i32
    %add3A_1643 = vector.broadcast %add3A_1642 : i32 to vector<16xi32>
    %add3A_1644 = arith.addi %mul3A_1609, %add3A_1643 : vector<16xi32>
    %gather3A_1645 = tpu.vector_load_idx %arg9[%add3A_1644] : memref<3328xf32, #tpu.memory_space<vmem>>[vector<16xi32>], vector<16xf32>,
    %add3A_1646 = arith.addf %add3A_1641, %gather3A_1645 : vector<16xf32>
    %add3A_1647 = arith.constant 7 : i32
    %add3A_1648 = vector.broadcast %add3A_1647 : i32 to vector<16xi32>
    %add3A_1649 = arith.addi %mul3A_1609, %add3A_1648 : vector<16xi32>
    %gather3A_1650 = tpu.vector_load_idx %arg9[%add3A_1649] : memref<3328xf32, #tpu.memory_space<vmem>>[vector<16xi32>], vector<16xf32>,
    %add3A_1651 = arith.addf %add3A_1646, %gather3A_1650 : vector<16xf32>
    %add3A_1652 = arith.constant 8 : i32
    %add3A_1653 = vector.broadcast %add3A_1652 : i32 to vector<16xi32>
    %add3A_1654 = arith.addi %mul3A_1609, %add3A_1653 : vector<16xi32>
    %gather3A_1655 = tpu.vector_load_idx %arg9[%add3A_1654] : memref<3328xf32, #tpu.memory_space<vmem>>[vector<16xi32>], vector<16xf32>,
    %add3A_1656 = arith.addf %add3A_1651, %gather3A_1655 : vector<16xf32>
    %add3A_1657 = arith.constant 9 : i32
    %add3A_1658 = vector.broadcast %add3A_1657 : i32 to vector<16xi32>
    %add3A_1659 = arith.addi %mul3A_1609, %add3A_1658 : vector<16xi32>
    %gather3A_1660 = tpu.vector_load_idx %arg9[%add3A_1659] : memref<3328xf32, #tpu.memory_space<vmem>>[vector<16xi32>], vector<16xf32>,
    %add3A_1661 = arith.addf %add3A_1656, %gather3A_1660 : vector<16xf32>
    %add3A_1662 = arith.constant 10 : i32
    %add3A_1663 = vector.broadcast %add3A_1662 : i32 to vector<16xi32>
    %add3A_1664 = arith.addi %mul3A_1609, %add3A_1663 : vector<16xi32>
    %gather3A_1665 = tpu.vector_load_idx %arg9[%add3A_1664] : memref<3328xf32, #tpu.memory_space<vmem>>[vector<16xi32>], vector<16xf32>,
    %add3A_1666 = arith.addf %add3A_1661, %gather3A_1665 : vector<16xf32>
    %add3A_1667 = arith.constant 11 : i32
    %add3A_1668 = vector.broadcast %add3A_1667 : i32 to vector<16xi32>
    %add3A_1669 = arith.addi %mul3A_1609, %add3A_1668 : vector<16xi32>
    %gather3A_1670 = tpu.vector_load_idx %arg9[%add3A_1669] : memref<3328xf32, #tpu.memory_space<vmem>>[vector<16xi32>], vector<16xf32>,
    %add3A_1671 = arith.addf %add3A_1666, %gather3A_1670 : vector<16xf32>
    %add3A_1672 = arith.constant 12 : i32
    %add3A_1673 = vector.broadcast %add3A_1672 : i32 to vector<16xi32>
    %add3A_1674 = arith.addi %mul3A_1609, %add3A_1673 : vector<16xi32>
    %gather3A_1675 = tpu.vector_load_idx %arg9[%add3A_1674] : memref<3328xf32, #tpu.memory_space<vmem>>[vector<16xi32>], vector<16xf32>,
    %add3A_1676 = arith.addf %add3A_1671, %gather3A_1675 : vector<16xf32>
    %add3A_1677 = arith.constant 13 : i32
    %add3A_1678 = vector.broadcast %add3A_1677 : i32 to vector<16xi32>
    %add3A_1679 = arith.addi %mul3A_1609, %add3A_1678 : vector<16xi32>
    %gather3A_1680 = tpu.vector_load_idx %arg9[%add3A_1679] : memref<3328xf32, #tpu.memory_space<vmem>>[vector<16xi32>], vector<16xf32>,
    %add3A_1681 = arith.addf %add3A_1676, %gather3A_1680 : vector<16xf32>
    %add3A_1682 = arith.constant 14 : i32
    %add3A_1683 = vector.broadcast %add3A_1682 : i32 to vector<16xi32>
    %add3A_1684 = arith.addi %mul3A_1609, %add3A_1683 : vector<16xi32>
    %gather3A_1685 = tpu.vector_load_idx %arg9[%add3A_1684] : memref<3328xf32, #tpu.memory_space<vmem>>[vector<16xi32>], vector<16xf32>,
    %add3A_1686 = arith.addf %add3A_1681, %gather3A_1685 : vector<16xf32>
    %add3A_1687 = arith.constant 15 : i32
    %add3A_1688 = vector.broadcast %add3A_1687 : i32 to vector<16xi32>
    %add3A_1689 = arith.addi %mul3A_1609, %add3A_1688 : vector<16xi32>
    %gather3A_1690 = tpu.vector_load_idx %arg9[%add3A_1689] : memref<3328xf32, #tpu.memory_space<vmem>>[vector<16xi32>], vector<16xf32>,
    %add3A_1691 = arith.addf %add3A_1686, %gather3A_1690 : vector<16xf32>
    %add3A_1692 = arith.constant 16 : i32
    %add3A_1693 = vector.broadcast %add3A_1692 : i32 to vector<16xi32>
    %add3A_1694 = arith.addi %mul3A_1609, %add3A_1693 : vector<16xi32>
    %gather3A_1695 = tpu.vector_load_idx %arg9[%add3A_1694] : memref<3328xf32, #tpu.memory_space<vmem>>[vector<16xi32>], vector<16xf32>,
    %add3A_1696 = arith.addf %add3A_1691, %gather3A_1695 : vector<16xf32>
    %add3A_1697 = arith.constant 17 : i32
    %add3A_1698 = vector.broadcast %add3A_1697 : i32 to vector<16xi32>
    %add3A_1699 = arith.addi %mul3A_1609, %add3A_1698 : vector<16xi32>
    %gather3A_1700 = tpu.vector_load_idx %arg9[%add3A_1699] : memref<3328xf32, #tpu.memory_space<vmem>>[vector<16xi32>], vector<16xf32>,
    %add3A_1701 = arith.addf %add3A_1696, %gather3A_1700 : vector<16xf32>
    %add3A_1702 = arith.constant 18 : i32
    %add3A_1703 = vector.broadcast %add3A_1702 : i32 to vector<16xi32>
    %add3A_1704 = arith.addi %mul3A_1609, %add3A_1703 : vector<16xi32>
    %gather3A_1705 = tpu.vector_load_idx %arg9[%add3A_1704] : memref<3328xf32, #tpu.memory_space<vmem>>[vector<16xi32>], vector<16xf32>,
    %add3A_1706 = arith.addf %add3A_1701, %gather3A_1705 : vector<16xf32>
    %add3A_1707 = arith.constant 19 : i32
    %add3A_1708 = vector.broadcast %add3A_1707 : i32 to vector<16xi32>
    %add3A_1709 = arith.addi %mul3A_1609, %add3A_1708 : vector<16xi32>
    %gather3A_1710 = tpu.vector_load_idx %arg9[%add3A_1709] : memref<3328xf32, #tpu.memory_space<vmem>>[vector<16xi32>], vector<16xf32>,
    %add3A_1711 = arith.addf %add3A_1706, %gather3A_1710 : vector<16xf32>
    %add3A_1712 = arith.constant 20 : i32
    %add3A_1713 = vector.broadcast %add3A_1712 : i32 to vector<16xi32>
    %add3A_1714 = arith.addi %mul3A_1609, %add3A_1713 : vector<16xi32>
    %gather3A_1715 = tpu.vector_load_idx %arg9[%add3A_1714] : memref<3328xf32, #tpu.memory_space<vmem>>[vector<16xi32>], vector<16xf32>,
    %add3A_1716 = arith.addf %add3A_1711, %gather3A_1715 : vector<16xf32>
    %add3A_1717 = arith.constant 21 : i32
    %add3A_1718 = vector.broadcast %add3A_1717 : i32 to vector<16xi32>
    %add3A_1719 = arith.addi %mul3A_1609, %add3A_1718 : vector<16xi32>
    %gather3A_1720 = tpu.vector_load_idx %arg9[%add3A_1719] : memref<3328xf32, #tpu.memory_space<vmem>>[vector<16xi32>], vector<16xf32>,
    %add3A_1721 = arith.addf %add3A_1716, %gather3A_1720 : vector<16xf32>
    %add3A_1722 = arith.constant 22 : i32
    %add3A_1723 = vector.broadcast %add3A_1722 : i32 to vector<16xi32>
    %add3A_1724 = arith.addi %mul3A_1609, %add3A_1723 : vector<16xi32>
    %gather3A_1725 = tpu.vector_load_idx %arg9[%add3A_1724] : memref<3328xf32, #tpu.memory_space<vmem>>[vector<16xi32>], vector<16xf32>,
    %add3A_1726 = arith.addf %add3A_1721, %gather3A_1725 : vector<16xf32>
    %add3A_1727 = arith.constant 23 : i32
    %add3A_1728 = vector.broadcast %add3A_1727 : i32 to vector<16xi32>
    %add3A_1729 = arith.addi %mul3A_1609, %add3A_1728 : vector<16xi32>
    %gather3A_1730 = tpu.vector_load_idx %arg9[%add3A_1729] : memref<3328xf32, #tpu.memory_space<vmem>>[vector<16xi32>], vector<16xf32>,
    %add3A_1731 = arith.addf %add3A_1726, %gather3A_1730 : vector<16xf32>
    %add3A_1732 = arith.constant 24 : i32
    %add3A_1733 = vector.broadcast %add3A_1732 : i32 to vector<16xi32>
    %add3A_1734 = arith.addi %mul3A_1609, %add3A_1733 : vector<16xi32>
    %gather3A_1735 = tpu.vector_load_idx %arg9[%add3A_1734] : memref<3328xf32, #tpu.memory_space<vmem>>[vector<16xi32>], vector<16xf32>,
    %add3A_1736 = arith.addf %add3A_1731, %gather3A_1735 : vector<16xf32>
    %add3A_1737 = arith.constant 25 : i32
    %add3A_1738 = vector.broadcast %add3A_1737 : i32 to vector<16xi32>
    %add3A_1739 = arith.addi %mul3A_1609, %add3A_1738 : vector<16xi32>
    %gather3A_1740 = tpu.vector_load_idx %arg9[%add3A_1739] : memref<3328xf32, #tpu.memory_space<vmem>>[vector<16xi32>], vector<16xf32>,
    %add3A_1741 = arith.addf %add3A_1736, %gather3A_1740 : vector<16xf32>
    %swap3A_1742 = arith.constant 64 : index
    %swap3A_1743 = tpu.vector_load %arg10[%swap3A_1742] {strides = array<i32>} : memref<128xf32, #tpu.memory_space<vmem>>, vector<16xf32>,
    tpu.vector_store %arg10[%swap3A_1742], %add3A_1741 {strides = array<i32>} : memref<128xf32, #tpu.memory_space<vmem>>, vector<16xf32>,
    %add3A_1744 = arith.constant 80 : i32
    %add3A_1745 = vector.broadcast %add3A_1744 : i32 to vector<16xi32>
    %add3A_1746 = arith.addi %add3A_1745, %iota3A : vector<16xi32>
    %mul3A_1747 = arith.constant 26 : i32
    %mul3A_1748 = vector.broadcast %mul3A_1747 : i32 to vector<16xi32>
    %mul3A_1749 = arith.muli %add3A_1746, %mul3A_1748 : vector<16xi32>
    %broadcast_in_dim3A_1750 = arith.constant 0.000000e+00 : f32
    %broadcast_in_dim3A_1751 = vector.broadcast %broadcast_in_dim3A_1750 : f32 to vector<16xf32>
    %add3A_1752 = arith.constant 0 : i32
    %add3A_1753 = vector.broadcast %add3A_1752 : i32 to vector<16xi32>
    %add3A_1754 = arith.addi %mul3A_1749, %add3A_1753 : vector<16xi32>
    %gather3A_1755 = tpu.vector_load_idx %arg9[%add3A_1754] : memref<3328xf32, #tpu.memory_space<vmem>>[vector<16xi32>], vector<16xf32>,
    %add3A_1756 = arith.addf %broadcast_in_dim3A_1751, %gather3A_1755 : vector<16xf32>
    %add3A_1757 = arith.constant 1 : i32
    %add3A_1758 = vector.broadcast %add3A_1757 : i32 to vector<16xi32>
    %add3A_1759 = arith.addi %mul3A_1749, %add3A_1758 : vector<16xi32>
    %gather3A_1760 = tpu.vector_load_idx %arg9[%add3A_1759] : memref<3328xf32, #tpu.memory_space<vmem>>[vector<16xi32>], vector<16xf32>,
    %add3A_1761 = arith.addf %add3A_1756, %gather3A_1760 : vector<16xf32>
    %add3A_1762 = arith.constant 2 : i32
    %add3A_1763 = vector.broadcast %add3A_1762 : i32 to vector<16xi32>
    %add3A_1764 = arith.addi %mul3A_1749, %add3A_1763 : vector<16xi32>
    %gather3A_1765 = tpu.vector_load_idx %arg9[%add3A_1764] : memref<3328xf32, #tpu.memory_space<vmem>>[vector<16xi32>], vector<16xf32>,
    %add3A_1766 = arith.addf %add3A_1761, %gather3A_1765 : vector<16xf32>
    %add3A_1767 = arith.constant 3 : i32
    %add3A_1768 = vector.broadcast %add3A_1767 : i32 to vector<16xi32>
    %add3A_1769 = arith.addi %mul3A_1749, %add3A_1768 : vector<16xi32>
    %gather3A_1770 = tpu.vector_load_idx %arg9[%add3A_1769] : memref<3328xf32, #tpu.memory_space<vmem>>[vector<16xi32>], vector<16xf32>,
    %add3A_1771 = arith.addf %add3A_1766, %gather3A_1770 : vector<16xf32>
    %add3A_1772 = arith.constant 4 : i32
    %add3A_1773 = vector.broadcast %add3A_1772 : i32 to vector<16xi32>
    %add3A_1774 = arith.addi %mul3A_1749, %add3A_1773 : vector<16xi32>
    %gather3A_1775 = tpu.vector_load_idx %arg9[%add3A_1774] : memref<3328xf32, #tpu.memory_space<vmem>>[vector<16xi32>], vector<16xf32>,
    %add3A_1776 = arith.addf %add3A_1771, %gather3A_1775 : vector<16xf32>
    %add3A_1777 = arith.constant 5 : i32
    %add3A_1778 = vector.broadcast %add3A_1777 : i32 to vector<16xi32>
    %add3A_1779 = arith.addi %mul3A_1749, %add3A_1778 : vector<16xi32>
    %gather3A_1780 = tpu.vector_load_idx %arg9[%add3A_1779] : memref<3328xf32, #tpu.memory_space<vmem>>[vector<16xi32>], vector<16xf32>,
    %add3A_1781 = arith.addf %add3A_1776, %gather3A_1780 : vector<16xf32>
    %add3A_1782 = arith.constant 6 : i32
    %add3A_1783 = vector.broadcast %add3A_1782 : i32 to vector<16xi32>
    %add3A_1784 = arith.addi %mul3A_1749, %add3A_1783 : vector<16xi32>
    %gather3A_1785 = tpu.vector_load_idx %arg9[%add3A_1784] : memref<3328xf32, #tpu.memory_space<vmem>>[vector<16xi32>], vector<16xf32>,
    %add3A_1786 = arith.addf %add3A_1781, %gather3A_1785 : vector<16xf32>
    %add3A_1787 = arith.constant 7 : i32
    %add3A_1788 = vector.broadcast %add3A_1787 : i32 to vector<16xi32>
    %add3A_1789 = arith.addi %mul3A_1749, %add3A_1788 : vector<16xi32>
    %gather3A_1790 = tpu.vector_load_idx %arg9[%add3A_1789] : memref<3328xf32, #tpu.memory_space<vmem>>[vector<16xi32>], vector<16xf32>,
    %add3A_1791 = arith.addf %add3A_1786, %gather3A_1790 : vector<16xf32>
    %add3A_1792 = arith.constant 8 : i32
    %add3A_1793 = vector.broadcast %add3A_1792 : i32 to vector<16xi32>
    %add3A_1794 = arith.addi %mul3A_1749, %add3A_1793 : vector<16xi32>
    %gather3A_1795 = tpu.vector_load_idx %arg9[%add3A_1794] : memref<3328xf32, #tpu.memory_space<vmem>>[vector<16xi32>], vector<16xf32>,
    %add3A_1796 = arith.addf %add3A_1791, %gather3A_1795 : vector<16xf32>
    %add3A_1797 = arith.constant 9 : i32
    %add3A_1798 = vector.broadcast %add3A_1797 : i32 to vector<16xi32>
    %add3A_1799 = arith.addi %mul3A_1749, %add3A_1798 : vector<16xi32>
    %gather3A_1800 = tpu.vector_load_idx %arg9[%add3A_1799] : memref<3328xf32, #tpu.memory_space<vmem>>[vector<16xi32>], vector<16xf32>,
    %add3A_1801 = arith.addf %add3A_1796, %gather3A_1800 : vector<16xf32>
    %add3A_1802 = arith.constant 10 : i32
    %add3A_1803 = vector.broadcast %add3A_1802 : i32 to vector<16xi32>
    %add3A_1804 = arith.addi %mul3A_1749, %add3A_1803 : vector<16xi32>
    %gather3A_1805 = tpu.vector_load_idx %arg9[%add3A_1804] : memref<3328xf32, #tpu.memory_space<vmem>>[vector<16xi32>], vector<16xf32>,
    %add3A_1806 = arith.addf %add3A_1801, %gather3A_1805 : vector<16xf32>
    %add3A_1807 = arith.constant 11 : i32
    %add3A_1808 = vector.broadcast %add3A_1807 : i32 to vector<16xi32>
    %add3A_1809 = arith.addi %mul3A_1749, %add3A_1808 : vector<16xi32>
    %gather3A_1810 = tpu.vector_load_idx %arg9[%add3A_1809] : memref<3328xf32, #tpu.memory_space<vmem>>[vector<16xi32>], vector<16xf32>,
    %add3A_1811 = arith.addf %add3A_1806, %gather3A_1810 : vector<16xf32>
    %add3A_1812 = arith.constant 12 : i32
    %add3A_1813 = vector.broadcast %add3A_1812 : i32 to vector<16xi32>
    %add3A_1814 = arith.addi %mul3A_1749, %add3A_1813 : vector<16xi32>
    %gather3A_1815 = tpu.vector_load_idx %arg9[%add3A_1814] : memref<3328xf32, #tpu.memory_space<vmem>>[vector<16xi32>], vector<16xf32>,
    %add3A_1816 = arith.addf %add3A_1811, %gather3A_1815 : vector<16xf32>
    %add3A_1817 = arith.constant 13 : i32
    %add3A_1818 = vector.broadcast %add3A_1817 : i32 to vector<16xi32>
    %add3A_1819 = arith.addi %mul3A_1749, %add3A_1818 : vector<16xi32>
    %gather3A_1820 = tpu.vector_load_idx %arg9[%add3A_1819] : memref<3328xf32, #tpu.memory_space<vmem>>[vector<16xi32>], vector<16xf32>,
    %add3A_1821 = arith.addf %add3A_1816, %gather3A_1820 : vector<16xf32>
    %add3A_1822 = arith.constant 14 : i32
    %add3A_1823 = vector.broadcast %add3A_1822 : i32 to vector<16xi32>
    %add3A_1824 = arith.addi %mul3A_1749, %add3A_1823 : vector<16xi32>
    %gather3A_1825 = tpu.vector_load_idx %arg9[%add3A_1824] : memref<3328xf32, #tpu.memory_space<vmem>>[vector<16xi32>], vector<16xf32>,
    %add3A_1826 = arith.addf %add3A_1821, %gather3A_1825 : vector<16xf32>
    %add3A_1827 = arith.constant 15 : i32
    %add3A_1828 = vector.broadcast %add3A_1827 : i32 to vector<16xi32>
    %add3A_1829 = arith.addi %mul3A_1749, %add3A_1828 : vector<16xi32>
    %gather3A_1830 = tpu.vector_load_idx %arg9[%add3A_1829] : memref<3328xf32, #tpu.memory_space<vmem>>[vector<16xi32>], vector<16xf32>,
    %add3A_1831 = arith.addf %add3A_1826, %gather3A_1830 : vector<16xf32>
    %add3A_1832 = arith.constant 16 : i32
    %add3A_1833 = vector.broadcast %add3A_1832 : i32 to vector<16xi32>
    %add3A_1834 = arith.addi %mul3A_1749, %add3A_1833 : vector<16xi32>
    %gather3A_1835 = tpu.vector_load_idx %arg9[%add3A_1834] : memref<3328xf32, #tpu.memory_space<vmem>>[vector<16xi32>], vector<16xf32>,
    %add3A_1836 = arith.addf %add3A_1831, %gather3A_1835 : vector<16xf32>
    %add3A_1837 = arith.constant 17 : i32
    %add3A_1838 = vector.broadcast %add3A_1837 : i32 to vector<16xi32>
    %add3A_1839 = arith.addi %mul3A_1749, %add3A_1838 : vector<16xi32>
    %gather3A_1840 = tpu.vector_load_idx %arg9[%add3A_1839] : memref<3328xf32, #tpu.memory_space<vmem>>[vector<16xi32>], vector<16xf32>,
    %add3A_1841 = arith.addf %add3A_1836, %gather3A_1840 : vector<16xf32>
    %add3A_1842 = arith.constant 18 : i32
    %add3A_1843 = vector.broadcast %add3A_1842 : i32 to vector<16xi32>
    %add3A_1844 = arith.addi %mul3A_1749, %add3A_1843 : vector<16xi32>
    %gather3A_1845 = tpu.vector_load_idx %arg9[%add3A_1844] : memref<3328xf32, #tpu.memory_space<vmem>>[vector<16xi32>], vector<16xf32>,
    %add3A_1846 = arith.addf %add3A_1841, %gather3A_1845 : vector<16xf32>
    %add3A_1847 = arith.constant 19 : i32
    %add3A_1848 = vector.broadcast %add3A_1847 : i32 to vector<16xi32>
    %add3A_1849 = arith.addi %mul3A_1749, %add3A_1848 : vector<16xi32>
    %gather3A_1850 = tpu.vector_load_idx %arg9[%add3A_1849] : memref<3328xf32, #tpu.memory_space<vmem>>[vector<16xi32>], vector<16xf32>,
    %add3A_1851 = arith.addf %add3A_1846, %gather3A_1850 : vector<16xf32>
    %add3A_1852 = arith.constant 20 : i32
    %add3A_1853 = vector.broadcast %add3A_1852 : i32 to vector<16xi32>
    %add3A_1854 = arith.addi %mul3A_1749, %add3A_1853 : vector<16xi32>
    %gather3A_1855 = tpu.vector_load_idx %arg9[%add3A_1854] : memref<3328xf32, #tpu.memory_space<vmem>>[vector<16xi32>], vector<16xf32>,
    %add3A_1856 = arith.addf %add3A_1851, %gather3A_1855 : vector<16xf32>
    %add3A_1857 = arith.constant 21 : i32
    %add3A_1858 = vector.broadcast %add3A_1857 : i32 to vector<16xi32>
    %add3A_1859 = arith.addi %mul3A_1749, %add3A_1858 : vector<16xi32>
    %gather3A_1860 = tpu.vector_load_idx %arg9[%add3A_1859] : memref<3328xf32, #tpu.memory_space<vmem>>[vector<16xi32>], vector<16xf32>,
    %add3A_1861 = arith.addf %add3A_1856, %gather3A_1860 : vector<16xf32>
    %add3A_1862 = arith.constant 22 : i32
    %add3A_1863 = vector.broadcast %add3A_1862 : i32 to vector<16xi32>
    %add3A_1864 = arith.addi %mul3A_1749, %add3A_1863 : vector<16xi32>
    %gather3A_1865 = tpu.vector_load_idx %arg9[%add3A_1864] : memref<3328xf32, #tpu.memory_space<vmem>>[vector<16xi32>], vector<16xf32>,
    %add3A_1866 = arith.addf %add3A_1861, %gather3A_1865 : vector<16xf32>
    %add3A_1867 = arith.constant 23 : i32
    %add3A_1868 = vector.broadcast %add3A_1867 : i32 to vector<16xi32>
    %add3A_1869 = arith.addi %mul3A_1749, %add3A_1868 : vector<16xi32>
    %gather3A_1870 = tpu.vector_load_idx %arg9[%add3A_1869] : memref<3328xf32, #tpu.memory_space<vmem>>[vector<16xi32>], vector<16xf32>,
    %add3A_1871 = arith.addf %add3A_1866, %gather3A_1870 : vector<16xf32>
    %add3A_1872 = arith.constant 24 : i32
    %add3A_1873 = vector.broadcast %add3A_1872 : i32 to vector<16xi32>
    %add3A_1874 = arith.addi %mul3A_1749, %add3A_1873 : vector<16xi32>
    %gather3A_1875 = tpu.vector_load_idx %arg9[%add3A_1874] : memref<3328xf32, #tpu.memory_space<vmem>>[vector<16xi32>], vector<16xf32>,
    %add3A_1876 = arith.addf %add3A_1871, %gather3A_1875 : vector<16xf32>
    %add3A_1877 = arith.constant 25 : i32
    %add3A_1878 = vector.broadcast %add3A_1877 : i32 to vector<16xi32>
    %add3A_1879 = arith.addi %mul3A_1749, %add3A_1878 : vector<16xi32>
    %gather3A_1880 = tpu.vector_load_idx %arg9[%add3A_1879] : memref<3328xf32, #tpu.memory_space<vmem>>[vector<16xi32>], vector<16xf32>,
    %add3A_1881 = arith.addf %add3A_1876, %gather3A_1880 : vector<16xf32>
    %swap3A_1882 = arith.constant 80 : index
    %swap3A_1883 = tpu.vector_load %arg10[%swap3A_1882] {strides = array<i32>} : memref<128xf32, #tpu.memory_space<vmem>>, vector<16xf32>,
    tpu.vector_store %arg10[%swap3A_1882], %add3A_1881 {strides = array<i32>} : memref<128xf32, #tpu.memory_space<vmem>>, vector<16xf32>,
    %add3A_1884 = arith.constant 96 : i32
    %add3A_1885 = vector.broadcast %add3A_1884 : i32 to vector<16xi32>
    %add3A_1886 = arith.addi %add3A_1885, %iota3A : vector<16xi32>
    %mul3A_1887 = arith.constant 26 : i32
    %mul3A_1888 = vector.broadcast %mul3A_1887 : i32 to vector<16xi32>
    %mul3A_1889 = arith.muli %add3A_1886, %mul3A_1888 : vector<16xi32>
    %broadcast_in_dim3A_1890 = arith.constant 0.000000e+00 : f32
    %broadcast_in_dim3A_1891 = vector.broadcast %broadcast_in_dim3A_1890 : f32 to vector<16xf32>
    %add3A_1892 = arith.constant 0 : i32
    %add3A_1893 = vector.broadcast %add3A_1892 : i32 to vector<16xi32>
    %add3A_1894 = arith.addi %mul3A_1889, %add3A_1893 : vector<16xi32>
    %gather3A_1895 = tpu.vector_load_idx %arg9[%add3A_1894] : memref<3328xf32, #tpu.memory_space<vmem>>[vector<16xi32>], vector<16xf32>,
    %add3A_1896 = arith.addf %broadcast_in_dim3A_1891, %gather3A_1895 : vector<16xf32>
    %add3A_1897 = arith.constant 1 : i32
    %add3A_1898 = vector.broadcast %add3A_1897 : i32 to vector<16xi32>
    %add3A_1899 = arith.addi %mul3A_1889, %add3A_1898 : vector<16xi32>
    %gather3A_1900 = tpu.vector_load_idx %arg9[%add3A_1899] : memref<3328xf32, #tpu.memory_space<vmem>>[vector<16xi32>], vector<16xf32>,
    %add3A_1901 = arith.addf %add3A_1896, %gather3A_1900 : vector<16xf32>
    %add3A_1902 = arith.constant 2 : i32
    %add3A_1903 = vector.broadcast %add3A_1902 : i32 to vector<16xi32>
    %add3A_1904 = arith.addi %mul3A_1889, %add3A_1903 : vector<16xi32>
    %gather3A_1905 = tpu.vector_load_idx %arg9[%add3A_1904] : memref<3328xf32, #tpu.memory_space<vmem>>[vector<16xi32>], vector<16xf32>,
    %add3A_1906 = arith.addf %add3A_1901, %gather3A_1905 : vector<16xf32>
    %add3A_1907 = arith.constant 3 : i32
    %add3A_1908 = vector.broadcast %add3A_1907 : i32 to vector<16xi32>
    %add3A_1909 = arith.addi %mul3A_1889, %add3A_1908 : vector<16xi32>
    %gather3A_1910 = tpu.vector_load_idx %arg9[%add3A_1909] : memref<3328xf32, #tpu.memory_space<vmem>>[vector<16xi32>], vector<16xf32>,
    %add3A_1911 = arith.addf %add3A_1906, %gather3A_1910 : vector<16xf32>
    %add3A_1912 = arith.constant 4 : i32
    %add3A_1913 = vector.broadcast %add3A_1912 : i32 to vector<16xi32>
    %add3A_1914 = arith.addi %mul3A_1889, %add3A_1913 : vector<16xi32>
    %gather3A_1915 = tpu.vector_load_idx %arg9[%add3A_1914] : memref<3328xf32, #tpu.memory_space<vmem>>[vector<16xi32>], vector<16xf32>,
    %add3A_1916 = arith.addf %add3A_1911, %gather3A_1915 : vector<16xf32>
    %add3A_1917 = arith.constant 5 : i32
    %add3A_1918 = vector.broadcast %add3A_1917 : i32 to vector<16xi32>
    %add3A_1919 = arith.addi %mul3A_1889, %add3A_1918 : vector<16xi32>
    %gather3A_1920 = tpu.vector_load_idx %arg9[%add3A_1919] : memref<3328xf32, #tpu.memory_space<vmem>>[vector<16xi32>], vector<16xf32>,
    %add3A_1921 = arith.addf %add3A_1916, %gather3A_1920 : vector<16xf32>
    %add3A_1922 = arith.constant 6 : i32
    %add3A_1923 = vector.broadcast %add3A_1922 : i32 to vector<16xi32>
    %add3A_1924 = arith.addi %mul3A_1889, %add3A_1923 : vector<16xi32>
    %gather3A_1925 = tpu.vector_load_idx %arg9[%add3A_1924] : memref<3328xf32, #tpu.memory_space<vmem>>[vector<16xi32>], vector<16xf32>,
    %add3A_1926 = arith.addf %add3A_1921, %gather3A_1925 : vector<16xf32>
    %add3A_1927 = arith.constant 7 : i32
    %add3A_1928 = vector.broadcast %add3A_1927 : i32 to vector<16xi32>
    %add3A_1929 = arith.addi %mul3A_1889, %add3A_1928 : vector<16xi32>
    %gather3A_1930 = tpu.vector_load_idx %arg9[%add3A_1929] : memref<3328xf32, #tpu.memory_space<vmem>>[vector<16xi32>], vector<16xf32>,
    %add3A_1931 = arith.addf %add3A_1926, %gather3A_1930 : vector<16xf32>
    %add3A_1932 = arith.constant 8 : i32
    %add3A_1933 = vector.broadcast %add3A_1932 : i32 to vector<16xi32>
    %add3A_1934 = arith.addi %mul3A_1889, %add3A_1933 : vector<16xi32>
    %gather3A_1935 = tpu.vector_load_idx %arg9[%add3A_1934] : memref<3328xf32, #tpu.memory_space<vmem>>[vector<16xi32>], vector<16xf32>,
    %add3A_1936 = arith.addf %add3A_1931, %gather3A_1935 : vector<16xf32>
    %add3A_1937 = arith.constant 9 : i32
    %add3A_1938 = vector.broadcast %add3A_1937 : i32 to vector<16xi32>
    %add3A_1939 = arith.addi %mul3A_1889, %add3A_1938 : vector<16xi32>
    %gather3A_1940 = tpu.vector_load_idx %arg9[%add3A_1939] : memref<3328xf32, #tpu.memory_space<vmem>>[vector<16xi32>], vector<16xf32>,
    %add3A_1941 = arith.addf %add3A_1936, %gather3A_1940 : vector<16xf32>
    %add3A_1942 = arith.constant 10 : i32
    %add3A_1943 = vector.broadcast %add3A_1942 : i32 to vector<16xi32>
    %add3A_1944 = arith.addi %mul3A_1889, %add3A_1943 : vector<16xi32>
    %gather3A_1945 = tpu.vector_load_idx %arg9[%add3A_1944] : memref<3328xf32, #tpu.memory_space<vmem>>[vector<16xi32>], vector<16xf32>,
    %add3A_1946 = arith.addf %add3A_1941, %gather3A_1945 : vector<16xf32>
    %add3A_1947 = arith.constant 11 : i32
    %add3A_1948 = vector.broadcast %add3A_1947 : i32 to vector<16xi32>
    %add3A_1949 = arith.addi %mul3A_1889, %add3A_1948 : vector<16xi32>
    %gather3A_1950 = tpu.vector_load_idx %arg9[%add3A_1949] : memref<3328xf32, #tpu.memory_space<vmem>>[vector<16xi32>], vector<16xf32>,
    %add3A_1951 = arith.addf %add3A_1946, %gather3A_1950 : vector<16xf32>
    %add3A_1952 = arith.constant 12 : i32
    %add3A_1953 = vector.broadcast %add3A_1952 : i32 to vector<16xi32>
    %add3A_1954 = arith.addi %mul3A_1889, %add3A_1953 : vector<16xi32>
    %gather3A_1955 = tpu.vector_load_idx %arg9[%add3A_1954] : memref<3328xf32, #tpu.memory_space<vmem>>[vector<16xi32>], vector<16xf32>,
    %add3A_1956 = arith.addf %add3A_1951, %gather3A_1955 : vector<16xf32>
    %add3A_1957 = arith.constant 13 : i32
    %add3A_1958 = vector.broadcast %add3A_1957 : i32 to vector<16xi32>
    %add3A_1959 = arith.addi %mul3A_1889, %add3A_1958 : vector<16xi32>
    %gather3A_1960 = tpu.vector_load_idx %arg9[%add3A_1959] : memref<3328xf32, #tpu.memory_space<vmem>>[vector<16xi32>], vector<16xf32>,
    %add3A_1961 = arith.addf %add3A_1956, %gather3A_1960 : vector<16xf32>
    %add3A_1962 = arith.constant 14 : i32
    %add3A_1963 = vector.broadcast %add3A_1962 : i32 to vector<16xi32>
    %add3A_1964 = arith.addi %mul3A_1889, %add3A_1963 : vector<16xi32>
    %gather3A_1965 = tpu.vector_load_idx %arg9[%add3A_1964] : memref<3328xf32, #tpu.memory_space<vmem>>[vector<16xi32>], vector<16xf32>,
    %add3A_1966 = arith.addf %add3A_1961, %gather3A_1965 : vector<16xf32>
    %add3A_1967 = arith.constant 15 : i32
    %add3A_1968 = vector.broadcast %add3A_1967 : i32 to vector<16xi32>
    %add3A_1969 = arith.addi %mul3A_1889, %add3A_1968 : vector<16xi32>
    %gather3A_1970 = tpu.vector_load_idx %arg9[%add3A_1969] : memref<3328xf32, #tpu.memory_space<vmem>>[vector<16xi32>], vector<16xf32>,
    %add3A_1971 = arith.addf %add3A_1966, %gather3A_1970 : vector<16xf32>
    %add3A_1972 = arith.constant 16 : i32
    %add3A_1973 = vector.broadcast %add3A_1972 : i32 to vector<16xi32>
    %add3A_1974 = arith.addi %mul3A_1889, %add3A_1973 : vector<16xi32>
    %gather3A_1975 = tpu.vector_load_idx %arg9[%add3A_1974] : memref<3328xf32, #tpu.memory_space<vmem>>[vector<16xi32>], vector<16xf32>,
    %add3A_1976 = arith.addf %add3A_1971, %gather3A_1975 : vector<16xf32>
    %add3A_1977 = arith.constant 17 : i32
    %add3A_1978 = vector.broadcast %add3A_1977 : i32 to vector<16xi32>
    %add3A_1979 = arith.addi %mul3A_1889, %add3A_1978 : vector<16xi32>
    %gather3A_1980 = tpu.vector_load_idx %arg9[%add3A_1979] : memref<3328xf32, #tpu.memory_space<vmem>>[vector<16xi32>], vector<16xf32>,
    %add3A_1981 = arith.addf %add3A_1976, %gather3A_1980 : vector<16xf32>
    %add3A_1982 = arith.constant 18 : i32
    %add3A_1983 = vector.broadcast %add3A_1982 : i32 to vector<16xi32>
    %add3A_1984 = arith.addi %mul3A_1889, %add3A_1983 : vector<16xi32>
    %gather3A_1985 = tpu.vector_load_idx %arg9[%add3A_1984] : memref<3328xf32, #tpu.memory_space<vmem>>[vector<16xi32>], vector<16xf32>,
    %add3A_1986 = arith.addf %add3A_1981, %gather3A_1985 : vector<16xf32>
    %add3A_1987 = arith.constant 19 : i32
    %add3A_1988 = vector.broadcast %add3A_1987 : i32 to vector<16xi32>
    %add3A_1989 = arith.addi %mul3A_1889, %add3A_1988 : vector<16xi32>
    %gather3A_1990 = tpu.vector_load_idx %arg9[%add3A_1989] : memref<3328xf32, #tpu.memory_space<vmem>>[vector<16xi32>], vector<16xf32>,
    %add3A_1991 = arith.addf %add3A_1986, %gather3A_1990 : vector<16xf32>
    %add3A_1992 = arith.constant 20 : i32
    %add3A_1993 = vector.broadcast %add3A_1992 : i32 to vector<16xi32>
    %add3A_1994 = arith.addi %mul3A_1889, %add3A_1993 : vector<16xi32>
    %gather3A_1995 = tpu.vector_load_idx %arg9[%add3A_1994] : memref<3328xf32, #tpu.memory_space<vmem>>[vector<16xi32>], vector<16xf32>,
    %add3A_1996 = arith.addf %add3A_1991, %gather3A_1995 : vector<16xf32>
    %add3A_1997 = arith.constant 21 : i32
    %add3A_1998 = vector.broadcast %add3A_1997 : i32 to vector<16xi32>
    %add3A_1999 = arith.addi %mul3A_1889, %add3A_1998 : vector<16xi32>
    %gather3A_2000 = tpu.vector_load_idx %arg9[%add3A_1999] : memref<3328xf32, #tpu.memory_space<vmem>>[vector<16xi32>], vector<16xf32>,
    %add3A_2001 = arith.addf %add3A_1996, %gather3A_2000 : vector<16xf32>
    %add3A_2002 = arith.constant 22 : i32
    %add3A_2003 = vector.broadcast %add3A_2002 : i32 to vector<16xi32>
    %add3A_2004 = arith.addi %mul3A_1889, %add3A_2003 : vector<16xi32>
    %gather3A_2005 = tpu.vector_load_idx %arg9[%add3A_2004] : memref<3328xf32, #tpu.memory_space<vmem>>[vector<16xi32>], vector<16xf32>,
    %add3A_2006 = arith.addf %add3A_2001, %gather3A_2005 : vector<16xf32>
    %add3A_2007 = arith.constant 23 : i32
    %add3A_2008 = vector.broadcast %add3A_2007 : i32 to vector<16xi32>
    %add3A_2009 = arith.addi %mul3A_1889, %add3A_2008 : vector<16xi32>
    %gather3A_2010 = tpu.vector_load_idx %arg9[%add3A_2009] : memref<3328xf32, #tpu.memory_space<vmem>>[vector<16xi32>], vector<16xf32>,
    %add3A_2011 = arith.addf %add3A_2006, %gather3A_2010 : vector<16xf32>
    %add3A_2012 = arith.constant 24 : i32
    %add3A_2013 = vector.broadcast %add3A_2012 : i32 to vector<16xi32>
    %add3A_2014 = arith.addi %mul3A_1889, %add3A_2013 : vector<16xi32>
    %gather3A_2015 = tpu.vector_load_idx %arg9[%add3A_2014] : memref<3328xf32, #tpu.memory_space<vmem>>[vector<16xi32>], vector<16xf32>,
    %add3A_2016 = arith.addf %add3A_2011, %gather3A_2015 : vector<16xf32>
    %add3A_2017 = arith.constant 25 : i32
    %add3A_2018 = vector.broadcast %add3A_2017 : i32 to vector<16xi32>
    %add3A_2019 = arith.addi %mul3A_1889, %add3A_2018 : vector<16xi32>
    %gather3A_2020 = tpu.vector_load_idx %arg9[%add3A_2019] : memref<3328xf32, #tpu.memory_space<vmem>>[vector<16xi32>], vector<16xf32>,
    %add3A_2021 = arith.addf %add3A_2016, %gather3A_2020 : vector<16xf32>
    %swap3A_2022 = arith.constant 96 : index
    %swap3A_2023 = tpu.vector_load %arg10[%swap3A_2022] {strides = array<i32>} : memref<128xf32, #tpu.memory_space<vmem>>, vector<16xf32>,
    tpu.vector_store %arg10[%swap3A_2022], %add3A_2021 {strides = array<i32>} : memref<128xf32, #tpu.memory_space<vmem>>, vector<16xf32>,
    %add3A_2024 = arith.constant 112 : i32
    %add3A_2025 = vector.broadcast %add3A_2024 : i32 to vector<16xi32>
    %add3A_2026 = arith.addi %add3A_2025, %iota3A : vector<16xi32>
    %mul3A_2027 = arith.constant 26 : i32
    %mul3A_2028 = vector.broadcast %mul3A_2027 : i32 to vector<16xi32>
    %mul3A_2029 = arith.muli %add3A_2026, %mul3A_2028 : vector<16xi32>
    %broadcast_in_dim3A_2030 = arith.constant 0.000000e+00 : f32
    %broadcast_in_dim3A_2031 = vector.broadcast %broadcast_in_dim3A_2030 : f32 to vector<16xf32>
    %add3A_2032 = arith.constant 0 : i32
    %add3A_2033 = vector.broadcast %add3A_2032 : i32 to vector<16xi32>
    %add3A_2034 = arith.addi %mul3A_2029, %add3A_2033 : vector<16xi32>
    %gather3A_2035 = tpu.vector_load_idx %arg9[%add3A_2034] : memref<3328xf32, #tpu.memory_space<vmem>>[vector<16xi32>], vector<16xf32>,
    %add3A_2036 = arith.addf %broadcast_in_dim3A_2031, %gather3A_2035 : vector<16xf32>
    %add3A_2037 = arith.constant 1 : i32
    %add3A_2038 = vector.broadcast %add3A_2037 : i32 to vector<16xi32>
    %add3A_2039 = arith.addi %mul3A_2029, %add3A_2038 : vector<16xi32>
    %gather3A_2040 = tpu.vector_load_idx %arg9[%add3A_2039] : memref<3328xf32, #tpu.memory_space<vmem>>[vector<16xi32>], vector<16xf32>,
    %add3A_2041 = arith.addf %add3A_2036, %gather3A_2040 : vector<16xf32>
    %add3A_2042 = arith.constant 2 : i32
    %add3A_2043 = vector.broadcast %add3A_2042 : i32 to vector<16xi32>
    %add3A_2044 = arith.addi %mul3A_2029, %add3A_2043 : vector<16xi32>
    %gather3A_2045 = tpu.vector_load_idx %arg9[%add3A_2044] : memref<3328xf32, #tpu.memory_space<vmem>>[vector<16xi32>], vector<16xf32>,
    %add3A_2046 = arith.addf %add3A_2041, %gather3A_2045 : vector<16xf32>
    %add3A_2047 = arith.constant 3 : i32
    %add3A_2048 = vector.broadcast %add3A_2047 : i32 to vector<16xi32>
    %add3A_2049 = arith.addi %mul3A_2029, %add3A_2048 : vector<16xi32>
    %gather3A_2050 = tpu.vector_load_idx %arg9[%add3A_2049] : memref<3328xf32, #tpu.memory_space<vmem>>[vector<16xi32>], vector<16xf32>,
    %add3A_2051 = arith.addf %add3A_2046, %gather3A_2050 : vector<16xf32>
    %add3A_2052 = arith.constant 4 : i32
    %add3A_2053 = vector.broadcast %add3A_2052 : i32 to vector<16xi32>
    %add3A_2054 = arith.addi %mul3A_2029, %add3A_2053 : vector<16xi32>
    %gather3A_2055 = tpu.vector_load_idx %arg9[%add3A_2054] : memref<3328xf32, #tpu.memory_space<vmem>>[vector<16xi32>], vector<16xf32>,
    %add3A_2056 = arith.addf %add3A_2051, %gather3A_2055 : vector<16xf32>
    %add3A_2057 = arith.constant 5 : i32
    %add3A_2058 = vector.broadcast %add3A_2057 : i32 to vector<16xi32>
    %add3A_2059 = arith.addi %mul3A_2029, %add3A_2058 : vector<16xi32>
    %gather3A_2060 = tpu.vector_load_idx %arg9[%add3A_2059] : memref<3328xf32, #tpu.memory_space<vmem>>[vector<16xi32>], vector<16xf32>,
    %add3A_2061 = arith.addf %add3A_2056, %gather3A_2060 : vector<16xf32>
    %add3A_2062 = arith.constant 6 : i32
    %add3A_2063 = vector.broadcast %add3A_2062 : i32 to vector<16xi32>
    %add3A_2064 = arith.addi %mul3A_2029, %add3A_2063 : vector<16xi32>
    %gather3A_2065 = tpu.vector_load_idx %arg9[%add3A_2064] : memref<3328xf32, #tpu.memory_space<vmem>>[vector<16xi32>], vector<16xf32>,
    %add3A_2066 = arith.addf %add3A_2061, %gather3A_2065 : vector<16xf32>
    %add3A_2067 = arith.constant 7 : i32
    %add3A_2068 = vector.broadcast %add3A_2067 : i32 to vector<16xi32>
    %add3A_2069 = arith.addi %mul3A_2029, %add3A_2068 : vector<16xi32>
    %gather3A_2070 = tpu.vector_load_idx %arg9[%add3A_2069] : memref<3328xf32, #tpu.memory_space<vmem>>[vector<16xi32>], vector<16xf32>,
    %add3A_2071 = arith.addf %add3A_2066, %gather3A_2070 : vector<16xf32>
    %add3A_2072 = arith.constant 8 : i32
    %add3A_2073 = vector.broadcast %add3A_2072 : i32 to vector<16xi32>
    %add3A_2074 = arith.addi %mul3A_2029, %add3A_2073 : vector<16xi32>
    %gather3A_2075 = tpu.vector_load_idx %arg9[%add3A_2074] : memref<3328xf32, #tpu.memory_space<vmem>>[vector<16xi32>], vector<16xf32>,
    %add3A_2076 = arith.addf %add3A_2071, %gather3A_2075 : vector<16xf32>
    %add3A_2077 = arith.constant 9 : i32
    %add3A_2078 = vector.broadcast %add3A_2077 : i32 to vector<16xi32>
    %add3A_2079 = arith.addi %mul3A_2029, %add3A_2078 : vector<16xi32>
    %gather3A_2080 = tpu.vector_load_idx %arg9[%add3A_2079] : memref<3328xf32, #tpu.memory_space<vmem>>[vector<16xi32>], vector<16xf32>,
    %add3A_2081 = arith.addf %add3A_2076, %gather3A_2080 : vector<16xf32>
    %add3A_2082 = arith.constant 10 : i32
    %add3A_2083 = vector.broadcast %add3A_2082 : i32 to vector<16xi32>
    %add3A_2084 = arith.addi %mul3A_2029, %add3A_2083 : vector<16xi32>
    %gather3A_2085 = tpu.vector_load_idx %arg9[%add3A_2084] : memref<3328xf32, #tpu.memory_space<vmem>>[vector<16xi32>], vector<16xf32>,
    %add3A_2086 = arith.addf %add3A_2081, %gather3A_2085 : vector<16xf32>
    %add3A_2087 = arith.constant 11 : i32
    %add3A_2088 = vector.broadcast %add3A_2087 : i32 to vector<16xi32>
    %add3A_2089 = arith.addi %mul3A_2029, %add3A_2088 : vector<16xi32>
    %gather3A_2090 = tpu.vector_load_idx %arg9[%add3A_2089] : memref<3328xf32, #tpu.memory_space<vmem>>[vector<16xi32>], vector<16xf32>,
    %add3A_2091 = arith.addf %add3A_2086, %gather3A_2090 : vector<16xf32>
    %add3A_2092 = arith.constant 12 : i32
    %add3A_2093 = vector.broadcast %add3A_2092 : i32 to vector<16xi32>
    %add3A_2094 = arith.addi %mul3A_2029, %add3A_2093 : vector<16xi32>
    %gather3A_2095 = tpu.vector_load_idx %arg9[%add3A_2094] : memref<3328xf32, #tpu.memory_space<vmem>>[vector<16xi32>], vector<16xf32>,
    %add3A_2096 = arith.addf %add3A_2091, %gather3A_2095 : vector<16xf32>
    %add3A_2097 = arith.constant 13 : i32
    %add3A_2098 = vector.broadcast %add3A_2097 : i32 to vector<16xi32>
    %add3A_2099 = arith.addi %mul3A_2029, %add3A_2098 : vector<16xi32>
    %gather3A_2100 = tpu.vector_load_idx %arg9[%add3A_2099] : memref<3328xf32, #tpu.memory_space<vmem>>[vector<16xi32>], vector<16xf32>,
    %add3A_2101 = arith.addf %add3A_2096, %gather3A_2100 : vector<16xf32>
    %add3A_2102 = arith.constant 14 : i32
    %add3A_2103 = vector.broadcast %add3A_2102 : i32 to vector<16xi32>
    %add3A_2104 = arith.addi %mul3A_2029, %add3A_2103 : vector<16xi32>
    %gather3A_2105 = tpu.vector_load_idx %arg9[%add3A_2104] : memref<3328xf32, #tpu.memory_space<vmem>>[vector<16xi32>], vector<16xf32>,
    %add3A_2106 = arith.addf %add3A_2101, %gather3A_2105 : vector<16xf32>
    %add3A_2107 = arith.constant 15 : i32
    %add3A_2108 = vector.broadcast %add3A_2107 : i32 to vector<16xi32>
    %add3A_2109 = arith.addi %mul3A_2029, %add3A_2108 : vector<16xi32>
    %gather3A_2110 = tpu.vector_load_idx %arg9[%add3A_2109] : memref<3328xf32, #tpu.memory_space<vmem>>[vector<16xi32>], vector<16xf32>,
    %add3A_2111 = arith.addf %add3A_2106, %gather3A_2110 : vector<16xf32>
    %add3A_2112 = arith.constant 16 : i32
    %add3A_2113 = vector.broadcast %add3A_2112 : i32 to vector<16xi32>
    %add3A_2114 = arith.addi %mul3A_2029, %add3A_2113 : vector<16xi32>
    %gather3A_2115 = tpu.vector_load_idx %arg9[%add3A_2114] : memref<3328xf32, #tpu.memory_space<vmem>>[vector<16xi32>], vector<16xf32>,
    %add3A_2116 = arith.addf %add3A_2111, %gather3A_2115 : vector<16xf32>
    %add3A_2117 = arith.constant 17 : i32
    %add3A_2118 = vector.broadcast %add3A_2117 : i32 to vector<16xi32>
    %add3A_2119 = arith.addi %mul3A_2029, %add3A_2118 : vector<16xi32>
    %gather3A_2120 = tpu.vector_load_idx %arg9[%add3A_2119] : memref<3328xf32, #tpu.memory_space<vmem>>[vector<16xi32>], vector<16xf32>,
    %add3A_2121 = arith.addf %add3A_2116, %gather3A_2120 : vector<16xf32>
    %add3A_2122 = arith.constant 18 : i32
    %add3A_2123 = vector.broadcast %add3A_2122 : i32 to vector<16xi32>
    %add3A_2124 = arith.addi %mul3A_2029, %add3A_2123 : vector<16xi32>
    %gather3A_2125 = tpu.vector_load_idx %arg9[%add3A_2124] : memref<3328xf32, #tpu.memory_space<vmem>>[vector<16xi32>], vector<16xf32>,
    %add3A_2126 = arith.addf %add3A_2121, %gather3A_2125 : vector<16xf32>
    %add3A_2127 = arith.constant 19 : i32
    %add3A_2128 = vector.broadcast %add3A_2127 : i32 to vector<16xi32>
    %add3A_2129 = arith.addi %mul3A_2029, %add3A_2128 : vector<16xi32>
    %gather3A_2130 = tpu.vector_load_idx %arg9[%add3A_2129] : memref<3328xf32, #tpu.memory_space<vmem>>[vector<16xi32>], vector<16xf32>,
    %add3A_2131 = arith.addf %add3A_2126, %gather3A_2130 : vector<16xf32>
    %add3A_2132 = arith.constant 20 : i32
    %add3A_2133 = vector.broadcast %add3A_2132 : i32 to vector<16xi32>
    %add3A_2134 = arith.addi %mul3A_2029, %add3A_2133 : vector<16xi32>
    %gather3A_2135 = tpu.vector_load_idx %arg9[%add3A_2134] : memref<3328xf32, #tpu.memory_space<vmem>>[vector<16xi32>], vector<16xf32>,
    %add3A_2136 = arith.addf %add3A_2131, %gather3A_2135 : vector<16xf32>
    %add3A_2137 = arith.constant 21 : i32
    %add3A_2138 = vector.broadcast %add3A_2137 : i32 to vector<16xi32>
    %add3A_2139 = arith.addi %mul3A_2029, %add3A_2138 : vector<16xi32>
    %gather3A_2140 = tpu.vector_load_idx %arg9[%add3A_2139] : memref<3328xf32, #tpu.memory_space<vmem>>[vector<16xi32>], vector<16xf32>,
    %add3A_2141 = arith.addf %add3A_2136, %gather3A_2140 : vector<16xf32>
    %add3A_2142 = arith.constant 22 : i32
    %add3A_2143 = vector.broadcast %add3A_2142 : i32 to vector<16xi32>
    %add3A_2144 = arith.addi %mul3A_2029, %add3A_2143 : vector<16xi32>
    %gather3A_2145 = tpu.vector_load_idx %arg9[%add3A_2144] : memref<3328xf32, #tpu.memory_space<vmem>>[vector<16xi32>], vector<16xf32>,
    %add3A_2146 = arith.addf %add3A_2141, %gather3A_2145 : vector<16xf32>
    %add3A_2147 = arith.constant 23 : i32
    %add3A_2148 = vector.broadcast %add3A_2147 : i32 to vector<16xi32>
    %add3A_2149 = arith.addi %mul3A_2029, %add3A_2148 : vector<16xi32>
    %gather3A_2150 = tpu.vector_load_idx %arg9[%add3A_2149] : memref<3328xf32, #tpu.memory_space<vmem>>[vector<16xi32>], vector<16xf32>,
    %add3A_2151 = arith.addf %add3A_2146, %gather3A_2150 : vector<16xf32>
    %add3A_2152 = arith.constant 24 : i32
    %add3A_2153 = vector.broadcast %add3A_2152 : i32 to vector<16xi32>
    %add3A_2154 = arith.addi %mul3A_2029, %add3A_2153 : vector<16xi32>
    %gather3A_2155 = tpu.vector_load_idx %arg9[%add3A_2154] : memref<3328xf32, #tpu.memory_space<vmem>>[vector<16xi32>], vector<16xf32>,
    %add3A_2156 = arith.addf %add3A_2151, %gather3A_2155 : vector<16xf32>
    %add3A_2157 = arith.constant 25 : i32
    %add3A_2158 = vector.broadcast %add3A_2157 : i32 to vector<16xi32>
    %add3A_2159 = arith.addi %mul3A_2029, %add3A_2158 : vector<16xi32>
    %gather3A_2160 = tpu.vector_load_idx %arg9[%add3A_2159] : memref<3328xf32, #tpu.memory_space<vmem>>[vector<16xi32>], vector<16xf32>,
    %add3A_2161 = arith.addf %add3A_2156, %gather3A_2160 : vector<16xf32>
    %swap3A_2162 = arith.constant 112 : index
    %swap3A_2163 = tpu.vector_load %arg10[%swap3A_2162] {strides = array<i32>} : memref<128xf32, #tpu.memory_space<vmem>>, vector<16xf32>,
    tpu.vector_store %arg10[%swap3A_2162], %add3A_2161 {strides = array<i32>} : memref<128xf32, #tpu.memory_space<vmem>>, vector<16xf32>,
    %mul3A_2164 = arith.constant 128 : i32
    %mul3A_2165 = arith.muli %add3A, %mul3A_2164 : i32
    "tpu.region"() ({
      %run_scoped3A = tpu.sem_alloc : memref<!tpu.dma_semaphore, #tpu.memory_space<semaphore_mem>>
      %dma_start3A_2166 = tpu.memref_slice %arg6[%mul3A_2165] : memref<4096xf32, #tpu.memory_space<hbm>> -> memref<128xf32, #tpu.memory_space<hbm>>
      %dma_start3A_2167 = tpu.memref_slice %arg6[%mul3A_2165] : memref<4096xf32, #tpu.memory_space<hbm>> -> memref<128xf32, #tpu.memory_space<hbm>>
      tpu.enqueue_dma source(%arg10 : memref<128xf32, #tpu.memory_space<vmem>>) target(%dma_start3A_2167 : memref<128xf32, #tpu.memory_space<hbm>>) target_semaphore(%run_scoped3A : memref<!tpu.dma_semaphore, #tpu.memory_space<semaphore_mem>>)
      %dma_wait3A_2168 = tpu.memref_slice %arg6[%mul3A_2165] : memref<4096xf32, #tpu.memory_space<hbm>> -> memref<128xf32, #tpu.memory_space<hbm>>
      %dma_wait3A_2169 = tpu.memref_slice %arg6[%mul3A_2165] : memref<4096xf32, #tpu.memory_space<hbm>> -> memref<128xf32, #tpu.memory_space<hbm>>
      tpu.wait_dma2 semaphore(%run_scoped3A : memref<!tpu.dma_semaphore, #tpu.memory_space<semaphore_mem>>) src(%arg10 : memref<128xf32, #tpu.memory_space<vmem>>) dst(%dma_wait3A_2169 : memref<128xf32, #tpu.memory_space<hbm>>)
      tpu.yield
    }) : () -> ()
    return
  }
}

</mosaic_0001>

<sc_bundles>
// kernel: _sc_gather.3.cloned.1.call-start
scs
__scs_entry_jumppad:
0x0: {  	(pc) =	sbr.rel $0x88, $3  }
0x1: {  	(tag) =	ssettag $0x0;
	lr =	simm.s32 $0x1  }
0x2: {  	[smem:$0x3F9E] =	sst lr;
	_ =	strace $0xD0000000  }
0x3: {  	_ = 	snop  }
0x4: {  	_ = 	snop  }
0x5: {  	_ = 	snop  }
0x6: {  	_ = 	snop  }
0x7: {  	_ = 	snop  }
__scs_overlays_trampoline_lowered:
0x8: {  	[smem:$0x3FAD] =	sst s0  }
0x9: {  	[smem:$0x3FAE] =	sst s1  }
0xa: {  	[smem:$0x3FAF] =	sst s2  }
0xb: {  	[smem:$0x3FB0] =	sst s3  }
0xc: {  	[smem:$0x3FB1] =	sst s4  }
0xd: {  	[smem:$0x3FB2] =	sst s5  }
0xe: {  	[smem:$0x3FB3] =	sst s6  }
0xf: {  	[smem:$0x3FB4] =	sst s7  }
0x10: {  	[smem:$0x3FB5] =	sst s8  }
0x11: {  	[smem:$0x3FB6] =	sst s9;
	s0 =	simm.s32 @!p0 $0x0  }
0x12: {  	s1 =	sld [smem:$0x3F9C];
	s0 =	simm.s32 @p0 $0x1  }
0x13: {  	[smem:$0x3FB7] =	sst s0;
	s0 =	simm.s32 @!p1 $0x0  }
0x14: {  	s2 =	sld [smem:$0x3F9B];
	s0 =	simm.s32 @p1 $0x1  }
0x15: {  	[smem:$0x3FB8] =	sst s0;
	s0 =	simm.s32 @!p2 $0x0  }
0x16: {  	s3 =	sld [smem:$0x3FDB];
	s0 =	simm.s32 @p2 $0x1  }
0x17: {  	s4 =	simm.s32 $0x1BF5;
	[smem:$0x3FBA] =	sst s0  }
0x18: {  	s0 =	sld [smem:$0x3F9D];
	_ =	swait.ge [sflag:s4], $0x0  }
0x19: {  	s7 =	sld [smem:$0x3F9E]  }
0x1a: {  	s8 =	sadd.s32 $0xFFFFE003, lr  }
0x1b: {  	s9 =	sadd.s32 $0xFFFFFEF7, lr;
	s5 =	simm.s32 $0xFFFFFFFF;
	p2 =	slt.u32 s8, $0xFFFFF086  }
0x1c: {  	p1 =	slt.u32 s9, $0xF7A;
	s5 =	simm.s32 @!p2 $0x0  }
0x1d: {  	s5 =	simm.s32 @p1 $0x1;
	p0 =	seq.s32 s7, s2  }
0x1e: {  	s7 =	smul.u32 @!p0 $0xF7A, s2;
	p2 =	seq.s32 @!p0 s5, $0x0  }
0x1f: {  	s9 =	smul.u32 $0xF7A, s1;
	s8 =	simm.s32 @!p0 $0x1BF5;
	p2 =	por !p2, p0  }
0x20: {  	[sflag:s8] =	ssyncset.s32 @!p0 $0xFFFFF086;
	s6 =	sadd.s32 @!p0 s3, s7;
	s7 =	simm.s32 @!p0 $0x108  }
0x21: {  	s3 =	sadd.s32 s3, s9;
	s6 =	sadd.s32 @!p0 $0x88, s6;
	s7 =	simm.s32 @p2 $0x1082  }
0x22: {  	[simem:s7], [sflag:s8] =	dma.local @!p0 [hbm:s6], $0xF7A  }
0x23: {  	s9 =	sor.u32 $0xD0000000, s2;
	s6 =	simm.s32 $0x108;
	_ =	swait.ge @!p0 [sflag:s8], $0x0  }
0x24: {  	s3 =	sadd.s32 $0x88, s3;
	s6 =	simm.s32 @!p1 $0x1082;
	[sflag:s4] =	ssyncset.s32 $0xFFFFF086  }
0x25: {  	[simem:s6], [sflag:s4] =	dma.local [hbm:s3], $0xF7A  }
0x26: {  	[smem:$0x3F9E] =	sst s1;
	(tag) =	ssettag s2;
	_ =	strace s9  }
0x27: {  	s1 =	sld [smem:$0x3FAE]  }
0x28: {  	s2 =	sld [smem:$0x3FAF]  }
0x29: {  	s4 =	sld [smem:$0x3FB1]  }
0x2a: {  	p0 =	seq.s32 s5, $0x0;
	s5 =	sld [smem:$0x3FB2]  }
0x2b: {  	s6 =	sld [smem:$0x3FB3]  }
0x2c: {  	s7 =	sld [smem:$0x3FB4]  }
0x2d: {  	s3 =	simm.s32 $0x108;
	s8 =	sld [smem:$0x3FB5]  }
0x2e: {  	s3 =	simm.s32 @!p0 $0x1082;
	s9 =	sld [smem:$0x3FB6]  }
0x2f: {  	lr =	sadd.s32 s0, s3;
	s0 =	sld [smem:$0x3FAD]  }
0x30: {  	s3 =	sld [smem:$0x3FB0]  }
0x31: {  	[smem:$0x3FB9] =	sst s10  }
0x32: {  	s10 =	sld [smem:$0x3FB7];
	_ =	sdelay $0x3  }
0x33: {  	p0 =	seq.s32 s10, $0x1;
	s10 =	sld [smem:$0x3FB9];
	_ =	sdelay $0x3  }
0x34: {  	[smem:$0x3FB9] =	sst s10  }
0x35: {  	s10 =	sld [smem:$0x3FB8];
	_ =	sdelay $0x3  }
0x36: {  	p1 =	seq.s32 s10, $0x1;
	s10 =	sld [smem:$0x3FB9];
	_ =	sdelay $0x3  }
0x37: {  	[smem:$0x3FB9] =	sst s10  }
0x38: {  	s10 =	sld [smem:$0x3FBA]  }
0x39: {  	_ = 	snop;
	(pc) =	sbr.ind lr, $3  }
0x3a: {  	_ = 	snop  }
0x3b: {  	_ = 	snop  }
0x3c: {  	p2 =	seq.s32 s10, $0x1;
	s10 =	sld [smem:$0x3FB9]  }
0x3d: {  	_ =	shalt  }
0x3e: {  	_ =	shalt  }
0x3f: {  	_ =	shalt  }
0x40: {  	_ =	shalt  }
0x41: {  	_ =	shalt  }
0x42: {  	_ =	shalt  }
0x43: {  	_ =	shalt  }
0x44: {  	_ =	shalt  }
0x45: {  	_ =	shalt  }
0x46: {  	_ =	shalt  }
0x47: {  	_ =	shalt  }
0x48: {  	_ =	shalt  }
0x49: {  	_ =	shalt  }
0x4a: {  	_ =	shalt  }
0x4b: {  	_ =	shalt  }
0x4c: {  	_ =	shalt  }
0x4d: {  	_ =	shalt  }
0x4e: {  	_ =	shalt  }
0x4f: {  	_ =	shalt  }
0x50: {  	_ =	shalt  }
0x51: {  	_ =	shalt  }
0x52: {  	_ =	shalt  }
0x53: {  	_ =	shalt  }
0x54: {  	_ =	shalt  }
0x55: {  	_ =	shalt  }
0x56: {  	_ =	shalt  }
0x57: {  	_ =	shalt  }
0x58: {  	_ =	shalt  }
0x59: {  	_ =	shalt  }
0x5a: {  	_ =	shalt  }
0x5b: {  	_ =	shalt  }
0x5c: {  	_ =	shalt  }
0x5d: {  	_ =	shalt  }
0x5e: {  	_ =	shalt  }
0x5f: {  	_ =	shalt  }
0x60: {  	_ =	shalt  }
0x61: {  	_ =	shalt  }
0x62: {  	_ =	shalt  }
0x63: {  	_ =	shalt  }
0x64: {  	_ =	shalt  }
0x65: {  	_ =	shalt  }
0x66: {  	_ =	shalt  }
0x67: {  	_ =	shalt  }
0x68: {  	_ =	shalt  }
0x69: {  	_ =	shalt  }
0x6a: {  	_ =	shalt  }
0x6b: {  	_ =	shalt  }
0x6c: {  	_ =	shalt  }
0x6d: {  	_ =	shalt  }
0x6e: {  	_ =	shalt  }
0x6f: {  	_ =	shalt  }
0x70: {  	_ =	shalt  }
0x71: {  	_ =	shalt  }
0x72: {  	_ =	shalt  }
0x73: {  	_ =	shalt  }
0x74: {  	_ =	shalt  }
0x75: {  	_ =	shalt  }
0x76: {  	_ =	shalt  }
0x77: {  	_ =	shalt  }
0x78: {  	_ =	shalt  }
0x79: {  	_ =	shalt  }
0x7a: {  	_ =	shalt  }
0x7b: {  	_ =	shalt  }
0x7c: {  	_ =	shalt  }
0x7d: {  	_ =	shalt  }
0x7e: {  	_ =	shalt  }
0x7f: {  	_ =	shalt  }
0x80: {  	_ =	shalt  }
0x81: {  	_ =	shalt  }
0x82: {  	_ =	shalt  }
0x83: {  	_ =	shalt  }
0x84: {  	_ =	shalt  }
0x85: {  	_ =	shalt  }
0x86: {  	_ =	shalt  }
0x87: {  	_ =	shalt  }
.Lfunc_end0:
.L_simem_size_0:
called_computation_lowered:
.L_overlay_start_0:
0x88: {  	s2 =	sld [smem:$0x3FD9]  }
0x89: {  	s3 =	sld [smem:$0x3FFE];
	_ =	sdelay $0x1  }
0x8a: {  	s1 =	srdreg.scid  }
0x8b: {  	s0 =	sand.u32 $0x1, s1  }
0x8c: {  	s14 =	sshll.u32 s0, $0xA;
	s2 =	sadd.s32 s3, s2  }
0x8d: {  	s2 =	sadd.s32 s2, s14  }
0x8e: {  	[smem:$0x3FC5] =	sst s2  }
0x8f: {  	_ = 	snop  }
0x90: {  	s2 =	sld [smem:$0x3FD0];
	_ =	sdelay $0x2  }
0x91: {  	s4 =	simm.s32 $0xA;
	s5 =	simm.s32 $0x10;
	s15 =	sld [smem:$0x3FC7]  }
0x92: {  	[smem:s5], [sflag:s4] =	dma.local [hbm:s2], $0x1  }
0x93: {  	_ =	swait.eq [sflag:s4], $0x1  }
0x94: {  	[sflag:s4] =	ssyncset.done $0x0  }
0x95: {  	s16 =	sld [smem:$0x10];
	[sflag:s4] =	ssyncadd.s32 $0xFFFFFFFF  }
0x96: {  	s17 =	sld [smem:$0x11];
	(tm) =	ssettm $0x1  }
0x97: {  	s18 =	sld [smem:$0x3FFB];
	_ =	sdelay $0x3  }
0x98: {  	_ =	strace s18  }
0x99: {  	s5 =	sld [smem:$0x3FFC];
	_ =	sdelay $0x3  }
0x9a: {  	_ =	strace s5  }
0x9b: {  	s5 =	sld [smem:$0x3FFD];
	_ =	sdelay $0x3  }
0x9c: {  	_ =	strace s5  }
0x9d: {  	_ =	strace $0x8FFFFFFF  }
0x9e: {  	s19 =	sld [smem:$0x3FDB];
	_ =	sdelay $0x1  }
0x9f: {  	s6 =	simm.s32 $_scs_section_size  }
0xa0: {  	s7 =	simm.s32 $_size__tile_overlayer_lowered;
	s8 =	simm.s32 $_tile_overlayer_lowered  }
0xa1: {  	s22 =	simm.s32 $0x1BFF;
	s21 =	sshll.u32 s8, $0x1;
	s5 =	sadd.s32 s6, s19  }
0xa2: {  	s9 =	simm.s32 $0x0;
	s20 =	sshll.u32 s7, $0x1;
	s7 =	sadd.s32 s21, s5  }
0xa3: {  	[timem:s9], [sflag:s22] =	dma.local [hbm:s7], s20  }
0xa4: {  	_ =	swait.ge [sflag:s22], s20  }
0xa5: {  	s6 =	ssub.s32 $0x0, s20;
	[sflag:s22] =	ssyncset.done $0x0  }
0xa6: {  	[sflag:s22] =	ssyncadd.s32 s6;
	_ =	sdelay $0x1  }
0xa7: {  	s23 =	simm.s32 $0x1B8B  }
0xa8: {  	_ =	swait.ge [sflag:s23], $0x1  }
0xa9: {  	[sflag:s23] =	ssyncset.done $0x0  }
0xaa: {  	s25 =	simm.s32 $0x1B8E;
	s24 =	sld [smem:$0x3FFE];
	[sflag:s23] =	ssyncadd.s32 $0xFFFFFFFF  }
0xab: {  	s26 =	simm.s32 $execute0_lowered;
	[smem:$0x3FD2] =	sst s25  }
0xac: {  	s7 =	sshll.u32 s26, $0x1;
	_ =	strace $0x80000046;
	[dreg:$0x1] =	wrdreg $0xFFFFFFFF  }
0xad: {  	s28 =	simm.s32 $_size_execute0_lowered;
	s5 =	sadd.s32 s5, s7;
	[dreg:$0x0] =	wrdreg $0x0  }
0xae: {  	s7 =	sshll.u32 s28, $0x1;
	[dreg:$0x2] =	wrdreg s5  }
0xaf: {  	[dreg:$0x3] =	wrdreg s7  }
0xb0: {  	[dreg:$0x4] =	wrdreg $0xC0  }
0xb1: {  	_ =	task [dreg:s9], $0x5FFFF  }
0xb2: {  	[dreg:$0x1] =	wrdreg $0xFFFFFFFF  }
0xb3: {  	[dreg:$0x0] =	wrdreg $0x60  }
0xb4: {  	[dreg:$0x2] =	wrdreg s24  }
0xb5: {  	[dreg:$0x3] =	wrdreg s15  }
0xb6: {  	[dreg:$0x4] =	wrdreg s16  }
0xb7: {  	[dreg:$0x5] =	wrdreg s17  }
0xb8: {  	[dreg:$0x6] =	wrdreg $0x9  }
0xb9: {  	_ =	task.clear_ibuf [dreg:s9], $0x7FFFF;
	_ =	strace $0x90000046  }
0xba: {  	s29 =	simm.s32 $0x9;
	_ =	strace $0x80000048  }
0xbb: {  	_ =	swait.ge [sflag:s29], $0x1  }
0xbc: {  	[sflag:s29] =	ssyncadd.s32 $0xFFFFFFFF  }
0xbd: {  	_ =	strace $0x90000048  }
0xbe: {  	_ =	sfence  }
0xbf: {  	s30 =	sld [smem:$0x0];
	_ =	sdelay $0x2  }
0xc0: {  	s31 =	sshll.u32 s1, $0xD;
	s1 =	sshrl.u32 s1, $0x2  }
0xc1: {  	s3 =	sand.u32 $0x4000, s31;
	s1 =	sadd.s32 s1, s30  }
0xc2: {  	s0 =	sor.u32 s3, s0;
	s1 =	sshll.u32 s1, $0x11  }
0xc3: {  	s0 =	sor.u32 s1, s0  }
0xc4: {  	s0 =	sadd.s32 $0x8F2B, s0  }
0xc5: {  	[sflag:s0] =	ssyncadd.remote.s32 $0x1  }
0xc6: {  	_ =	sfence.sel $0xFFFF  }
0xc7: {  	[dreg:$0x0] =	wrdreg $0xFFFFFFFF;
	(pc) =	sbr.abs _section_cstart, $3  }
0xc8: {  	[dreg:$0x1] =	wrdreg $0xFFFFFFFF  }
0xc9: {  	_ =	task.clear_ibuf [dreg:s9], $0x2FFFF;
	_ =	strace $0x9FFFFFFF  }
0xca: {  	(tm) =	ssettm $0x7FFFFFFF  }
0xcb: {  	_ =	shalt  }
tec
execute0_lowered:
.L_overlay_start_1:
0x0: {  	(tag) =	ssettag $0x1  }
0x1: {  	s0 =	rddreg [dreg:$0x0]  }
0x2: {  	s4 =	rddreg [dreg:$0x2]  }
0x3: {  	s6 =	rddreg [dreg:$0x3];
	s30 =	simm.s32 $0x0  }
0x4: {  	s5 =	simm.s32 $0xDE00;
	[smem:$0x7FF] =	sst s30  }
0x5: {  	s10 =	simm.s32 $0xE000;
	_ =	strace $0x80000047;
	[dreg:$0xa] =	wrdreg s5  }
0x6: {  	s11 =	simm.s32 $0xE080;
	[dreg:$0xe] =	wrdreg s10  }
0x7: {  	s12 =	simm.s32 $0xE100;
	[dreg:$0xf] =	wrdreg s11  }
0x8: {  	s13 =	simm.s32 $0xE180;
	[dreg:$0x10] =	wrdreg s12  }
0x9: {  	s14 =	simm.s32 $0xE200;
	[dreg:$0x11] =	wrdreg s13  }
0xa: {  	s15 =	simm.s32 $0xE280;
	[dreg:$0x12] =	wrdreg s14  }
0xb: {  	s16 =	simm.s32 $0xE300;
	[dreg:$0x13] =	wrdreg s15  }
0xc: {  	s17 =	simm.s32 $0xE380;
	[dreg:$0x14] =	wrdreg s16  }
0xd: {  	s18 =	simm.s32 $0xE400;
	[dreg:$0x15] =	wrdreg s17  }
0xe: {  	s19 =	simm.s32 $0xE480;
	[dreg:$0x16] =	wrdreg s18  }
0xf: {  	v0 =	vlaneseq.u32;
	s20 =	simm.s32 $0xE500;
	[dreg:$0x17] =	wrdreg s19  }
0x10: {  	s21 =	simm.s32 $0xE580;
	v0 =	vmul.u32 $0x1A, v0;
	[dreg:$0x18] =	wrdreg s20  }
0x11: {  	s22 =	simm.s32 $0xE600;
	[dreg:$0x19] =	wrdreg s21  }
0x12: {  	s23 =	simm.s32 $0xE680;
	[dreg:$0x1a] =	wrdreg s22;
	v1 =	vor.u32 $0x1, v0;
	v7 =	vadd.s32 $0x7, v0;
	v8 =	vadd.s32 $0x8, v0  }
0x13: {  	s2 =	srdreg.scid;
	s24 =	simm.s32 $0xE700;
	[dreg:$0x1b] =	wrdreg s23;
	v9 =	vadd.s32 $0x9, v0;
	v10 =	vadd.s32 $0xA, v0;
	v11 =	vadd.s32 $0xB, v0  }
0x14: {  	s3 =	stileid.u32;
	s25 =	simm.s32 $0xE780;
	[dreg:$0x1c] =	wrdreg s24;
	v12 =	vadd.s32 $0xC, v0;
	v13 =	vadd.s32 $0xD, v0;
	v14 =	vadd.s32 $0xE, v0  }
0x15: {  	s26 =	simm.s32 $0xE800;
	s28 =	simm.s32 $0xE880;
	[dreg:$0x1d] =	wrdreg s25;
	v15 =	vadd.s32 $0xF, v0;
	v16 =	vadd.s32 $0x10, v0;
	v17 =	vadd.s32 $0x11, v0  }
0x16: {  	s29 =	simm.s32 $0xE900;
	s2 =	sand.u32 $0x1, s2;
	[dreg:$0x1e] =	wrdreg s26;
	v18 =	vadd.s32 $0x12, v0;
	v19 =	vadd.s32 $0x13, v0;
	v20 =	vadd.s32 $0x14, v0  }
0x17: {  	s3 =	sshll.u32 s3, $0x1;
	s30 =	simm.s32 $0xE980;
	[dreg:$0x1f] =	wrdreg s28;
	v21 =	vadd.s32 $0x15, v0;
	v22 =	vadd.s32 $0x16, v0;
	v23 =	vadd.s32 $0x17, v0  }
0x18: {  	s1 =	sor.u32 s2, s3;
	s3 =	simm.s32 $0xDD80;
	[smem:$0x7FB] =	sst s29;
	v24 =	vadd.s32 $0x18, v0;
	v25 =	vadd.s32 $0x19, v0;
	v26 =	vadd.s32 $0x1A0, v0  }
0x19: {  	s2 =	ssub.s32 $0x2, s2;
	[smem:$0x7FC] =	sst s30;
	s22 =	simm.s32 $0x1;
	v27 =	vadd.s32 $0x1A1, v0;
	v28 =	vadd.s32 $0x1A2, v0;
	v29 =	vadd.s32 $0x1A3, v0  }
0x1a: {  	s23 =	simm.s32 $0x2;
	s18 =	simm.s32 $0x880;
	s19 =	simm.s32 $0x900;
	v30 =	vadd.s32 $0x1A4, v0;
	v31 =	vadd.s32 $0x1A5, v0;
	v32 =	vadd.s32 $0x1A6, v0  }
0x1b: {  	s20 =	simm.s32 $0x980;
	s21 =	simm.s32 $0xA00;
	s7 =	smul.u32 $0x1A0, s1;
	v33 =	vadd.s32 $0x1A7, v0;
	v34 =	vadd.s32 $0x1A8, v0;
	v35 =	vadd.s32 $0x1A9, v0  }
0x1c: {  	s16 =	simm.s32 $0xA80;
	s15 =	simm.s32 $0xB00;
	s8 =	smul.u32 $0x1A000, s1;
	v36 =	vadd.s32 $0x1AA, v0;
	v37 =	vadd.s32 $0x1AB, v0;
	v38 =	vadd.s32 $0x1AC, v0  }
0x1d: {  	s14 =	simm.s32 $0xB80;
	s9 =	smul.u32 $0x3400, s1;
	s1 =	sshll.u32 s1, $0x4;
	v39 =	vadd.s32 $0x1AD, v0;
	v40 =	vadd.s32 $0x1AE, v0;
	v41 =	vadd.s32 $0x1AF, v0  }
0x1e: {  	[dreg:$0x9] =	wrdreg s3;
	v42 =	vadd.s32 $0x1B0, v0;
	v43 =	vadd.s32 $0x1B1, v0;
	v44 =	vadd.s32 $0x1B2, v0;
	s1 =	sadd.s32 s6, s1;
	s6 =	simm.s32 $0xDE80  }
0x1f: {  	v45 =	vadd.s32 $0x1B3, v0;
	v46 =	vadd.s32 $0x1B4, v0;
	v47 =	vadd.s32 $0x1B5, v0;
	s7 =	sadd.s32 s7, s0;
	s8 =	sshrl.u32 s8, $0x3;
	[dreg:$0x8] =	wrdreg s1  }
0x20: {  	v48 =	vadd.s32 $0x1B6, v0;
	v49 =	vadd.s32 $0x1B7, v0;
	v50 =	vadd.s32 $0x1B8, v0;
	s31 =	sadd.s32 s4, s9;
	[dreg:$0xb] =	wrdreg s6;
	s9 =	simm.s32 $0xDF80  }
0x21: {  	v51 =	vadd.s32 $0x1B9, v0;
	v52 =	vadd.s32 $0x340, v0;
	[tilespmem:$0x1FFA0] =	vst v1;
	v1 =	vadd.s32 $0x2, v0;
	s7 =	sadd.s32 $0xA00, s7;
	s4 =	sadd.s32 s4, s8;
	[dreg:$0x6] =	wrdreg s31  }
0x22: {  	v53 =	vadd.s32 $0x341, v0;
	v54 =	vadd.s32 $0x342, v0;
	[tilespmem:$0x1FFB0] =	vst v1;
	v1 =	vadd.s32 $0x3, v0;
	s8 =	sshrl.u32 s2, $0x1;
	[dreg:$0xd] =	wrdreg s9;
	s31 =	simm.s32 $0xEA00  }
0x23: {  	v55 =	vadd.s32 $0x343, v0;
	v56 =	vadd.s32 $0x344, v0;
	[tilespmem:$0x1FFC0] =	vst v1;
	v1 =	vadd.s32 $0x4, v0;
	s9 =	simm.s32 $0xC00;
	[dreg:$0x5] =	wrdreg s7;
	s4 =	sadd.s32 $0x1A00, s4  }
0x24: {  	v57 =	vadd.s32 $0x345, v0;
	v58 =	vadd.s32 $0x346, v0;
	s7 =	simm.s32 $0xDF00;
	s2 =	ssub.s32 s2, s8;
	[tilespmem:$0x1FFD0] =	vst v1;
	v1 =	vadd.s32 $0x5, v0;
	[smem:$0x7FD] =	sst s31  }
0x25: {  	v59 =	vadd.s32 $0x347, v0;
	v60 =	vadd.s32 $0x348, v0;
	s8 =	simm.s32 $0xDD00;
	[dreg:$0x7] =	wrdreg s4;
	s4 =	sadd.s32 $0xF42E00, s0;
	[tilespmem:$0x1FFE0] =	vst v1;
	v1 =	vadd.s32 $0x6, v0  }
0x26: {  	v61 =	vadd.s32 $0x349, v0;
	v62 =	vadd.s32 $0x34A, v0;
	v63 =	vadd.s32 $0x34B, v0;
	[dreg:$0xc] =	wrdreg s7;
	s2 =	smax.u32 s2, $0x1;
	s7 =	simm.s32 $0x80;
	[tilespmem:$0x1FFF0] =	vst v1  }
.LBB2_1:
0x27: {  	s24 =	rddreg [dreg:$0x5];
	s1 =	simm.s32 $0x0;
	s0 =	simm.s32 $0x3  }
0x28: {  	[tilespmem:s1], [sflag:$0x3] =	stream.linear.gather [hbm4b:s24+s1], $0xD00, $0x38;
	[tilespmem:$0xEA80] =	vst v63  }
0x29: {  	_ =	swait.ge [sflag:s0], $0xD00  }
0x2a: {  	[sflag:s0] =	ssyncset.done $0x0  }
0x2b: {  	s29 =	rddreg [dreg:$0x9];
	[sflag:s0] =	ssyncadd.s32 $0xFFFFF300  }
0x2c: {  	s0 =	rddreg [dreg:$0x1]  }
0x2d: {  	[tilespmem:s8], [sflag:$0x2] =	stream.indirect.gather [hbm4b:s0+s7], $0x1, s1, s7, $0xb8;
	[tilespmem:$0xEA80] =	vst v63  }
0x2e: {  	s25 =	rddreg [dreg:$0xa]  }
0x2f: {  	[tilespmem:s29], [sflag:$0x2] =	stream.indirect.gather [hbm4b:s0+s7], $0x1, s7, s7, $0xb8;
	[tilespmem:$0xEA80] =	vst v63  }
0x30: {  	s26 =	simm.s32 $0x100;
	s30 =	rddreg [dreg:$0xb]  }
0x31: {  	[tilespmem:s25], [sflag:$0x2] =	stream.indirect.gather [hbm4b:s0+s7], $0x1, s26, s7, $0xb8;
	[tilespmem:$0xEA80] =	vst v63  }
0x32: {  	s28 =	simm.s32 $0x180;
	s31 =	rddreg [dreg:$0xc]  }
0x33: {  	[tilespmem:s30], [sflag:$0x2] =	stream.indirect.gather [hbm4b:s0+s7], $0x1, s28, s7, $0xb8;
	[tilespmem:$0xEA80] =	vst v63  }
0x34: {  	s3 =	rddreg [dreg:$0xe];
	s29 =	simm.s32 $0x200  }
0x35: {  	[tilespmem:s31], [sflag:$0x2] =	stream.indirect.gather [hbm4b:s0+s7], $0x1, s29, s7, $0xb8;
	[tilespmem:$0xEA80] =	vst v63  }
0x36: {  	s1 =	rddreg [dreg:$0xd];
	s30 =	simm.s32 $0x280  }
0x37: {  	[tilespmem:s1], [sflag:$0x2] =	stream.indirect.gather [hbm4b:s0+s7], $0x1, s30, s7, $0xb8;
	[tilespmem:$0xEA80] =	vst v63  }
0x38: {  	s6 =	rddreg [dreg:$0xf];
	s31 =	simm.s32 $0x300  }
0x39: {  	[tilespmem:s3], [sflag:$0x2] =	stream.indirect.gather [hbm4b:s0+s7], $0x1, s31, s7, $0xb8;
	[tilespmem:$0xEA80] =	vst v63  }
0x3a: {  	s10 =	rddreg [dreg:$0x10];
	s3 =	simm.s32 $0x380  }
0x3b: {  	[tilespmem:s6], [sflag:$0x2] =	stream.indirect.gather [hbm4b:s0+s7], $0x1, s3, s7, $0xb8;
	[tilespmem:$0xEA80] =	vst v63  }
0x3c: {  	s11 =	rddreg [dreg:$0x11];
	s1 =	simm.s32 $0x400  }
0x3d: {  	[tilespmem:s10], [sflag:$0x2] =	stream.indirect.gather [hbm4b:s0+s7], $0x1, s1, s7, $0xb8;
	[tilespmem:$0xEA80] =	vst v63  }
0x3e: {  	s12 =	rddreg [dreg:$0x12];
	s10 =	simm.s32 $0x480  }
0x3f: {  	[tilespmem:s11], [sflag:$0x2] =	stream.indirect.gather [hbm4b:s0+s7], $0x1, s10, s7, $0xb8;
	[tilespmem:$0xEA80] =	vst v63  }
0x40: {  	s13 =	rddreg [dreg:$0x13];
	s11 =	simm.s32 $0x500  }
0x41: {  	[tilespmem:s12], [sflag:$0x2] =	stream.indirect.gather [hbm4b:s0+s7], $0x1, s11, s7, $0xb8;
	[tilespmem:$0xEA80] =	vst v63  }
0x42: {  	s24 =	rddreg [dreg:$0x15];
	s12 =	simm.s32 $0x580  }
0x43: {  	[tilespmem:s13], [sflag:$0x2] =	stream.indirect.gather [hbm4b:s0+s7], $0x1, s12, s7, $0xb8;
	[tilespmem:$0xEA80] =	vst v63  }
0x44: {  	s6 =	rddreg [dreg:$0x14];
	s13 =	simm.s32 $0x600  }
0x45: {  	[tilespmem:s6], [sflag:$0x2] =	stream.indirect.gather [hbm4b:s0+s7], $0x1, s13, s7, $0xb8;
	[tilespmem:$0xEA80] =	vst v63  }
0x46: {  	s25 =	rddreg [dreg:$0x16];
	s6 =	simm.s32 $0x680  }
0x47: {  	[tilespmem:s24], [sflag:$0x2] =	stream.indirect.gather [hbm4b:s0+s7], $0x1, s6, s7, $0xb8;
	[tilespmem:$0xEA80] =	vst v63  }
0x48: {  	s24 =	rddreg [dreg:$0x17];
	s6 =	simm.s32 $0x700  }
0x49: {  	[tilespmem:s25], [sflag:$0x2] =	stream.indirect.gather [hbm4b:s0+s7], $0x1, s6, s7, $0xb8;
	[tilespmem:$0xEA80] =	vst v63  }
0x4a: {  	s25 =	rddreg [dreg:$0x18];
	s6 =	simm.s32 $0x780  }
0x4b: {  	[tilespmem:s24], [sflag:$0x2] =	stream.indirect.gather [hbm4b:s0+s7], $0x1, s6, s7, $0xb8;
	[tilespmem:$0xEA80] =	vst v63  }
0x4c: {  	s24 =	rddreg [dreg:$0x19];
	s6 =	simm.s32 $0x800  }
0x4d: {  	[tilespmem:s25], [sflag:$0x2] =	stream.indirect.gather [hbm4b:s0+s7], $0x1, s6, s7, $0xb8;
	[tilespmem:$0xEA80] =	vst v63  }
0x4e: {  	s25 =	rddreg [dreg:$0x1a]  }
0x4f: {  	[tilespmem:s24], [sflag:$0x2] =	stream.indirect.gather [hbm4b:s0+s7], $0x1, s18, s7, $0xb8;
	[tilespmem:$0xEA80] =	vst v63  }
0x50: {  	s6 =	rddreg [dreg:$0x1b]  }
0x51: {  	[tilespmem:s25], [sflag:$0x2] =	stream.indirect.gather [hbm4b:s0+s7], $0x1, s19, s7, $0xb8;
	[tilespmem:$0xEA80] =	vst v63  }
0x52: {  	s25 =	rddreg [dreg:$0x1c]  }
0x53: {  	[tilespmem:s6], [sflag:$0x2] =	stream.indirect.gather [hbm4b:s0+s7], $0x1, s20, s7, $0xb8;
	[tilespmem:$0xEA80] =	vst v63  }
0x54: {  	s6 =	rddreg [dreg:$0x1d]  }
0x55: {  	[tilespmem:s25], [sflag:$0x2] =	stream.indirect.gather [hbm4b:s0+s7], $0x1, s21, s7, $0xb8;
	[tilespmem:$0xEA80] =	vst v63  }
0x56: {  	s25 =	rddreg [dreg:$0x1e]  }
0x57: {  	[tilespmem:s6], [sflag:$0x2] =	stream.indirect.gather [hbm4b:s0+s7], $0x1, s16, s7, $0xb8;
	[tilespmem:$0xEA80] =	vst v63  }
0x58: {  	s6 =	rddreg [dreg:$0x1f]  }
0x59: {  	[tilespmem:s25], [sflag:$0x2] =	stream.indirect.gather [hbm4b:s0+s7], $0x1, s15, s7, $0xb8;
	[tilespmem:$0xEA80] =	vst v63  }
0x5a: {  	s25 =	sld [smem:$0x7FB]  }
0x5b: {  	[tilespmem:s6], [sflag:$0x2] =	stream.indirect.gather [hbm4b:s0+s7], $0x1, s14, s7, $0xb8;
	[tilespmem:$0xEA80] =	vst v63  }
0x5c: {  	s6 =	sld [smem:$0x7FC]  }
0x5d: {  	[tilespmem:s25], [sflag:$0x2] =	stream.indirect.gather [hbm4b:s0+s7], $0x1, s9, s7, $0xb8;
	[tilespmem:$0xEA80] =	vst v63  }
0x5e: {  	s25 =	simm.s32 $0xC80  }
0x5f: {  	[tilespmem:s6], [sflag:$0x2] =	stream.indirect.gather [hbm4b:s0+s7], $0x1, s25, s7, $0xb8;
	[tilespmem:$0xEA80] =	vst v63  }
0x60: {  	s5 =	simm.s32 $0x0;
	s0 =	simm.s32 $0xD00  }
0x61: {  	[tilespmem:s0], [sflag:$0x1] =	stream.indirect.gather [hbm4b:s4+s7], $0x20, s5, s7, $0xb8;
	[tilespmem:$0xEA80] =	vst v63  }
0x62: {  	s6 =	simm.s32 $0x1D00  }
0x63: {  	[tilespmem:s6], [sflag:$0x1] =	stream.indirect.gather [hbm4b:s4+s7], $0x20, s7, s7, $0xb8;
	[tilespmem:$0xEA80] =	vst v63  }
0x64: {  	s5 =	simm.s32 $0x2D00  }
0x65: {  	[tilespmem:s5], [sflag:$0x1] =	stream.indirect.gather [hbm4b:s4+s7], $0x20, s26, s7, $0xb8;
	[tilespmem:$0xEA80] =	vst v63  }
0x66: {  	s26 =	simm.s32 $0x3D00  }
0x67: {  	[tilespmem:s26], [sflag:$0x1] =	stream.indirect.gather [hbm4b:s4+s7], $0x20, s28, s7, $0xb8;
	[tilespmem:$0xEA80] =	vst v63  }
0x68: {  	s28 =	simm.s32 $0x4D00  }
0x69: {  	[tilespmem:s28], [sflag:$0x1] =	stream.indirect.gather [hbm4b:s4+s7], $0x20, s29, s7, $0xb8;
	[tilespmem:$0xEA80] =	vst v63  }
0x6a: {  	s29 =	simm.s32 $0x5D00  }
0x6b: {  	[tilespmem:s29], [sflag:$0x1] =	stream.indirect.gather [hbm4b:s4+s7], $0x20, s30, s7, $0xb8;
	[tilespmem:$0xEA80] =	vst v63  }
0x6c: {  	s30 =	simm.s32 $0x6D00  }
0x6d: {  	[tilespmem:s30], [sflag:$0x1] =	stream.indirect.gather [hbm4b:s4+s7], $0x20, s31, s7, $0xb8;
	[tilespmem:$0xEA80] =	vst v63  }
0x6e: {  	s31 =	simm.s32 $0x7D00  }
0x6f: {  	[tilespmem:s31], [sflag:$0x1] =	stream.indirect.gather [hbm4b:s4+s7], $0x20, s3, s7, $0xb8;
	[tilespmem:$0xEA80] =	vst v63  }
0x70: {  	s3 =	simm.s32 $0x8D00  }
0x71: {  	[tilespmem:s3], [sflag:$0x1] =	stream.indirect.gather [hbm4b:s4+s7], $0x20, s1, s7, $0xb8;
	[tilespmem:$0xEA80] =	vst v63  }
0x72: {  	s1 =	simm.s32 $0x9D00  }
0x73: {  	[tilespmem:s1], [sflag:$0x1] =	stream.indirect.gather [hbm4b:s4+s7], $0x20, s10, s7, $0xb8;
	[tilespmem:$0xEA80] =	vst v63  }
0x74: {  	s10 =	simm.s32 $0xAD00  }
0x75: {  	[tilespmem:s10], [sflag:$0x1] =	stream.indirect.gather [hbm4b:s4+s7], $0x20, s11, s7, $0xb8;
	[tilespmem:$0xEA80] =	vst v63  }
0x76: {  	s11 =	simm.s32 $0xBD00  }
0x77: {  	[tilespmem:s11], [sflag:$0x1] =	stream.indirect.gather [hbm4b:s4+s7], $0x20, s12, s7, $0xb8;
	[tilespmem:$0xEA80] =	vst v63  }
0x78: {  	s12 =	simm.s32 $0xCD00  }
0x79: {  	[tilespmem:s12], [sflag:$0x1] =	stream.indirect.gather [hbm4b:s4+s7], $0x20, s13, s7, $0xb8;
	[tilespmem:$0xEA80] =	vst v63  }
0x7a: {  	_ =	swait.ge [sflag:s22], $0x1000  }
0x7b: {  	[sflag:s22] =	ssyncset.done $0x0  }
0x7c: {  	[sflag:s22] =	ssyncadd.s32 $0xFFFFF000  }
0x7d: {  	_ =	swait.ge [sflag:s22], $0x1000  }
0x7e: {  	[sflag:s22] =	ssyncset.done $0x0  }
0x7f: {  	[sflag:s22] =	ssyncadd.s32 $0xFFFFF000  }
0x80: {  	_ =	swait.ge [sflag:s22], $0x1000  }
0x81: {  	[sflag:s22] =	ssyncset.done $0x0  }
0x82: {  	[sflag:s22] =	ssyncadd.s32 $0xFFFFF000  }
0x83: {  	_ =	swait.ge [sflag:s22], $0x1000  }
0x84: {  	[sflag:s22] =	ssyncset.done $0x0  }
0x85: {  	[sflag:s22] =	ssyncadd.s32 $0xFFFFF000  }
0x86: {  	_ =	swait.ge [sflag:s22], $0x1000  }
0x87: {  	[sflag:s22] =	ssyncset.done $0x0  }
0x88: {  	[sflag:s22] =	ssyncadd.s32 $0xFFFFF000  }
0x89: {  	_ =	swait.ge [sflag:s22], $0x1000  }
0x8a: {  	[sflag:s22] =	ssyncset.done $0x0  }
0x8b: {  	[sflag:s22] =	ssyncadd.s32 $0xFFFFF000  }
0x8c: {  	_ =	swait.ge [sflag:s22], $0x1000  }
0x8d: {  	[sflag:s22] =	ssyncset.done $0x0  }
0x8e: {  	[sflag:s22] =	ssyncadd.s32 $0xFFFFF000  }
0x8f: {  	_ =	swait.ge [sflag:s22], $0x1000  }
0x90: {  	[sflag:s22] =	ssyncset.done $0x0  }
0x91: {  	[sflag:s22] =	ssyncadd.s32 $0xFFFFF000  }
0x92: {  	_ =	swait.ge [sflag:s22], $0x1000  }
0x93: {  	[sflag:s22] =	ssyncset.done $0x0  }
0x94: {  	[sflag:s22] =	ssyncadd.s32 $0xFFFFF000  }
0x95: {  	_ =	swait.ge [sflag:s22], $0x1000  }
0x96: {  	[sflag:s22] =	ssyncset.done $0x0  }
0x97: {  	[sflag:s22] =	ssyncadd.s32 $0xFFFFF000  }
0x98: {  	_ =	swait.ge [sflag:s22], $0x1000  }
0x99: {  	[sflag:s22] =	ssyncset.done $0x0  }
0x9a: {  	[sflag:s22] =	ssyncadd.s32 $0xFFFFF000  }
0x9b: {  	_ =	swait.ge [sflag:s22], $0x1000  }
0x9c: {  	[sflag:s22] =	ssyncset.done $0x0  }
0x9d: {  	[sflag:s22] =	ssyncadd.s32 $0xFFFFF000  }
0x9e: {  	_ =	swait.ge [sflag:s22], $0x1000  }
0x9f: {  	s17 =	simm.s32 $0x3;
	[sflag:s22] =	ssyncset.done $0x0  }
0xa0: {  	s13 =	simm.s32 $0x0;
	s24 =	rddreg [dreg:$0x6];
	[sflag:s22] =	ssyncadd.s32 $0xFFFFF000  }
0xa1: {  	[hbm4b:s24+s13] =	stream.linear.scatter [tilespmem:s0], [sflag:$0x3], $0xD000, $0x38;
	[tilespmem:$0xEA80] =	vst v63  }
0xa2: {  	_ =	swait.ge [sflag:s17], $0xD000  }
0xa3: {  	[sflag:s17] =	ssyncset.done $0x0  }
0xa4: {  	s24 =	simm.s32 $0x680;
	[sflag:s17] =	ssyncadd.s32 $0xFFFF3000  }
0xa5: {  	[tilespmem:s0], [sflag:$0x1] =	stream.indirect.gather [hbm4b:s4+s7], $0x20, s24, s7, $0xb8;
	[tilespmem:$0xEA80] =	vst v63  }
0xa6: {  	s24 =	simm.s32 $0x700  }
0xa7: {  	[tilespmem:s6], [sflag:$0x1] =	stream.indirect.gather [hbm4b:s4+s7], $0x20, s24, s7, $0xb8;
	[tilespmem:$0xEA80] =	vst v63  }
0xa8: {  	s17 =	simm.s32 $0x780  }
0xa9: {  	[tilespmem:s5], [sflag:$0x1] =	stream.indirect.gather [hbm4b:s4+s7], $0x20, s17, s7, $0xb8;
	[tilespmem:$0xEA80] =	vst v63  }
0xaa: {  	s24 =	simm.s32 $0x800  }
0xab: {  	[tilespmem:s26], [sflag:$0x1] =	stream.indirect.gather [hbm4b:s4+s7], $0x20, s24, s7, $0xb8;
	[tilespmem:$0xEA80] =	vst v63  }
0xac: {  	_ = 	snop  }
0xad: {  	[tilespmem:s28], [sflag:$0x1] =	stream.indirect.gather [hbm4b:s4+s7], $0x20, s18, s7, $0xb8;
	[tilespmem:$0xEA80] =	vst v63  }
0xae: {  	_ = 	snop  }
0xaf: {  	[tilespmem:s29], [sflag:$0x1] =	stream.indirect.gather [hbm4b:s4+s7], $0x20, s19, s7, $0xb8;
	[tilespmem:$0xEA80] =	vst v63  }
0xb0: {  	_ = 	snop  }
0xb1: {  	[tilespmem:s30], [sflag:$0x1] =	stream.indirect.gather [hbm4b:s4+s7], $0x20, s20, s7, $0xb8;
	[tilespmem:$0xEA80] =	vst v63  }
0xb2: {  	_ = 	snop  }
0xb3: {  	[tilespmem:s31], [sflag:$0x1] =	stream.indirect.gather [hbm4b:s4+s7], $0x20, s21, s7, $0xb8;
	[tilespmem:$0xEA80] =	vst v63  }
0xb4: {  	_ = 	snop  }
0xb5: {  	[tilespmem:s3], [sflag:$0x1] =	stream.indirect.gather [hbm4b:s4+s7], $0x20, s16, s7, $0xb8;
	[tilespmem:$0xEA80] =	vst v63  }
0xb6: {  	_ = 	snop  }
0xb7: {  	[tilespmem:s1], [sflag:$0x1] =	stream.indirect.gather [hbm4b:s4+s7], $0x20, s15, s7, $0xb8;
	[tilespmem:$0xEA80] =	vst v63  }
0xb8: {  	_ = 	snop  }
0xb9: {  	[tilespmem:s10], [sflag:$0x1] =	stream.indirect.gather [hbm4b:s4+s7], $0x20, s14, s7, $0xb8;
	[tilespmem:$0xEA80] =	vst v63  }
0xba: {  	_ = 	snop  }
0xbb: {  	[tilespmem:s11], [sflag:$0x1] =	stream.indirect.gather [hbm4b:s4+s7], $0x20, s9, s7, $0xb8;
	[tilespmem:$0xEA80] =	vst v63  }
0xbc: {  	_ = 	snop  }
0xbd: {  	[tilespmem:s12], [sflag:$0x1] =	stream.indirect.gather [hbm4b:s4+s7], $0x20, s25, s7, $0xb8;
	[tilespmem:$0xEA80] =	vst v63  }
0xbe: {  	_ =	swait.ge [sflag:s22], $0x1000  }
0xbf: {  	[sflag:s22] =	ssyncset.done $0x0  }
0xc0: {  	[sflag:s22] =	ssyncadd.s32 $0xFFFFF000  }
0xc1: {  	_ =	swait.ge [sflag:s22], $0x1000  }
0xc2: {  	[sflag:s22] =	ssyncset.done $0x0  }
0xc3: {  	[sflag:s22] =	ssyncadd.s32 $0xFFFFF000  }
0xc4: {  	_ =	swait.ge [sflag:s22], $0x1000  }
0xc5: {  	[sflag:s22] =	ssyncset.done $0x0  }
0xc6: {  	[sflag:s22] =	ssyncadd.s32 $0xFFFFF000  }
0xc7: {  	_ =	swait.ge [sflag:s22], $0x1000  }
0xc8: {  	[sflag:s22] =	ssyncset.done $0x0  }
0xc9: {  	[sflag:s22] =	ssyncadd.s32 $0xFFFFF000  }
0xca: {  	_ =	swait.ge [sflag:s22], $0x1000  }
0xcb: {  	[sflag:s22] =	ssyncset.done $0x0  }
0xcc: {  	[sflag:s22] =	ssyncadd.s32 $0xFFFFF000  }
0xcd: {  	_ =	swait.ge [sflag:s22], $0x1000  }
0xce: {  	[sflag:s22] =	ssyncset.done $0x0  }
0xcf: {  	[sflag:s22] =	ssyncadd.s32 $0xFFFFF000  }
0xd0: {  	_ =	swait.ge [sflag:s22], $0x1000  }
0xd1: {  	[sflag:s22] =	ssyncset.done $0x0  }
0xd2: {  	[sflag:s22] =	ssyncadd.s32 $0xFFFFF000  }
0xd3: {  	_ =	swait.ge [sflag:s22], $0x1000  }
0xd4: {  	[sflag:s22] =	ssyncset.done $0x0  }
0xd5: {  	[sflag:s22] =	ssyncadd.s32 $0xFFFFF000  }
0xd6: {  	_ =	swait.ge [sflag:s22], $0x1000  }
0xd7: {  	[sflag:s22] =	ssyncset.done $0x0  }
0xd8: {  	[sflag:s22] =	ssyncadd.s32 $0xFFFFF000  }
0xd9: {  	_ =	swait.ge [sflag:s22], $0x1000  }
0xda: {  	[sflag:s22] =	ssyncset.done $0x0  }
0xdb: {  	[sflag:s22] =	ssyncadd.s32 $0xFFFFF000  }
0xdc: {  	_ =	swait.ge [sflag:s22], $0x1000  }
0xdd: {  	[sflag:s22] =	ssyncset.done $0x0  }
0xde: {  	[sflag:s22] =	ssyncadd.s32 $0xFFFFF000  }
0xdf: {  	_ =	swait.ge [sflag:s22], $0x1000  }
0xe0: {  	[sflag:s22] =	ssyncset.done $0x0  }
0xe1: {  	[sflag:s22] =	ssyncadd.s32 $0xFFFFF000  }
0xe2: {  	_ =	swait.ge [sflag:s22], $0x1000  }
0xe3: {  	[sflag:s22] =	ssyncset.done $0x0  }
0xe4: {  	s28 =	simm.s32 $0x3;
	s25 =	rddreg [dreg:$0x7];
	[sflag:s22] =	ssyncadd.s32 $0xFFFFF000  }
0xe5: {  	[hbm4b:s25+s13] =	stream.linear.scatter [tilespmem:s0], [sflag:$0x3], $0xD000, $0x38;
	[tilespmem:$0xEA80] =	vst v63  }
0xe6: {  	_ =	swait.ge [sflag:s28], $0xD000  }
0xe7: {  	[sflag:s28] =	ssyncset.done $0x0  }
0xe8: {  	[sflag:s28] =	ssyncadd.s32 $0xFFFF3000  }
0xe9: {  	_ =	swait.ge [sflag:s23], $0x80  }
0xea: {  	[sflag:s23] =	ssyncset.done $0x0  }
0xeb: {  	[sflag:s23] =	ssyncadd.s32 $0xFFFFFF80  }
0xec: {  	_ =	swait.ge [sflag:s23], $0x80  }
0xed: {  	[sflag:s23] =	ssyncset.done $0x0  }
0xee: {  	[sflag:s23] =	ssyncadd.s32 $0xFFFFFF80  }
0xef: {  	_ =	swait.ge [sflag:s23], $0x80  }
0xf0: {  	[sflag:s23] =	ssyncset.done $0x0  }
0xf1: {  	[sflag:s23] =	ssyncadd.s32 $0xFFFFFF80  }
0xf2: {  	_ =	swait.ge [sflag:s23], $0x80  }
0xf3: {  	[sflag:s23] =	ssyncset.done $0x0  }
0xf4: {  	[sflag:s23] =	ssyncadd.s32 $0xFFFFFF80  }
0xf5: {  	_ =	swait.ge [sflag:s23], $0x80  }
0xf6: {  	[sflag:s23] =	ssyncset.done $0x0  }
0xf7: {  	[sflag:s23] =	ssyncadd.s32 $0xFFFFFF80  }
0xf8: {  	_ =	swait.ge [sflag:s23], $0x80  }
0xf9: {  	[sflag:s23] =	ssyncset.done $0x0  }
0xfa: {  	[sflag:s23] =	ssyncadd.s32 $0xFFFFFF80  }
0xfb: {  	_ =	swait.ge [sflag:s23], $0x80  }
0xfc: {  	[sflag:s23] =	ssyncset.done $0x0  }
0xfd: {  	[sflag:s23] =	ssyncadd.s32 $0xFFFFFF80  }
0xfe: {  	_ =	swait.ge [sflag:s23], $0x80  }
0xff: {  	[sflag:s23] =	ssyncset.done $0x0  }
0x100: {  	[sflag:s23] =	ssyncadd.s32 $0xFFFFFF80  }
0x101: {  	_ =	swait.ge [sflag:s23], $0x80  }
0x102: {  	[sflag:s23] =	ssyncset.done $0x0  }
0x103: {  	[sflag:s23] =	ssyncadd.s32 $0xFFFFFF80  }
0x104: {  	_ =	swait.ge [sflag:s23], $0x80  }
0x105: {  	[sflag:s23] =	ssyncset.done $0x0  }
0x106: {  	[sflag:s23] =	ssyncadd.s32 $0xFFFFFF80  }
0x107: {  	_ =	swait.ge [sflag:s23], $0x80  }
0x108: {  	[sflag:s23] =	ssyncset.done $0x0  }
0x109: {  	[sflag:s23] =	ssyncadd.s32 $0xFFFFFF80  }
0x10a: {  	_ =	swait.ge [sflag:s23], $0x80  }
0x10b: {  	[sflag:s23] =	ssyncset.done $0x0  }
0x10c: {  	[sflag:s23] =	ssyncadd.s32 $0xFFFFFF80  }
0x10d: {  	_ =	swait.ge [sflag:s23], $0x80  }
0x10e: {  	[sflag:s23] =	ssyncset.done $0x0  }
0x10f: {  	[sflag:s23] =	ssyncadd.s32 $0xFFFFFF80  }
0x110: {  	_ =	swait.ge [sflag:s23], $0x80  }
0x111: {  	[sflag:s23] =	ssyncset.done $0x0  }
0x112: {  	[sflag:s23] =	ssyncadd.s32 $0xFFFFFF80  }
0x113: {  	_ =	swait.ge [sflag:s23], $0x80  }
0x114: {  	[sflag:s23] =	ssyncset.done $0x0  }
0x115: {  	[sflag:s23] =	ssyncadd.s32 $0xFFFFFF80  }
0x116: {  	_ =	swait.ge [sflag:s23], $0x80  }
0x117: {  	[sflag:s23] =	ssyncset.done $0x0  }
0x118: {  	[sflag:s23] =	ssyncadd.s32 $0xFFFFFF80  }
0x119: {  	_ =	swait.ge [sflag:s23], $0x80  }
0x11a: {  	[sflag:s23] =	ssyncset.done $0x0  }
0x11b: {  	[sflag:s23] =	ssyncadd.s32 $0xFFFFFF80  }
0x11c: {  	_ =	swait.ge [sflag:s23], $0x80  }
0x11d: {  	[sflag:s23] =	ssyncset.done $0x0  }
0x11e: {  	[sflag:s23] =	ssyncadd.s32 $0xFFFFFF80  }
0x11f: {  	_ =	swait.ge [sflag:s23], $0x80  }
0x120: {  	[sflag:s23] =	ssyncset.done $0x0  }
0x121: {  	[sflag:s23] =	ssyncadd.s32 $0xFFFFFF80  }
0x122: {  	_ =	swait.ge [sflag:s23], $0x80  }
0x123: {  	[sflag:s23] =	ssyncset.done $0x0  }
0x124: {  	[sflag:s23] =	ssyncadd.s32 $0xFFFFFF80  }
0x125: {  	_ =	swait.ge [sflag:s23], $0x80  }
0x126: {  	[sflag:s23] =	ssyncset.done $0x0  }
0x127: {  	[sflag:s23] =	ssyncadd.s32 $0xFFFFFF80  }
0x128: {  	_ =	swait.ge [sflag:s23], $0x80  }
0x129: {  	[sflag:s23] =	ssyncset.done $0x0  }
0x12a: {  	[sflag:s23] =	ssyncadd.s32 $0xFFFFFF80  }
0x12b: {  	_ =	swait.ge [sflag:s23], $0x80  }
0x12c: {  	[sflag:s23] =	ssyncset.done $0x0  }
0x12d: {  	[sflag:s23] =	ssyncadd.s32 $0xFFFFFF80  }
0x12e: {  	_ =	swait.ge [sflag:s23], $0x80  }
0x12f: {  	[sflag:s23] =	ssyncset.done $0x0  }
0x130: {  	[sflag:s23] =	ssyncadd.s32 $0xFFFFFF80  }
0x131: {  	_ =	swait.ge [sflag:s23], $0x80  }
0x132: {  	[sflag:s23] =	ssyncset.done $0x0  }
0x133: {  	[sflag:s23] =	ssyncadd.s32 $0xFFFFFF80  }
0x134: {  	_ =	swait.ge [sflag:s23], $0x80  }
0x135: {  	v2 =	vld [tilespmem:$0x1FFA0];
	_ =	sdelay $0x1  }
0x136: {  	v3 =	vld [tilespmem:$0x1FFB0];
	_ =	sdelay $0x1  }
0x137: {  	[sflag:s23] =	ssyncset.done $0x0;
	v4 =	vld [tilespmem:$0x1FFC0]  }
0x138: {  	[sflag:s23] =	ssyncadd.s32 $0xFFFFFF80  }
0x139: {  	v1 =	vld.idx.msk [tilespmem:v0+s8+$0x0], $0xffff;
	_ =	sdelay $0x1  }
0x13a: {  	v2 =	vld.idx.msk [tilespmem:v2+s8+$0x0], $0xffff;
	_ =	sdelay $0x1  }
0x13b: {  	v3 =	vld.idx.msk [tilespmem:v3+s8+$0x0], $0xffff  }
0x13c: {  	v1 =	vadd.f32 $0.0e+00, v1  }
0x13d: {  	v4 =	vld.idx.msk [tilespmem:v4+s8+$0x0], $0xffff  }
0x13e: {  	v1 =	vadd.f32 v2, v1;
	v2 =	vld [tilespmem:$0x1FFD0];
	_ =	sdelay $0x1  }
0x13f: {  	v1 =	vadd.f32 v3, v1;
	v3 =	vld [tilespmem:$0x1FFE0];
	_ =	sdelay $0x1  }
0x140: {  	v1 =	vadd.f32 v4, v1;
	v4 =	vld [tilespmem:$0x1FFF0];
	_ =	sdelay $0x3  }
0x141: {  	v2 =	vld.idx.msk [tilespmem:v2+s8+$0x0], $0xffff;
	_ =	sdelay $0x1  }
0x142: {  	v3 =	vld.idx.msk [tilespmem:v3+s8+$0x0], $0xffff;
	_ =	sdelay $0x1  }
0x143: {  	v4 =	vld.idx.msk [tilespmem:v4+s8+$0x0], $0xffff  }
0x144: {  	v1 =	vadd.f32 v2, v1  }
0x145: {  	v2 =	vld.idx.msk [tilespmem:v7+s8+$0x0], $0xffff  }
0x146: {  	v1 =	vadd.f32 v3, v1  }
0x147: {  	v3 =	vld.idx.msk [tilespmem:v8+s8+$0x0], $0xffff  }
0x148: {  	v1 =	vadd.f32 v4, v1  }
0x149: {  	v4 =	vld.idx.msk [tilespmem:v9+s8+$0x0], $0xffff  }
0x14a: {  	v1 =	vadd.f32 v2, v1  }
0x14b: {  	v2 =	vld.idx.msk [tilespmem:v10+s8+$0x0], $0xffff  }
0x14c: {  	v1 =	vadd.f32 v3, v1  }
0x14d: {  	v3 =	vld.idx.msk [tilespmem:v11+s8+$0x0], $0xffff  }
0x14e: {  	v1 =	vadd.f32 v4, v1  }
0x14f: {  	v4 =	vld.idx.msk [tilespmem:v12+s8+$0x0], $0xffff  }
0x150: {  	v1 =	vadd.f32 v2, v1  }
0x151: {  	v2 =	vld.idx.msk [tilespmem:v13+s8+$0x0], $0xffff  }
0x152: {  	v1 =	vadd.f32 v3, v1  }
0x153: {  	v3 =	vld.idx.msk [tilespmem:v14+s8+$0x0], $0xffff  }
0x154: {  	v1 =	vadd.f32 v4, v1  }
0x155: {  	v4 =	vld.idx.msk [tilespmem:v15+s8+$0x0], $0xffff  }
0x156: {  	v1 =	vadd.f32 v2, v1  }
0x157: {  	v2 =	vld.idx.msk [tilespmem:v16+s8+$0x0], $0xffff  }
0x158: {  	v1 =	vadd.f32 v3, v1  }
0x159: {  	v3 =	vld.idx.msk [tilespmem:v17+s8+$0x0], $0xffff  }
0x15a: {  	v1 =	vadd.f32 v4, v1  }
0x15b: {  	v4 =	vld.idx.msk [tilespmem:v18+s8+$0x0], $0xffff  }
0x15c: {  	v1 =	vadd.f32 v2, v1  }
0x15d: {  	v2 =	vld.idx.msk [tilespmem:v19+s8+$0x0], $0xffff  }
0x15e: {  	v1 =	vadd.f32 v3, v1  }
0x15f: {  	v3 =	vld.idx.msk [tilespmem:v20+s8+$0x0], $0xffff  }
0x160: {  	v1 =	vadd.f32 v4, v1  }
0x161: {  	v4 =	vld.idx.msk [tilespmem:v21+s8+$0x0], $0xffff  }
0x162: {  	v1 =	vadd.f32 v2, v1  }
0x163: {  	v2 =	vld.idx.msk [tilespmem:v22+s8+$0x0], $0xffff  }
0x164: {  	v1 =	vadd.f32 v3, v1  }
0x165: {  	v3 =	vld.idx.msk [tilespmem:v23+s8+$0x0], $0xffff  }
0x166: {  	v1 =	vadd.f32 v4, v1  }
0x167: {  	v4 =	vld.idx.msk [tilespmem:v24+s8+$0x0], $0xffff  }
0x168: {  	v1 =	vadd.f32 v2, v1  }
0x169: {  	v2 =	vld.idx.msk [tilespmem:v25+s8+$0x0], $0xffff  }
0x16a: {  	v1 =	vadd.f32 v3, v1;
	_ =	sdelay $0x1  }
0x16b: {  	v1 =	vadd.f32 v4, v1;
	_ =	sdelay $0x1  }
0x16c: {  	v1 =	vadd.f32 v2, v1;
	_ =	sdelay $0x1  }
0x16d: {  	[tilespmem:$0xEA00] =	vst v1  }
0x16e: {  	v1 =	vld.idx.msk [tilespmem:v26+s8+$0x0], $0xffff;
	_ =	sdelay $0x1  }
0x16f: {  	v2 =	vld.idx.msk [tilespmem:v27+s8+$0x0], $0xffff;
	_ =	sdelay $0x1  }
0x170: {  	v3 =	vld.idx.msk [tilespmem:v28+s8+$0x0], $0xffff  }
0x171: {  	v1 =	vadd.f32 $0.0e+00, v1  }
0x172: {  	v4 =	vld.idx.msk [tilespmem:v29+s8+$0x0], $0xffff  }
0x173: {  	v1 =	vadd.f32 v2, v1  }
0x174: {  	v2 =	vld.idx.msk [tilespmem:v30+s8+$0x0], $0xffff  }
0x175: {  	v1 =	vadd.f32 v3, v1  }
0x176: {  	v3 =	vld.idx.msk [tilespmem:v31+s8+$0x0], $0xffff  }
0x177: {  	v1 =	vadd.f32 v4, v1  }
0x178: {  	v4 =	vld.idx.msk [tilespmem:v32+s8+$0x0], $0xffff  }
0x179: {  	v1 =	vadd.f32 v2, v1  }
0x17a: {  	v2 =	vld.idx.msk [tilespmem:v33+s8+$0x0], $0xffff  }
0x17b: {  	v1 =	vadd.f32 v3, v1  }
0x17c: {  	v3 =	vld.idx.msk [tilespmem:v34+s8+$0x0], $0xffff  }
0x17d: {  	v1 =	vadd.f32 v4, v1  }
0x17e: {  	v4 =	vld.idx.msk [tilespmem:v35+s8+$0x0], $0xffff  }
0x17f: {  	v1 =	vadd.f32 v2, v1  }
0x180: {  	v2 =	vld.idx.msk [tilespmem:v36+s8+$0x0], $0xffff  }
0x181: {  	v1 =	vadd.f32 v3, v1  }
0x182: {  	v3 =	vld.idx.msk [tilespmem:v37+s8+$0x0], $0xffff  }
0x183: {  	v1 =	vadd.f32 v4, v1  }
0x184: {  	v4 =	vld.idx.msk [tilespmem:v38+s8+$0x0], $0xffff  }
0x185: {  	v1 =	vadd.f32 v2, v1  }
0x186: {  	v2 =	vld.idx.msk [tilespmem:v39+s8+$0x0], $0xffff  }
0x187: {  	v1 =	vadd.f32 v3, v1  }
0x188: {  	v3 =	vld.idx.msk [tilespmem:v40+s8+$0x0], $0xffff  }
0x189: {  	v1 =	vadd.f32 v4, v1  }
0x18a: {  	v4 =	vld.idx.msk [tilespmem:v41+s8+$0x0], $0xffff  }
0x18b: {  	v1 =	vadd.f32 v2, v1  }
0x18c: {  	v2 =	vld.idx.msk [tilespmem:v42+s8+$0x0], $0xffff  }
0x18d: {  	v1 =	vadd.f32 v3, v1  }
0x18e: {  	v3 =	vld.idx.msk [tilespmem:v43+s8+$0x0], $0xffff  }
0x18f: {  	v1 =	vadd.f32 v4, v1  }
0x190: {  	v4 =	vld.idx.msk [tilespmem:v44+s8+$0x0], $0xffff  }
0x191: {  	v1 =	vadd.f32 v2, v1  }
0x192: {  	v2 =	vld.idx.msk [tilespmem:v45+s8+$0x0], $0xffff  }
0x193: {  	v1 =	vadd.f32 v3, v1  }
0x194: {  	v3 =	vld.idx.msk [tilespmem:v46+s8+$0x0], $0xffff  }
0x195: {  	v1 =	vadd.f32 v4, v1  }
0x196: {  	v4 =	vld.idx.msk [tilespmem:v47+s8+$0x0], $0xffff  }
0x197: {  	v1 =	vadd.f32 v2, v1  }
0x198: {  	v2 =	vld.idx.msk [tilespmem:v48+s8+$0x0], $0xffff  }
0x199: {  	v1 =	vadd.f32 v3, v1  }
0x19a: {  	v3 =	vld.idx.msk [tilespmem:v49+s8+$0x0], $0xffff  }
0x19b: {  	v1 =	vadd.f32 v4, v1  }
0x19c: {  	v4 =	vld.idx.msk [tilespmem:v50+s8+$0x0], $0xffff  }
0x19d: {  	v1 =	vadd.f32 v2, v1  }
0x19e: {  	v2 =	vld.idx.msk [tilespmem:v51+s8+$0x0], $0xffff  }
0x19f: {  	v1 =	vadd.f32 v3, v1;
	_ =	sdelay $0x1  }
0x1a0: {  	v1 =	vadd.f32 v4, v1;
	_ =	sdelay $0x1  }
0x1a1: {  	v1 =	vadd.f32 v2, v1;
	_ =	sdelay $0x1  }
0x1a2: {  	[tilespmem:$0xEA10] =	vst v1  }
0x1a3: {  	v1 =	vld.idx.msk [tilespmem:v52+s8+$0x0], $0xffff;
	_ =	sdelay $0x1  }
0x1a4: {  	v2 =	vld.idx.msk [tilespmem:v53+s8+$0x0], $0xffff;
	_ =	sdelay $0x1  }
0x1a5: {  	v3 =	vld.idx.msk [tilespmem:v54+s8+$0x0], $0xffff  }
0x1a6: {  	v1 =	vadd.f32 $0.0e+00, v1  }
0x1a7: {  	v4 =	vld.idx.msk [tilespmem:v55+s8+$0x0], $0xffff  }
0x1a8: {  	v1 =	vadd.f32 v2, v1  }
0x1a9: {  	v2 =	vld.idx.msk [tilespmem:v56+s8+$0x0], $0xffff  }
0x1aa: {  	v1 =	vadd.f32 v3, v1  }
0x1ab: {  	v3 =	vld.idx.msk [tilespmem:v57+s8+$0x0], $0xffff  }
0x1ac: {  	v1 =	vadd.f32 v4, v1  }
0x1ad: {  	v4 =	vld.idx.msk [tilespmem:v58+s8+$0x0], $0xffff  }
0x1ae: {  	v1 =	vadd.f32 v2, v1  }
0x1af: {  	v2 =	vld.idx.msk [tilespmem:v59+s8+$0x0], $0xffff  }
0x1b0: {  	v1 =	vadd.f32 v3, v1  }
0x1b1: {  	v3 =	vld.idx.msk [tilespmem:v60+s8+$0x0], $0xffff  }
0x1b2: {  	v1 =	vadd.f32 v4, v1  }
0x1b3: {  	v4 =	vld.idx.msk [tilespmem:v61+s8+$0x0], $0xffff  }
0x1b4: {  	v1 =	vadd.f32 v2, v1;
	v2 =	vadd.s32 $0x34C, v0  }
0x1b5: {  	v5 =	vld.idx.msk [tilespmem:v62+s8+$0x0], $0xffff  }
0x1b6: {  	v1 =	vadd.f32 v3, v1;
	v3 =	vadd.s32 $0x34D, v0  }
0x1b7: {  	v6 =	vld.idx.msk [tilespmem:v63+s8+$0x0], $0xffff  }
0x1b8: {  	v1 =	vadd.f32 v4, v1;
	v4 =	vadd.s32 $0x34E, v0  }
0x1b9: {  	v2 =	vld.idx.msk [tilespmem:v2+s8+$0x0], $0xffff  }
0x1ba: {  	v1 =	vadd.f32 v5, v1;
	v5 =	vadd.s32 $0x34F, v0  }
0x1bb: {  	v3 =	vld.idx.msk [tilespmem:v3+s8+$0x0], $0xffff  }
0x1bc: {  	v1 =	vadd.f32 v6, v1;
	v6 =	vadd.s32 $0x350, v0  }
0x1bd: {  	v4 =	vld.idx.msk [tilespmem:v4+s8+$0x0], $0xffff  }
0x1be: {  	v1 =	vadd.f32 v2, v1;
	v2 =	vadd.s32 $0x351, v0  }
0x1bf: {  	v5 =	vld.idx.msk [tilespmem:v5+s8+$0x0], $0xffff  }
0x1c0: {  	v1 =	vadd.f32 v3, v1;
	v3 =	vadd.s32 $0x352, v0  }
0x1c1: {  	v6 =	vld.idx.msk [tilespmem:v6+s8+$0x0], $0xffff  }
0x1c2: {  	v1 =	vadd.f32 v4, v1;
	v4 =	vadd.s32 $0x353, v0  }
0x1c3: {  	v2 =	vld.idx.msk [tilespmem:v2+s8+$0x0], $0xffff  }
0x1c4: {  	v1 =	vadd.f32 v5, v1;
	v5 =	vadd.s32 $0x354, v0  }
0x1c5: {  	v3 =	vld.idx.msk [tilespmem:v3+s8+$0x0], $0xffff  }
0x1c6: {  	v1 =	vadd.f32 v6, v1;
	v6 =	vadd.s32 $0x355, v0  }
0x1c7: {  	v4 =	vld.idx.msk [tilespmem:v4+s8+$0x0], $0xffff  }
0x1c8: {  	v1 =	vadd.f32 v2, v1;
	v2 =	vadd.s32 $0x356, v0  }
0x1c9: {  	v5 =	vld.idx.msk [tilespmem:v5+s8+$0x0], $0xffff  }
0x1ca: {  	v1 =	vadd.f32 v3, v1;
	v3 =	vadd.s32 $0x357, v0  }
0x1cb: {  	v6 =	vld.idx.msk [tilespmem:v6+s8+$0x0], $0xffff  }
0x1cc: {  	v1 =	vadd.f32 v4, v1;
	v4 =	vadd.s32 $0x358, v0  }
0x1cd: {  	v2 =	vld.idx.msk [tilespmem:v2+s8+$0x0], $0xffff  }
0x1ce: {  	v1 =	vadd.f32 v5, v1;
	v5 =	vadd.s32 $0x359, v0  }
0x1cf: {  	v3 =	vld.idx.msk [tilespmem:v3+s8+$0x0], $0xffff  }
0x1d0: {  	v1 =	vadd.f32 v6, v1  }
0x1d1: {  	v4 =	vld.idx.msk [tilespmem:v4+s8+$0x0], $0xffff  }
0x1d2: {  	v1 =	vadd.f32 v2, v1  }
0x1d3: {  	v2 =	vld.idx.msk [tilespmem:v5+s8+$0x0], $0xffff  }
0x1d4: {  	v1 =	vadd.f32 v3, v1;
	_ =	sdelay $0x1  }
0x1d5: {  	v3 =	vadd.s32 $0x4E0, v0;
	v1 =	vadd.f32 v4, v1;
	_ =	sdelay $0x1  }
0x1d6: {  	v1 =	vadd.f32 v2, v1;
	v2 =	vadd.s32 $0x4E1, v0;
	_ =	sdelay $0x1  }
0x1d7: {  	[tilespmem:$0xEA20] =	vst v1;
	v1 =	vadd.s32 $0x4E2, v0  }
0x1d8: {  	v3 =	vld.idx.msk [tilespmem:v3+s8+$0x0], $0xffff  }
0x1d9: {  	v4 =	vadd.s32 $0x4E3, v0  }
0x1da: {  	v2 =	vld.idx.msk [tilespmem:v2+s8+$0x0], $0xffff  }
0x1db: {  	v5 =	vadd.s32 $0x4E4, v0  }
0x1dc: {  	v1 =	vld.idx.msk [tilespmem:v1+s8+$0x0], $0xffff  }
0x1dd: {  	v6 =	vadd.s32 $0x4E5, v0;
	v3 =	vadd.f32 $0.0e+00, v3  }
0x1de: {  	v4 =	vld.idx.msk [tilespmem:v4+s8+$0x0], $0xffff  }
0x1df: {  	v2 =	vadd.f32 v2, v3;
	v3 =	vadd.s32 $0x4E6, v0  }
0x1e0: {  	v5 =	vld.idx.msk [tilespmem:v5+s8+$0x0], $0xffff  }
0x1e1: {  	v1 =	vadd.f32 v1, v2;
	v2 =	vadd.s32 $0x4E7, v0  }
0x1e2: {  	v6 =	vld.idx.msk [tilespmem:v6+s8+$0x0], $0xffff  }
0x1e3: {  	v1 =	vadd.f32 v4, v1;
	v4 =	vadd.s32 $0x4E8, v0  }
0x1e4: {  	v3 =	vld.idx.msk [tilespmem:v3+s8+$0x0], $0xffff  }
0x1e5: {  	v1 =	vadd.f32 v5, v1;
	v5 =	vadd.s32 $0x4E9, v0  }
0x1e6: {  	v2 =	vld.idx.msk [tilespmem:v2+s8+$0x0], $0xffff  }
0x1e7: {  	v1 =	vadd.f32 v6, v1;
	v6 =	vadd.s32 $0x4EA, v0  }
0x1e8: {  	v4 =	vld.idx.msk [tilespmem:v4+s8+$0x0], $0xffff  }
0x1e9: {  	v1 =	vadd.f32 v3, v1;
	v3 =	vadd.s32 $0x4EB, v0  }
0x1ea: {  	v5 =	vld.idx.msk [tilespmem:v5+s8+$0x0], $0xffff  }
0x1eb: {  	v1 =	vadd.f32 v2, v1;
	v2 =	vadd.s32 $0x4EC, v0  }
0x1ec: {  	v6 =	vld.idx.msk [tilespmem:v6+s8+$0x0], $0xffff  }
0x1ed: {  	v1 =	vadd.f32 v4, v1;
	v4 =	vadd.s32 $0x4ED, v0  }
0x1ee: {  	v3 =	vld.idx.msk [tilespmem:v3+s8+$0x0], $0xffff  }
0x1ef: {  	v1 =	vadd.f32 v5, v1;
	v5 =	vadd.s32 $0x4EE, v0  }
0x1f0: {  	v2 =	vld.idx.msk [tilespmem:v2+s8+$0x0], $0xffff  }
0x1f1: {  	v1 =	vadd.f32 v6, v1;
	v6 =	vadd.s32 $0x4EF, v0  }
0x1f2: {  	v4 =	vld.idx.msk [tilespmem:v4+s8+$0x0], $0xffff  }
0x1f3: {  	v1 =	vadd.f32 v3, v1;
	v3 =	vadd.s32 $0x4F0, v0  }
0x1f4: {  	v5 =	vld.idx.msk [tilespmem:v5+s8+$0x0], $0xffff  }
0x1f5: {  	v1 =	vadd.f32 v2, v1;
	v2 =	vadd.s32 $0x4F1, v0  }
0x1f6: {  	v6 =	vld.idx.msk [tilespmem:v6+s8+$0x0], $0xffff  }
0x1f7: {  	v1 =	vadd.f32 v4, v1;
	v4 =	vadd.s32 $0x4F2, v0  }
0x1f8: {  	v3 =	vld.idx.msk [tilespmem:v3+s8+$0x0], $0xffff  }
0x1f9: {  	v1 =	vadd.f32 v5, v1;
	v5 =	vadd.s32 $0x4F3, v0  }
0x1fa: {  	v2 =	vld.idx.msk [tilespmem:v2+s8+$0x0], $0xffff  }
0x1fb: {  	v1 =	vadd.f32 v6, v1;
	v6 =	vadd.s32 $0x4F4, v0  }
0x1fc: {  	v4 =	vld.idx.msk [tilespmem:v4+s8+$0x0], $0xffff  }
0x1fd: {  	v1 =	vadd.f32 v3, v1;
	v3 =	vadd.s32 $0x4F5, v0  }
0x1fe: {  	v5 =	vld.idx.msk [tilespmem:v5+s8+$0x0], $0xffff  }
0x1ff: {  	v1 =	vadd.f32 v2, v1;
	v2 =	vadd.s32 $0x4F6, v0  }
0x200: {  	v6 =	vld.idx.msk [tilespmem:v6+s8+$0x0], $0xffff  }
0x201: {  	v1 =	vadd.f32 v4, v1;
	v4 =	vadd.s32 $0x4F7, v0  }
0x202: {  	v3 =	vld.idx.msk [tilespmem:v3+s8+$0x0], $0xffff  }
0x203: {  	v1 =	vadd.f32 v5, v1;
	v5 =	vadd.s32 $0x4F8, v0  }
0x204: {  	v2 =	vld.idx.msk [tilespmem:v2+s8+$0x0], $0xffff  }
0x205: {  	v1 =	vadd.f32 v6, v1;
	v6 =	vadd.s32 $0x4F9, v0  }
0x206: {  	v4 =	vld.idx.msk [tilespmem:v4+s8+$0x0], $0xffff  }
0x207: {  	v1 =	vadd.f32 v3, v1  }
0x208: {  	v3 =	vld.idx.msk [tilespmem:v5+s8+$0x0], $0xffff  }
0x209: {  	v1 =	vadd.f32 v2, v1  }
0x20a: {  	v2 =	vld.idx.msk [tilespmem:v6+s8+$0x0], $0xffff  }
0x20b: {  	v1 =	vadd.f32 v4, v1;
	_ =	sdelay $0x1  }
0x20c: {  	v1 =	vadd.f32 v3, v1;
	v3 =	vadd.s32 $0x680, v0;
	_ =	sdelay $0x1  }
0x20d: {  	v1 =	vadd.f32 v2, v1;
	v2 =	vadd.s32 $0x681, v0;
	_ =	sdelay $0x1  }
0x20e: {  	[tilespmem:$0xEA30] =	vst v1;
	v1 =	vadd.s32 $0x682, v0  }
0x20f: {  	v3 =	vld.idx.msk [tilespmem:v3+s8+$0x0], $0xffff  }
0x210: {  	v4 =	vadd.s32 $0x683, v0  }
0x211: {  	v2 =	vld.idx.msk [tilespmem:v2+s8+$0x0], $0xffff  }
0x212: {  	v5 =	vadd.s32 $0x684, v0  }
0x213: {  	v1 =	vld.idx.msk [tilespmem:v1+s8+$0x0], $0xffff  }
0x214: {  	v6 =	vadd.s32 $0x685, v0;
	v3 =	vadd.f32 $0.0e+00, v3  }
0x215: {  	v4 =	vld.idx.msk [tilespmem:v4+s8+$0x0], $0xffff  }
0x216: {  	v2 =	vadd.f32 v2, v3;
	v3 =	vadd.s32 $0x686, v0  }
0x217: {  	v5 =	vld.idx.msk [tilespmem:v5+s8+$0x0], $0xffff  }
0x218: {  	v1 =	vadd.f32 v1, v2;
	v2 =	vadd.s32 $0x687, v0  }
0x219: {  	v6 =	vld.idx.msk [tilespmem:v6+s8+$0x0], $0xffff  }
0x21a: {  	v1 =	vadd.f32 v4, v1;
	v4 =	vadd.s32 $0x688, v0  }
0x21b: {  	v3 =	vld.idx.msk [tilespmem:v3+s8+$0x0], $0xffff  }
0x21c: {  	v1 =	vadd.f32 v5, v1;
	v5 =	vadd.s32 $0x689, v0  }
0x21d: {  	v2 =	vld.idx.msk [tilespmem:v2+s8+$0x0], $0xffff  }
0x21e: {  	v1 =	vadd.f32 v6, v1;
	v6 =	vadd.s32 $0x68A, v0  }
0x21f: {  	v4 =	vld.idx.msk [tilespmem:v4+s8+$0x0], $0xffff  }
0x220: {  	v1 =	vadd.f32 v3, v1;
	v3 =	vadd.s32 $0x68B, v0  }
0x221: {  	v5 =	vld.idx.msk [tilespmem:v5+s8+$0x0], $0xffff  }
0x222: {  	v1 =	vadd.f32 v2, v1;
	v2 =	vadd.s32 $0x68C, v0  }
0x223: {  	v6 =	vld.idx.msk [tilespmem:v6+s8+$0x0], $0xffff  }
0x224: {  	v1 =	vadd.f32 v4, v1;
	v4 =	vadd.s32 $0x68D, v0  }
0x225: {  	v3 =	vld.idx.msk [tilespmem:v3+s8+$0x0], $0xffff  }
0x226: {  	v1 =	vadd.f32 v5, v1;
	v5 =	vadd.s32 $0x68E, v0  }
0x227: {  	v2 =	vld.idx.msk [tilespmem:v2+s8+$0x0], $0xffff  }
0x228: {  	v1 =	vadd.f32 v6, v1;
	v6 =	vadd.s32 $0x68F, v0  }
0x229: {  	v4 =	vld.idx.msk [tilespmem:v4+s8+$0x0], $0xffff  }
0x22a: {  	v1 =	vadd.f32 v3, v1;
	v3 =	vadd.s32 $0x690, v0  }
0x22b: {  	v5 =	vld.idx.msk [tilespmem:v5+s8+$0x0], $0xffff  }
0x22c: {  	v1 =	vadd.f32 v2, v1;
	v2 =	vadd.s32 $0x691, v0  }
0x22d: {  	v6 =	vld.idx.msk [tilespmem:v6+s8+$0x0], $0xffff  }
0x22e: {  	v1 =	vadd.f32 v4, v1;
	v4 =	vadd.s32 $0x692, v0  }
0x22f: {  	v3 =	vld.idx.msk [tilespmem:v3+s8+$0x0], $0xffff  }
0x230: {  	v1 =	vadd.f32 v5, v1;
	v5 =	vadd.s32 $0x693, v0  }
0x231: {  	v2 =	vld.idx.msk [tilespmem:v2+s8+$0x0], $0xffff  }
0x232: {  	v1 =	vadd.f32 v6, v1;
	v6 =	vadd.s32 $0x694, v0  }
0x233: {  	v4 =	vld.idx.msk [tilespmem:v4+s8+$0x0], $0xffff  }
0x234: {  	v1 =	vadd.f32 v3, v1;
	v3 =	vadd.s32 $0x695, v0  }
0x235: {  	v5 =	vld.idx.msk [tilespmem:v5+s8+$0x0], $0xffff  }
0x236: {  	v1 =	vadd.f32 v2, v1;
	v2 =	vadd.s32 $0x696, v0  }
0x237: {  	v6 =	vld.idx.msk [tilespmem:v6+s8+$0x0], $0xffff  }
0x238: {  	v1 =	vadd.f32 v4, v1;
	v4 =	vadd.s32 $0x697, v0  }
0x239: {  	v3 =	vld.idx.msk [tilespmem:v3+s8+$0x0], $0xffff  }
0x23a: {  	v1 =	vadd.f32 v5, v1;
	v5 =	vadd.s32 $0x698, v0  }
0x23b: {  	v2 =	vld.idx.msk [tilespmem:v2+s8+$0x0], $0xffff  }
0x23c: {  	v1 =	vadd.f32 v6, v1;
	v6 =	vadd.s32 $0x699, v0  }
0x23d: {  	v4 =	vld.idx.msk [tilespmem:v4+s8+$0x0], $0xffff  }
0x23e: {  	v1 =	vadd.f32 v3, v1  }
0x23f: {  	v3 =	vld.idx.msk [tilespmem:v5+s8+$0x0], $0xffff  }
0x240: {  	v1 =	vadd.f32 v2, v1  }
0x241: {  	v2 =	vld.idx.msk [tilespmem:v6+s8+$0x0], $0xffff  }
0x242: {  	v1 =	vadd.f32 v4, v1;
	_ =	sdelay $0x1  }
0x243: {  	v1 =	vadd.f32 v3, v1;
	v3 =	vadd.s32 $0x820, v0;
	_ =	sdelay $0x1  }
0x244: {  	v1 =	vadd.f32 v2, v1;
	v2 =	vadd.s32 $0x821, v0;
	_ =	sdelay $0x1  }
0x245: {  	[tilespmem:$0xEA40] =	vst v1;
	v1 =	vadd.s32 $0x822, v0  }
0x246: {  	v3 =	vld.idx.msk [tilespmem:v3+s8+$0x0], $0xffff  }
0x247: {  	v4 =	vadd.s32 $0x823, v0  }
0x248: {  	v2 =	vld.idx.msk [tilespmem:v2+s8+$0x0], $0xffff  }
0x249: {  	v5 =	vadd.s32 $0x824, v0  }
0x24a: {  	v1 =	vld.idx.msk [tilespmem:v1+s8+$0x0], $0xffff  }
0x24b: {  	v6 =	vadd.s32 $0x825, v0;
	v3 =	vadd.f32 $0.0e+00, v3  }
0x24c: {  	v4 =	vld.idx.msk [tilespmem:v4+s8+$0x0], $0xffff  }
0x24d: {  	v2 =	vadd.f32 v2, v3;
	v3 =	vadd.s32 $0x826, v0  }
0x24e: {  	v5 =	vld.idx.msk [tilespmem:v5+s8+$0x0], $0xffff  }
0x24f: {  	v1 =	vadd.f32 v1, v2;
	v2 =	vadd.s32 $0x827, v0  }
0x250: {  	v6 =	vld.idx.msk [tilespmem:v6+s8+$0x0], $0xffff  }
0x251: {  	v1 =	vadd.f32 v4, v1;
	v4 =	vadd.s32 $0x828, v0  }
0x252: {  	v3 =	vld.idx.msk [tilespmem:v3+s8+$0x0], $0xffff  }
0x253: {  	v1 =	vadd.f32 v5, v1;
	v5 =	vadd.s32 $0x829, v0  }
0x254: {  	v2 =	vld.idx.msk [tilespmem:v2+s8+$0x0], $0xffff  }
0x255: {  	v1 =	vadd.f32 v6, v1;
	v6 =	vadd.s32 $0x82A, v0  }
0x256: {  	v4 =	vld.idx.msk [tilespmem:v4+s8+$0x0], $0xffff  }
0x257: {  	v1 =	vadd.f32 v3, v1;
	v3 =	vadd.s32 $0x82B, v0  }
0x258: {  	v5 =	vld.idx.msk [tilespmem:v5+s8+$0x0], $0xffff  }
0x259: {  	v1 =	vadd.f32 v2, v1;
	v2 =	vadd.s32 $0x82C, v0  }
0x25a: {  	v6 =	vld.idx.msk [tilespmem:v6+s8+$0x0], $0xffff  }
0x25b: {  	v1 =	vadd.f32 v4, v1;
	v4 =	vadd.s32 $0x82D, v0  }
0x25c: {  	v3 =	vld.idx.msk [tilespmem:v3+s8+$0x0], $0xffff  }
0x25d: {  	v1 =	vadd.f32 v5, v1;
	v5 =	vadd.s32 $0x82E, v0  }
0x25e: {  	v2 =	vld.idx.msk [tilespmem:v2+s8+$0x0], $0xffff  }
0x25f: {  	v1 =	vadd.f32 v6, v1;
	v6 =	vadd.s32 $0x82F, v0  }
0x260: {  	v4 =	vld.idx.msk [tilespmem:v4+s8+$0x0], $0xffff  }
0x261: {  	v1 =	vadd.f32 v3, v1;
	v3 =	vadd.s32 $0x830, v0  }
0x262: {  	v5 =	vld.idx.msk [tilespmem:v5+s8+$0x0], $0xffff  }
0x263: {  	v1 =	vadd.f32 v2, v1;
	v2 =	vadd.s32 $0x831, v0  }
0x264: {  	v6 =	vld.idx.msk [tilespmem:v6+s8+$0x0], $0xffff  }
0x265: {  	v1 =	vadd.f32 v4, v1;
	v4 =	vadd.s32 $0x832, v0  }
0x266: {  	v3 =	vld.idx.msk [tilespmem:v3+s8+$0x0], $0xffff  }
0x267: {  	v1 =	vadd.f32 v5, v1;
	v5 =	vadd.s32 $0x833, v0  }
0x268: {  	v2 =	vld.idx.msk [tilespmem:v2+s8+$0x0], $0xffff  }
0x269: {  	v1 =	vadd.f32 v6, v1;
	v6 =	vadd.s32 $0x834, v0  }
0x26a: {  	v4 =	vld.idx.msk [tilespmem:v4+s8+$0x0], $0xffff  }
0x26b: {  	v1 =	vadd.f32 v3, v1;
	v3 =	vadd.s32 $0x835, v0  }
0x26c: {  	v5 =	vld.idx.msk [tilespmem:v5+s8+$0x0], $0xffff  }
0x26d: {  	v1 =	vadd.f32 v2, v1;
	v2 =	vadd.s32 $0x836, v0  }
0x26e: {  	v6 =	vld.idx.msk [tilespmem:v6+s8+$0x0], $0xffff  }
0x26f: {  	v1 =	vadd.f32 v4, v1;
	v4 =	vadd.s32 $0x837, v0  }
0x270: {  	v3 =	vld.idx.msk [tilespmem:v3+s8+$0x0], $0xffff  }
0x271: {  	v1 =	vadd.f32 v5, v1;
	v5 =	vadd.s32 $0x838, v0  }
0x272: {  	v2 =	vld.idx.msk [tilespmem:v2+s8+$0x0], $0xffff  }
0x273: {  	v1 =	vadd.f32 v6, v1;
	v6 =	vadd.s32 $0x839, v0  }
0x274: {  	v4 =	vld.idx.msk [tilespmem:v4+s8+$0x0], $0xffff  }
0x275: {  	v1 =	vadd.f32 v3, v1  }
0x276: {  	v3 =	vld.idx.msk [tilespmem:v5+s8+$0x0], $0xffff  }
0x277: {  	v1 =	vadd.f32 v2, v1  }
0x278: {  	v2 =	vld.idx.msk [tilespmem:v6+s8+$0x0], $0xffff  }
0x279: {  	v1 =	vadd.f32 v4, v1;
	_ =	sdelay $0x1  }
0x27a: {  	v1 =	vadd.f32 v3, v1;
	v3 =	vadd.s32 $0x9C0, v0;
	_ =	sdelay $0x1  }
0x27b: {  	v1 =	vadd.f32 v2, v1;
	v2 =	vadd.s32 $0x9C1, v0;
	_ =	sdelay $0x1  }
0x27c: {  	[tilespmem:$0xEA50] =	vst v1;
	v1 =	vadd.s32 $0x9C2, v0  }
0x27d: {  	v3 =	vld.idx.msk [tilespmem:v3+s8+$0x0], $0xffff  }
0x27e: {  	v4 =	vadd.s32 $0x9C3, v0  }
0x27f: {  	v2 =	vld.idx.msk [tilespmem:v2+s8+$0x0], $0xffff  }
0x280: {  	v5 =	vadd.s32 $0x9C4, v0  }
0x281: {  	v1 =	vld.idx.msk [tilespmem:v1+s8+$0x0], $0xffff  }
0x282: {  	v6 =	vadd.s32 $0x9C5, v0;
	v3 =	vadd.f32 $0.0e+00, v3  }
0x283: {  	v4 =	vld.idx.msk [tilespmem:v4+s8+$0x0], $0xffff  }
0x284: {  	v2 =	vadd.f32 v2, v3;
	v3 =	vadd.s32 $0x9C6, v0  }
0x285: {  	v5 =	vld.idx.msk [tilespmem:v5+s8+$0x0], $0xffff  }
0x286: {  	v1 =	vadd.f32 v1, v2;
	v2 =	vadd.s32 $0x9C7, v0  }
0x287: {  	v6 =	vld.idx.msk [tilespmem:v6+s8+$0x0], $0xffff  }
0x288: {  	v1 =	vadd.f32 v4, v1;
	v4 =	vadd.s32 $0x9C8, v0  }
0x289: {  	v3 =	vld.idx.msk [tilespmem:v3+s8+$0x0], $0xffff  }
0x28a: {  	v1 =	vadd.f32 v5, v1;
	v5 =	vadd.s32 $0x9C9, v0  }
0x28b: {  	v2 =	vld.idx.msk [tilespmem:v2+s8+$0x0], $0xffff  }
0x28c: {  	v1 =	vadd.f32 v6, v1;
	v6 =	vadd.s32 $0x9CA, v0  }
0x28d: {  	v4 =	vld.idx.msk [tilespmem:v4+s8+$0x0], $0xffff  }
0x28e: {  	v1 =	vadd.f32 v3, v1;
	v3 =	vadd.s32 $0x9CB, v0  }
0x28f: {  	v5 =	vld.idx.msk [tilespmem:v5+s8+$0x0], $0xffff  }
0x290: {  	v1 =	vadd.f32 v2, v1;
	v2 =	vadd.s32 $0x9CC, v0  }
0x291: {  	v6 =	vld.idx.msk [tilespmem:v6+s8+$0x0], $0xffff  }
0x292: {  	v1 =	vadd.f32 v4, v1;
	v4 =	vadd.s32 $0x9CD, v0  }
0x293: {  	v3 =	vld.idx.msk [tilespmem:v3+s8+$0x0], $0xffff  }
0x294: {  	v1 =	vadd.f32 v5, v1;
	v5 =	vadd.s32 $0x9CE, v0  }
0x295: {  	v2 =	vld.idx.msk [tilespmem:v2+s8+$0x0], $0xffff  }
0x296: {  	v1 =	vadd.f32 v6, v1;
	v6 =	vadd.s32 $0x9CF, v0  }
0x297: {  	v4 =	vld.idx.msk [tilespmem:v4+s8+$0x0], $0xffff  }
0x298: {  	v1 =	vadd.f32 v3, v1;
	v3 =	vadd.s32 $0x9D0, v0  }
0x299: {  	v5 =	vld.idx.msk [tilespmem:v5+s8+$0x0], $0xffff  }
0x29a: {  	v1 =	vadd.f32 v2, v1;
	v2 =	vadd.s32 $0x9D1, v0  }
0x29b: {  	v6 =	vld.idx.msk [tilespmem:v6+s8+$0x0], $0xffff  }
0x29c: {  	v1 =	vadd.f32 v4, v1;
	v4 =	vadd.s32 $0x9D2, v0  }
0x29d: {  	v3 =	vld.idx.msk [tilespmem:v3+s8+$0x0], $0xffff  }
0x29e: {  	v1 =	vadd.f32 v5, v1;
	v5 =	vadd.s32 $0x9D3, v0  }
0x29f: {  	v2 =	vld.idx.msk [tilespmem:v2+s8+$0x0], $0xffff  }
0x2a0: {  	v1 =	vadd.f32 v6, v1;
	v6 =	vadd.s32 $0x9D4, v0  }
0x2a1: {  	v4 =	vld.idx.msk [tilespmem:v4+s8+$0x0], $0xffff  }
0x2a2: {  	v1 =	vadd.f32 v3, v1;
	v3 =	vadd.s32 $0x9D5, v0  }
0x2a3: {  	v5 =	vld.idx.msk [tilespmem:v5+s8+$0x0], $0xffff  }
0x2a4: {  	v1 =	vadd.f32 v2, v1;
	v2 =	vadd.s32 $0x9D6, v0  }
0x2a5: {  	v6 =	vld.idx.msk [tilespmem:v6+s8+$0x0], $0xffff  }
0x2a6: {  	v1 =	vadd.f32 v4, v1;
	v4 =	vadd.s32 $0x9D7, v0  }
0x2a7: {  	v3 =	vld.idx.msk [tilespmem:v3+s8+$0x0], $0xffff  }
0x2a8: {  	v1 =	vadd.f32 v5, v1;
	v5 =	vadd.s32 $0x9D8, v0  }
0x2a9: {  	v2 =	vld.idx.msk [tilespmem:v2+s8+$0x0], $0xffff  }
0x2aa: {  	v1 =	vadd.f32 v6, v1;
	v6 =	vadd.s32 $0x9D9, v0  }
0x2ab: {  	v4 =	vld.idx.msk [tilespmem:v4+s8+$0x0], $0xffff  }
0x2ac: {  	v1 =	vadd.f32 v3, v1  }
0x2ad: {  	v3 =	vld.idx.msk [tilespmem:v5+s8+$0x0], $0xffff  }
0x2ae: {  	v1 =	vadd.f32 v2, v1  }
0x2af: {  	v2 =	vld.idx.msk [tilespmem:v6+s8+$0x0], $0xffff  }
0x2b0: {  	v1 =	vadd.f32 v4, v1;
	_ =	sdelay $0x1  }
0x2b1: {  	v1 =	vadd.f32 v3, v1;
	v3 =	vadd.s32 $0xB60, v0;
	_ =	sdelay $0x1  }
0x2b2: {  	v1 =	vadd.f32 v2, v1;
	v2 =	vadd.s32 $0xB61, v0;
	_ =	sdelay $0x1  }
0x2b3: {  	[tilespmem:$0xEA60] =	vst v1;
	v1 =	vadd.s32 $0xB62, v0  }
0x2b4: {  	v3 =	vld.idx.msk [tilespmem:v3+s8+$0x0], $0xffff  }
0x2b5: {  	v4 =	vadd.s32 $0xB63, v0  }
0x2b6: {  	v2 =	vld.idx.msk [tilespmem:v2+s8+$0x0], $0xffff  }
0x2b7: {  	v5 =	vadd.s32 $0xB64, v0  }
0x2b8: {  	v1 =	vld.idx.msk [tilespmem:v1+s8+$0x0], $0xffff  }
0x2b9: {  	v6 =	vadd.s32 $0xB65, v0;
	v3 =	vadd.f32 $0.0e+00, v3  }
0x2ba: {  	v4 =	vld.idx.msk [tilespmem:v4+s8+$0x0], $0xffff  }
0x2bb: {  	v2 =	vadd.f32 v2, v3;
	v3 =	vadd.s32 $0xB66, v0  }
0x2bc: {  	v5 =	vld.idx.msk [tilespmem:v5+s8+$0x0], $0xffff  }
0x2bd: {  	v1 =	vadd.f32 v1, v2;
	v2 =	vadd.s32 $0xB67, v0  }
0x2be: {  	v6 =	vld.idx.msk [tilespmem:v6+s8+$0x0], $0xffff  }
0x2bf: {  	v1 =	vadd.f32 v4, v1;
	v4 =	vadd.s32 $0xB68, v0  }
0x2c0: {  	v3 =	vld.idx.msk [tilespmem:v3+s8+$0x0], $0xffff  }
0x2c1: {  	v1 =	vadd.f32 v5, v1;
	v5 =	vadd.s32 $0xB69, v0  }
0x2c2: {  	v2 =	vld.idx.msk [tilespmem:v2+s8+$0x0], $0xffff  }
0x2c3: {  	v1 =	vadd.f32 v6, v1;
	v6 =	vadd.s32 $0xB6A, v0  }
0x2c4: {  	v4 =	vld.idx.msk [tilespmem:v4+s8+$0x0], $0xffff  }
0x2c5: {  	v1 =	vadd.f32 v3, v1;
	v3 =	vadd.s32 $0xB6B, v0  }
0x2c6: {  	v5 =	vld.idx.msk [tilespmem:v5+s8+$0x0], $0xffff  }
0x2c7: {  	v1 =	vadd.f32 v2, v1;
	v2 =	vadd.s32 $0xB6C, v0  }
0x2c8: {  	v6 =	vld.idx.msk [tilespmem:v6+s8+$0x0], $0xffff  }
0x2c9: {  	v1 =	vadd.f32 v4, v1;
	v4 =	vadd.s32 $0xB6D, v0  }
0x2ca: {  	v3 =	vld.idx.msk [tilespmem:v3+s8+$0x0], $0xffff  }
0x2cb: {  	v1 =	vadd.f32 v5, v1;
	v5 =	vadd.s32 $0xB6E, v0  }
0x2cc: {  	v2 =	vld.idx.msk [tilespmem:v2+s8+$0x0], $0xffff  }
0x2cd: {  	v1 =	vadd.f32 v6, v1;
	v6 =	vadd.s32 $0xB6F, v0  }
0x2ce: {  	v4 =	vld.idx.msk [tilespmem:v4+s8+$0x0], $0xffff  }
0x2cf: {  	v1 =	vadd.f32 v3, v1;
	v3 =	vadd.s32 $0xB70, v0  }
0x2d0: {  	v5 =	vld.idx.msk [tilespmem:v5+s8+$0x0], $0xffff  }
0x2d1: {  	v1 =	vadd.f32 v2, v1;
	v2 =	vadd.s32 $0xB71, v0  }
0x2d2: {  	v6 =	vld.idx.msk [tilespmem:v6+s8+$0x0], $0xffff  }
0x2d3: {  	v1 =	vadd.f32 v4, v1;
	v4 =	vadd.s32 $0xB72, v0  }
0x2d4: {  	v3 =	vld.idx.msk [tilespmem:v3+s8+$0x0], $0xffff  }
0x2d5: {  	v1 =	vadd.f32 v5, v1;
	v5 =	vadd.s32 $0xB73, v0  }
0x2d6: {  	v2 =	vld.idx.msk [tilespmem:v2+s8+$0x0], $0xffff  }
0x2d7: {  	v1 =	vadd.f32 v6, v1;
	v6 =	vadd.s32 $0xB74, v0  }
0x2d8: {  	v4 =	vld.idx.msk [tilespmem:v4+s8+$0x0], $0xffff  }
0x2d9: {  	v1 =	vadd.f32 v3, v1;
	v3 =	vadd.s32 $0xB75, v0  }
0x2da: {  	v5 =	vld.idx.msk [tilespmem:v5+s8+$0x0], $0xffff  }
0x2db: {  	v1 =	vadd.f32 v2, v1;
	v2 =	vadd.s32 $0xB76, v0  }
0x2dc: {  	v6 =	vld.idx.msk [tilespmem:v6+s8+$0x0], $0xffff  }
0x2dd: {  	v1 =	vadd.f32 v4, v1;
	v4 =	vadd.s32 $0xB77, v0  }
0x2de: {  	v3 =	vld.idx.msk [tilespmem:v3+s8+$0x0], $0xffff  }
0x2df: {  	v1 =	vadd.f32 v5, v1;
	v5 =	vadd.s32 $0xB78, v0  }
0x2e0: {  	v2 =	vld.idx.msk [tilespmem:v2+s8+$0x0], $0xffff  }
0x2e1: {  	v1 =	vadd.f32 v6, v1;
	v6 =	vadd.s32 $0xB79, v0  }
0x2e2: {  	v4 =	vld.idx.msk [tilespmem:v4+s8+$0x0], $0xffff  }
0x2e3: {  	v1 =	vadd.f32 v3, v1  }
0x2e4: {  	v3 =	vld.idx.msk [tilespmem:v5+s8+$0x0], $0xffff  }
0x2e5: {  	v1 =	vadd.f32 v2, v1  }
0x2e6: {  	v2 =	vld.idx.msk [tilespmem:v6+s8+$0x0], $0xffff  }
0x2e7: {  	v1 =	vadd.f32 v4, v1;
	_ =	sdelay $0x1  }
0x2e8: {  	v1 =	vadd.f32 v3, v1;
	_ =	sdelay $0x1  }
0x2e9: {  	s31 =	sld [smem:$0x7FD];
	v1 =	vadd.f32 v2, v1  }
0x2ea: {  	p0 =	sne.s32 s2, $0x1;
	s26 =	simm.s32 $0x0  }
.Ltmp0:
0x2eb: {  	s29 =	simm.s32 $0x3;
	s30 =	rddreg [dreg:$0x8];
	[tilespmem:$0xEA70] =	vst v1;
	(pc) =	sbr.rel @p0 .LBB2_1-.Ltmp0, $4  }
0x2ec: {  	[hbm4b:s30+s26] =	stream.linear.scatter [tilespmem:s31], [sflag:$0x3], $0x80, $0x38;
	[tilespmem:$0xEA80] =	vst v63  }
0x2ed: {  	_ =	swait.ge [sflag:s29], $0x80  }
0x2ee: {  	[sflag:s29] =	ssyncset.done $0x0  }
0x2ef: {  	s2 =	sadd.s32 $0xFFFFFFFF, s2;
	[sflag:s29] =	ssyncadd.s32 $0xFFFFFF80  }
0x2f0: {  	_ =	sfence.sel $0x180000  }
0x2f1: {  	[bflag:$0x0] =	sbarrier.arrive $0xFFFF  }
0x2f2: {  	_ =	strace $0x90000047  }
0x2f3: {  	s0 =	stileid.u32;
	[bflag:$0x2] =	sbarrier.arrive $0xFFFF  }
0x2f4: {  	p0 =	sne.s32 s0, $0x0;
	s0 =	rddreg [dreg:$0x4]  }
0x2f5: {  	s0 =	sadd.s32 @!p0 $0x100000, s0  }
0x2f6: {  	[sflag:s0] =	ssyncadd.tile.s32 @!p0 $0x1;
	_ =	shalt  }
.Lfunc_end2:
_tile_overlayer_lowered:
.L_overlay_start_2:
0x2f7: {  	(tag) =	ssettag $0x2  }
0x2f8: {  	s0 =	rddreg [dreg:$0x0];
	s2 =	stileid.u32  }
0x2f9: {  	s1 =	rddreg [dreg:$0x1];
	p0 =	sne.s32 s2, $0x0  }
0x2fa: {  	s3 =	rddreg [dreg:$0x2];
	[bflag:$0x3] =	sbarrier.arrive $0xFFFF;
	s2 =	simm.s32 @!p0 $0x1C03  }
0x2fb: {  	[timem:s3], [sflag:s2] =	dma.local @!p0 [hbm:s0], s1  }
0x2fc: {  	s0 =	simm.s32 @!p0 $0x3  }
0x2fd: {  	_ =	swait.ge @!p0 [sflag:s0], s1  }
0x2fe: {  	s1 =	ssub.s32 @!p0 $0x0, s1;
	[sflag:s0] =	ssyncset.done @!p0 $0x0  }
0x2ff: {  	[sflag:s0] =	ssyncadd.s32 @!p0 s1  }
0x300: {  	[bflag:$0x3] =	sbarrier.arrive $0xFFFF  }
0x301: {  	_ =	shalt  }

</sc_bundles>
